<compile_context>
chip_gen: v7x
topology: tpu7x:2x2x1
jax: 0.10.2.dev20260603
libtpu: 0.0.44.dev20260713+nightly
codegen_flags: <defaults>
</compile_context>

<pallas_src>
import functools

import jax
import jax.numpy as jnp
from jax import lax
from jax.experimental import pallas as pl
from jax.experimental.pallas import tpu as pltpu
from jax.experimental.pallas import tpu_sc as plsc

_N = 10000
_B = 64
_LAT = 128
_NC = 2
_NS = 16



def _sc_gather_body(src_h, tar_h, mem_h, dtf_h,
                    mem_s_o, mem_t_o, dt_s_o, dt_t_o,
                    idx_v, flat_v, rows_v, sem):
    wid = lax.axis_index("c") * _NS + lax.axis_index("s")
    grp = wid // 4
    base = pl.multiple_of((wid % 4) * 16, 16)

    def row_gather(idx_src, table, out):
        pltpu.sync_copy(idx_src.at[pl.ds(base, 16)], idx_v)
        pltpu.async_copy(table.at[idx_v], rows_v, sem).wait()
        pltpu.sync_copy(rows_v, out.at[pl.ds(base, 16)])

    def flat_gather(idx_src, table, out):
        pltpu.sync_copy(idx_src.at[pl.ds(base, 16)], idx_v)
        bvec = lax.iota(jnp.int32, 16) + base
        flat_v[...] = idx_v[...] + bvec * _N
        pltpu.async_copy(table.at[flat_v], rows_v, sem).wait()
        pltpu.sync_copy(rows_v, out.at[pl.ds(base, 16)])

    @pl.when(grp == 0)
    def _():
        row_gather(src_h, mem_h, mem_s_o)

    @pl.when(grp == 1)
    def _():
        row_gather(tar_h, mem_h, mem_t_o)

    @pl.when(grp == 2)
    def _():
        flat_gather(src_h, dtf_h, dt_s_o)

    @pl.when(grp == 3)
    def _():
        flat_gather(tar_h, dtf_h, dt_t_o)


@functools.lru_cache(maxsize=1)
def _sc_gather_kernel():
    return pl.kernel(
        _sc_gather_body,
        out_type=(
            jax.ShapeDtypeStruct((_B, _LAT), jnp.float32),
            jax.ShapeDtypeStruct((_B, _LAT), jnp.float32),
            jax.ShapeDtypeStruct((_B, _LAT), jnp.float32),
            jax.ShapeDtypeStruct((_B, _LAT), jnp.float32),
        ),
        mesh=plsc.VectorSubcoreMesh(
            core_axis_name="c", subcore_axis_name="s",
            num_cores=_NC, num_subcores=_NS),
        scratch_types=[
            pltpu.VMEM((16,), jnp.int32),
            pltpu.VMEM((16,), jnp.int32),
            pltpu.VMEM((16, _LAT), jnp.float32),
            pltpu.SemaphoreType.DMA,
        ],
    )



def _dotT(a, b):
    return lax.dot_general(a, b, (((1,), (1,)), ((), ())),
                           preferred_element_type=jnp.float32,
                           precision=lax.Precision.DEFAULT)


def _dot(a, b):
    return lax.dot_general(a, b, (((1,), (0,)), ((), ())),
                           preferred_element_type=jnp.float32,
                           precision=lax.Precision.DEFAULT)


def _dense_body(mem_s, mem_t, dt_s, dt_t, x2,
                src_r, tar_r, src_sm, tar_sm,
                w1s, b1s, w2s, b2s, w1t, b1t, w2t, b2t,
                wih, whh, bih, bhh,
                base_any, out_any,
                new_rows, sem):
    def mlp(a, b, dt, xcol, w1, b1, w2, b2):
        h = (_dot(a, w1[0:_LAT]) + _dot(b, w1[_LAT:2 * _LAT])
             + _dot(dt, w1[2 * _LAT:3 * _LAT])
             + _dot(xcol, w1[3 * _LAT:3 * _LAT + 1]) + b1[...])
        return _dotT(jnp.maximum(h, 0.0), w2[...]) + b2[...]

    i64a = lax.broadcasted_iota(jnp.int32, (_B, _B), 0)
    i64b = lax.broadcasted_iota(jnp.int32, (_B, _B), 1)
    eye64 = (i64a == i64b).astype(jnp.float32)
    src_col = _dotT(eye64, src_r[...].astype(jnp.float32))
    tar_col = _dotT(eye64, tar_r[...].astype(jnp.float32))
    nf = lax.broadcasted_iota(jnp.int32, (_B, _N), 1).astype(jnp.float32)
    xv = x2[...]
    xs = jnp.sum(jnp.where(nf == src_col, xv, 0.0), axis=1, keepdims=True)
    xt = jnp.sum(jnp.where(nf == tar_col, xv, 0.0), axis=1, keepdims=True)

    sm = mlp(mem_s[...], mem_t[...], dt_s[...], xs, w1s, b1s, w2s, b2s)
    tm = mlp(mem_t[...], mem_s[...], dt_t[...], xt, w1t, b1t, w2t, b2t)
    msgs = jnp.concatenate([sm, tm], axis=0)
    h0 = jnp.concatenate([mem_s[...], mem_t[...]], axis=0)

    nr = jnp.concatenate([src_r[...], tar_r[...]], axis=1)
    nr_f = nr.astype(jnp.float32)
    ia = lax.broadcasted_iota(jnp.int32, (2 * _B, 2 * _B), 0)
    ib = lax.broadcasted_iota(jnp.int32, (2 * _B, 2 * _B), 1)
    eye = (ia == ib).astype(jnp.float32)
    nc_f = _dotT(eye, nr_f)

    eq = (nc_f == nr_f).astype(jnp.float32)
    counts = jnp.sum(eq, axis=1, keepdims=True)
    agg = _dot(eq, msgs) / counts

    gi = _dotT(agg, wih[...]) + bih[...]
    gh = _dotT(h0, whh[...]) + bhh[...]
    r = jax.nn.sigmoid(gi[:, 0:_LAT] + gh[:, 0:_LAT])
    z = jax.nn.sigmoid(gi[:, _LAT:2 * _LAT] + gh[:, _LAT:2 * _LAT])
    n = jnp.tanh(gi[:, 2 * _LAT:3 * _LAT] + r * gh[:, 2 * _LAT:3 * _LAT])
    new_rows[...] = (1.0 - z) * n + z * h0

    copies = []
    for i in range(2 * _B):
        idx = src_sm[0, i] if i < _B else tar_sm[0, i - _B]
        copies.append(pltpu.make_async_copy(
            new_rows.at[pl.ds(i, 1)],
            out_any.at[pl.ds(idx, 1)],
            sem))
    for c in copies:
        c.start()
    for c in copies:
        c.wait()


def _dense_call(*args, interpret=False):
    vmem = pl.BlockSpec(memory_space=pltpu.VMEM)
    smem = pl.BlockSpec(memory_space=pltpu.SMEM)
    return pl.pallas_call(
        _dense_body,
        out_shape=jax.ShapeDtypeStruct((_N, _LAT), jnp.float32),
        in_specs=[vmem] * 7 + [smem] * 2 + [vmem] * 12
        + [pl.BlockSpec(memory_space=pl.ANY)],
        out_specs=pl.BlockSpec(memory_space=pl.ANY),
        input_output_aliases={21: 0},
        scratch_shapes=[
            pltpu.VMEM((2 * _B, _LAT), jnp.float32),
            pltpu.SemaphoreType.DMA,
        ],
        interpret=interpret,
    )(*args)


def kernel(x, memory, source, target, delta_t,
           src_w1, src_b1, src_w2, src_b2,
           tar_w1, tar_b1, tar_w2, tar_b2,
           gru_wih, gru_whh, gru_bih, gru_bhh):
    src = source.reshape(_B).astype(jnp.int32)
    tar = target.reshape(_B).astype(jnp.int32)
    dtf = delta_t.reshape(_B * _N, _LAT)
    x2 = jnp.squeeze(x, -1)

    mem_s, mem_t, dt_s, dt_t = _sc_gather_kernel()(
        src, tar, memory, dtf)
    src_r = source.reshape(1, _B).astype(jnp.int32)
    tar_r = target.reshape(1, _B).astype(jnp.int32)
    return _dense_call(
        mem_s, mem_t, dt_s, dt_t, x2,
        src_r, tar_r, src_r, tar_r,
        src_w1.T, src_b1, src_w2, src_b2,
        tar_w1.T, tar_b1, tar_w2, tar_b2,
        gru_wih, gru_whh, gru_bih, gru_bhh,
        memory)

# --- scband reference (transcript-rebuilt; emitter-appended) ---
"""Pipeline reference for scband-memory-updater-20547123544357 (READ-ONLY COPY).

The authoritative reference and input builder live on the scoring server;
editing this copy changes nothing except your own understanding.
"""

import jax, jax.numpy as jnp
import numpy as np

N = 10000
B = 64
LAT = 128
NODE = 1


def _lin_init(key, out_f, in_f):
    s = 1.0 / np.sqrt(in_f)
    k1, k2 = jax.random.split(key)
    w = jax.random.uniform(k1, (out_f, in_f), jnp.float32, -s, s)
    b = jax.random.uniform(k2, (out_f,), jnp.float32, -s, s)
    return w, b


def setup_inputs(seed: int = 0) -> dict:
    key = jax.random.key(seed)
    ks = jax.random.split(key, 12)
    inp = {}
    inp["x"] = jax.random.normal(ks[0], (B, N, NODE), jnp.float32)
    inp["memory"] = jax.random.normal(ks[1], (N, LAT), jnp.float32)
    inp["source"] = jax.random.randint(ks[2], (B, 1), 0, N, dtype=jnp.int64) if jax.config.jax_enable_x64 else jax.random.randint(ks[2], (B, 1), 0, N).astype(jnp.int32)
    inp["target"] = jax.random.randint(ks[3], (B, 1), 0, N).astype(inp["source"].dtype)
    inp["delta_t"] = jax.random.normal(ks[4], (B, N, LAT), jnp.float32)
    d_in = 3 * LAT + NODE
    inp["src_w1"], inp["src_b1"] = _lin_init(ks[5], LAT, d_in)
    inp["src_w2"], inp["src_b2"] = _lin_init(ks[6], LAT, LAT)
    inp["tar_w1"], inp["tar_b1"] = _lin_init(ks[7], LAT, d_in)
    inp["tar_w2"], inp["tar_b2"] = _lin_init(ks[8], LAT, LAT)
    s = 1.0 / np.sqrt(LAT)
    g1, g2, g3, g4 = jax.random.split(ks[9], 4)
    inp["gru_wih"] = jax.random.uniform(g1, (3 * LAT, LAT), jnp.float32, -s, s)
    inp["gru_whh"] = jax.random.uniform(g2, (3 * LAT, LAT), jnp.float32, -s, s)
    inp["gru_bih"] = jax.random.uniform(g3, (3 * LAT,), jnp.float32, -s, s)
    inp["gru_bhh"] = jax.random.uniform(g4, (3 * LAT,), jnp.float32, -s, s)
    return inp


def _mlp(h, w1, b1, w2, b2):
    h = jax.nn.relu(h @ w1.T + b1)
    return h @ w2.T + b2


def _gru_cell(inp, h, wih, whh, bih, bhh):
    gi = inp @ wih.T + bih
    gh = h @ whh.T + bhh
    i_r, i_z, i_n = jnp.split(gi, 3, axis=-1)
    h_r, h_z, h_n = jnp.split(gh, 3, axis=-1)
    r = jax.nn.sigmoid(i_r + h_r)
    z = jax.nn.sigmoid(i_z + h_z)
    n = jnp.tanh(i_n + r * h_n)
    return (1.0 - z) * n + z * h


def reference(x, memory, source, target, delta_t,
              src_w1, src_b1, src_w2, src_b2,
              tar_w1, tar_b1, tar_w2, tar_b2,
              gru_wih, gru_whh, gru_bih, gru_bhh):
    bsz = x.shape[0]
    bidx = jnp.arange(bsz)
    src = source.squeeze(-1)
    tar = target.squeeze(-1)
    src_mem = memory[src]
    src_x = x[bidx, src, :]
    src_dt = delta_t[bidx, src, :]
    tar_mem = memory[tar]
    tar_x = x[bidx, tar, :]
    tar_dt = delta_t[bidx, tar, :]
    src_msg = _mlp(jnp.concatenate([src_mem, tar_mem, src_dt, src_x], axis=-1), src_w1, src_b1, src_w2, src_b2)
    tar_msg = _mlp(jnp.concatenate([tar_mem, src_mem, tar_dt, tar_x], axis=-1), tar_w1, tar_b1, tar_w2, tar_b2)
    nodes = jnp.concatenate([src, tar], axis=0)
    msgs = jnp.concatenate([src_msg, tar_msg], axis=0)
    num = memory.shape[0]
    sums = jax.ops.segment_sum(msgs, nodes, num_segments=num)
    counts = jax.ops.segment_sum(jnp.ones((msgs.shape[0],), msgs.dtype), nodes, num_segments=num)
    touched = counts > 0
    aggregated_msg = sums / jnp.where(touched, counts, jnp.ones_like(counts))[:, None]
    pre_memory = memory
    new_memory = _gru_cell(aggregated_msg, pre_memory, gru_wih, gru_whh, gru_bih, gru_bhh)
    return jnp.where(touched[:, None], new_memory, memory)

if __name__ == "__main__":
    import jax
    _d = setup_inputs()
    print(jax.jit(kernel)(*tuple(_d.values())))

</pallas_src>

<mosaic_0001>
#map = affine_map<(d0, d1) -> (0)>
#map1 = affine_map<(d0, d1) -> (0, 0)>
module attributes {stable_mosaic.version = 14 : i64} {
  func.func @_sc_gather_body(%arg0: i32, %arg1: i32, %arg2: memref<64xi32, #tpu.memory_space<hbm>>, %arg3: memref<64xi32, #tpu.memory_space<hbm>>, %arg4: memref<10000x128xf32, #tpu.memory_space<hbm>>, %arg5: memref<640000x128xf32, #tpu.memory_space<hbm>>, %arg6: memref<64x128xf32, #tpu.memory_space<hbm>>, %arg7: memref<64x128xf32, #tpu.memory_space<hbm>>, %arg8: memref<64x128xf32, #tpu.memory_space<hbm>>, %arg9: memref<64x128xf32, #tpu.memory_space<hbm>>, %arg10: memref<16xi32, #tpu.memory_space<vmem>>, %arg11: memref<16xi32, #tpu.memory_space<vmem>>, %arg12: memref<16x128xf32, #tpu.memory_space<vmem>>, %arg13: memref<!tpu.dma_semaphore, #tpu.memory_space<semaphore_mem>>) attributes {dimension_semantics = [#tpu.dimension_semantics<core_parallel>, #tpu.dimension_semantics<subcore_parallel>], iteration_bounds = array<i64: 2, 16>, scalar_prefetch = 0 : i64, scratch_operands = 4 : i64, tpu.core_type = #tpu.core_type<sc_vector_subcore>, window_params = [{transform_indices = #map}, {transform_indices = #map}, {transform_indices = #map1}, {transform_indices = #map1}, {transform_indices = #map1}, {transform_indices = #map1}, {transform_indices = #map1}, {transform_indices = #map1}]} {
    %mul3A = arith.constant 16 : i32
    %mul3A_0 = arith.muli %arg0, %mul3A : i32
    %add3A = arith.addi %mul3A_0, %arg1 : i32
    %jit3A = arith.constant 4 : i32
    %div3A = arith.divsi %add3A, %jit3A : i32
    %sign3A = arith.constant 0 : i32
    %sign3A_1 = arith.cmpi sgt, %add3A, %sign3A : i32
    %sign3A_2 = arith.extui %sign3A_1 : i1 to i32
    %sign3A_3 = arith.constant 0 : i32
    %sign3A_4 = arith.cmpi slt, %add3A, %sign3A_3 : i32
    %sign3A_5 = arith.extui %sign3A_4 : i1 to i32
    %sign3A_6 = arith.subi %sign3A_2, %sign3A_5 : i32
    %sign3A_7 = arith.constant 0 : i32
    %sign3A_8 = arith.cmpi sgt, %jit3A, %sign3A_7 : i32
    %sign3A_9 = arith.extui %sign3A_8 : i1 to i32
    %sign3A_10 = arith.constant 0 : i32
    %sign3A_11 = arith.cmpi slt, %jit3A, %sign3A_10 : i32
    %sign3A_12 = arith.extui %sign3A_11 : i1 to i32
    %sign3A_13 = arith.subi %sign3A_9, %sign3A_12 : i32
    %ne3A = arith.cmpi ne, %sign3A_6, %sign3A_13 : i32
    %rem3A = arith.remsi %add3A, %jit3A : i32
    %ne3A_14 = arith.constant 0 : i32
    %ne3A_15 = arith.cmpi ne, %rem3A, %ne3A_14 : i32
    %and3A = arith.andi %ne3A, %ne3A_15 : i1
    %sub3A = arith.constant 1 : i32
    %sub3A_16 = arith.subi %div3A, %sub3A : i32
    %select_n3A = arith.select %and3A, %sub3A_16, %div3A : i32
    %jit3A_17 = arith.constant 4 : i32
    %eq3A = arith.constant 0 : i32
    %eq3A_18 = arith.cmpi eq, %jit3A_17, %eq3A : i32
    %jit3A_19 = arith.constant 1 : i32
    %select_n3A_20 = arith.select %eq3A_18, %jit3A_19, %jit3A_17 : i32
    %rem3A_21 = arith.remsi %add3A, %select_n3A_20 : i32
    %ne3A_22 = arith.constant 0 : i32
    %ne3A_23 = arith.cmpi ne, %rem3A_21, %ne3A_22 : i32
    %lt3A = arith.constant 0 : i32
    %lt3A_24 = arith.cmpi slt, %rem3A_21, %lt3A : i32
    %lt3A_25 = arith.constant 0 : i32
    %lt3A_26 = arith.cmpi slt, %select_n3A_20, %lt3A_25 : i32
    %ne3A_27 = arith.xori %lt3A_24, %lt3A_26 : i1
    %and3A_28 = arith.andi %ne3A_27, %ne3A_23 : i1
    %add3A_29 = arith.addi %rem3A_21, %select_n3A_20 : i32
    %select_n3A_30 = arith.select %and3A_28, %add3A_29, %rem3A_21 : i32
    %mul3A_31 = arith.constant 16 : i32
    %mul3A_32 = arith.muli %select_n3A_30, %mul3A_31 : i32
    %multiple_of3A = tpu.assume_multiple %mul3A_32, 16 : i32
    %eq3A_33 = arith.constant 0 : i32
    %eq3A_34 = arith.cmpi eq, %select_n3A, %eq3A_33 : i32
    %convert_element_type3A = arith.extui %eq3A_34 : i1 to i32
    %cond3A = arith.constant 0 : i32
    %cond3A_35 = arith.cmpi ne, %convert_element_type3A, %cond3A : i32
    scf.if %cond3A_35 {
      "tpu.region"() ({
        %run_scoped3A = tpu.sem_alloc : memref<!tpu.dma_semaphore, #tpu.memory_space<semaphore_mem>>
        %dma_start3A_55 = tpu.memref_slice %arg2[%multiple_of3A] : memref<64xi32, #tpu.memory_space<hbm>> -> memref<16xi32, #tpu.memory_space<hbm>>
        %dma_start3A_56 = tpu.memref_slice %arg2[%multiple_of3A] : memref<64xi32, #tpu.memory_space<hbm>> -> memref<16xi32, #tpu.memory_space<hbm>>
        tpu.enqueue_dma source(%dma_start3A_56 : memref<16xi32, #tpu.memory_space<hbm>>) target(%arg10 : memref<16xi32, #tpu.memory_space<vmem>>) target_semaphore(%run_scoped3A : memref<!tpu.dma_semaphore, #tpu.memory_space<semaphore_mem>>)
        %dma_wait3A_57 = tpu.memref_slice %arg2[%multiple_of3A] : memref<64xi32, #tpu.memory_space<hbm>> -> memref<16xi32, #tpu.memory_space<hbm>>
        %dma_wait3A_58 = tpu.memref_slice %arg2[%multiple_of3A] : memref<64xi32, #tpu.memory_space<hbm>> -> memref<16xi32, #tpu.memory_space<hbm>>
        tpu.wait_dma2 semaphore(%run_scoped3A : memref<!tpu.dma_semaphore, #tpu.memory_space<semaphore_mem>>) src(%dma_wait3A_58 : memref<16xi32, #tpu.memory_space<hbm>>) dst(%arg10 : memref<16xi32, #tpu.memory_space<vmem>>)
        tpu.yield
      }) : () -> ()
      %dma_start3A = arith.constant 0 : i32
      %dma_start3A_51 = arith.constant 0 : i32
      %dma_start3A_52 = tpu.memref_slice %arg4[%dma_start3A, %dma_start3A_51] : memref<10000x128xf32, #tpu.memory_space<hbm>> -> memref<10000x128xf32, #tpu.memory_space<hbm>>
      tpu.enqueue_indirect_dma source(%dma_start3A_52 : memref<10000x128xf32, #tpu.memory_space<hbm>>) target(%arg12 : memref<16x128xf32, #tpu.memory_space<vmem>>) offsets(%arg10 : memref<16xi32, #tpu.memory_space<vmem>>) semaphore(%arg13 : memref<!tpu.dma_semaphore, #tpu.memory_space<semaphore_mem>>)
      %dma_wait3A = arith.constant 0 : i32
      %dma_wait3A_53 = arith.constant 0 : i32
      %dma_wait3A_54 = tpu.memref_slice %arg4[%dma_wait3A, %dma_wait3A_53] : memref<10000x128xf32, #tpu.memory_space<hbm>> -> memref<10000x128xf32, #tpu.memory_space<hbm>>
      tpu.wait_indirect_dma semaphore(%arg13 : memref<!tpu.dma_semaphore, #tpu.memory_space<semaphore_mem>>) src(%dma_wait3A_54 : memref<10000x128xf32, #tpu.memory_space<hbm>>) dst(%arg12 : memref<16x128xf32, #tpu.memory_space<vmem>>)
      "tpu.region"() ({
        %run_scoped3A = tpu.sem_alloc : memref<!tpu.dma_semaphore, #tpu.memory_space<semaphore_mem>>
        %dma_start3A_55 = arith.constant 0 : i32
        %dma_start3A_56 = tpu.memref_slice %arg6[%multiple_of3A, %dma_start3A_55] : memref<64x128xf32, #tpu.memory_space<hbm>> -> memref<16x128xf32, #tpu.memory_space<hbm>>
        %dma_start3A_57 = arith.constant 0 : i32
        %dma_start3A_58 = tpu.memref_slice %arg6[%multiple_of3A, %dma_start3A_57] : memref<64x128xf32, #tpu.memory_space<hbm>> -> memref<16x128xf32, #tpu.memory_space<hbm>>
        tpu.enqueue_dma source(%arg12 : memref<16x128xf32, #tpu.memory_space<vmem>>) target(%dma_start3A_58 : memref<16x128xf32, #tpu.memory_space<hbm>>) target_semaphore(%run_scoped3A : memref<!tpu.dma_semaphore, #tpu.memory_space<semaphore_mem>>)
        %dma_wait3A_59 = arith.constant 0 : i32
        %dma_wait3A_60 = tpu.memref_slice %arg6[%multiple_of3A, %dma_wait3A_59] : memref<64x128xf32, #tpu.memory_space<hbm>> -> memref<16x128xf32, #tpu.memory_space<hbm>>
        %dma_wait3A_61 = arith.constant 0 : i32
        %dma_wait3A_62 = tpu.memref_slice %arg6[%multiple_of3A, %dma_wait3A_61] : memref<64x128xf32, #tpu.memory_space<hbm>> -> memref<16x128xf32, #tpu.memory_space<hbm>>
        tpu.wait_dma2 semaphore(%run_scoped3A : memref<!tpu.dma_semaphore, #tpu.memory_space<semaphore_mem>>) src(%arg12 : memref<16x128xf32, #tpu.memory_space<vmem>>) dst(%dma_wait3A_62 : memref<16x128xf32, #tpu.memory_space<hbm>>)
        tpu.yield
      }) : () -> ()
    } else {
    }
    %eq3A_36 = arith.constant 1 : i32
    %eq3A_37 = arith.cmpi eq, %select_n3A, %eq3A_36 : i32
    %convert_element_type3A_38 = arith.extui %eq3A_37 : i1 to i32
    %cond3A_39 = arith.constant 0 : i32
    %cond3A_40 = arith.cmpi ne, %convert_element_type3A_38, %cond3A_39 : i32
    scf.if %cond3A_40 {
      "tpu.region"() ({
        %run_scoped3A = tpu.sem_alloc : memref<!tpu.dma_semaphore, #tpu.memory_space<semaphore_mem>>
        %dma_start3A_55 = tpu.memref_slice %arg3[%multiple_of3A] : memref<64xi32, #tpu.memory_space<hbm>> -> memref<16xi32, #tpu.memory_space<hbm>>
        %dma_start3A_56 = tpu.memref_slice %arg3[%multiple_of3A] : memref<64xi32, #tpu.memory_space<hbm>> -> memref<16xi32, #tpu.memory_space<hbm>>
        tpu.enqueue_dma source(%dma_start3A_56 : memref<16xi32, #tpu.memory_space<hbm>>) target(%arg10 : memref<16xi32, #tpu.memory_space<vmem>>) target_semaphore(%run_scoped3A : memref<!tpu.dma_semaphore, #tpu.memory_space<semaphore_mem>>)
        %dma_wait3A_57 = tpu.memref_slice %arg3[%multiple_of3A] : memref<64xi32, #tpu.memory_space<hbm>> -> memref<16xi32, #tpu.memory_space<hbm>>
        %dma_wait3A_58 = tpu.memref_slice %arg3[%multiple_of3A] : memref<64xi32, #tpu.memory_space<hbm>> -> memref<16xi32, #tpu.memory_space<hbm>>
        tpu.wait_dma2 semaphore(%run_scoped3A : memref<!tpu.dma_semaphore, #tpu.memory_space<semaphore_mem>>) src(%dma_wait3A_58 : memref<16xi32, #tpu.memory_space<hbm>>) dst(%arg10 : memref<16xi32, #tpu.memory_space<vmem>>)
        tpu.yield
      }) : () -> ()
      %dma_start3A = arith.constant 0 : i32
      %dma_start3A_51 = arith.constant 0 : i32
      %dma_start3A_52 = tpu.memref_slice %arg4[%dma_start3A, %dma_start3A_51] : memref<10000x128xf32, #tpu.memory_space<hbm>> -> memref<10000x128xf32, #tpu.memory_space<hbm>>
      tpu.enqueue_indirect_dma source(%dma_start3A_52 : memref<10000x128xf32, #tpu.memory_space<hbm>>) target(%arg12 : memref<16x128xf32, #tpu.memory_space<vmem>>) offsets(%arg10 : memref<16xi32, #tpu.memory_space<vmem>>) semaphore(%arg13 : memref<!tpu.dma_semaphore, #tpu.memory_space<semaphore_mem>>)
      %dma_wait3A = arith.constant 0 : i32
      %dma_wait3A_53 = arith.constant 0 : i32
      %dma_wait3A_54 = tpu.memref_slice %arg4[%dma_wait3A, %dma_wait3A_53] : memref<10000x128xf32, #tpu.memory_space<hbm>> -> memref<10000x128xf32, #tpu.memory_space<hbm>>
      tpu.wait_indirect_dma semaphore(%arg13 : memref<!tpu.dma_semaphore, #tpu.memory_space<semaphore_mem>>) src(%dma_wait3A_54 : memref<10000x128xf32, #tpu.memory_space<hbm>>) dst(%arg12 : memref<16x128xf32, #tpu.memory_space<vmem>>)
      "tpu.region"() ({
        %run_scoped3A = tpu.sem_alloc : memref<!tpu.dma_semaphore, #tpu.memory_space<semaphore_mem>>
        %dma_start3A_55 = arith.constant 0 : i32
        %dma_start3A_56 = tpu.memref_slice %arg7[%multiple_of3A, %dma_start3A_55] : memref<64x128xf32, #tpu.memory_space<hbm>> -> memref<16x128xf32, #tpu.memory_space<hbm>>
        %dma_start3A_57 = arith.constant 0 : i32
        %dma_start3A_58 = tpu.memref_slice %arg7[%multiple_of3A, %dma_start3A_57] : memref<64x128xf32, #tpu.memory_space<hbm>> -> memref<16x128xf32, #tpu.memory_space<hbm>>
        tpu.enqueue_dma source(%arg12 : memref<16x128xf32, #tpu.memory_space<vmem>>) target(%dma_start3A_58 : memref<16x128xf32, #tpu.memory_space<hbm>>) target_semaphore(%run_scoped3A : memref<!tpu.dma_semaphore, #tpu.memory_space<semaphore_mem>>)
        %dma_wait3A_59 = arith.constant 0 : i32
        %dma_wait3A_60 = tpu.memref_slice %arg7[%multiple_of3A, %dma_wait3A_59] : memref<64x128xf32, #tpu.memory_space<hbm>> -> memref<16x128xf32, #tpu.memory_space<hbm>>
        %dma_wait3A_61 = arith.constant 0 : i32
        %dma_wait3A_62 = tpu.memref_slice %arg7[%multiple_of3A, %dma_wait3A_61] : memref<64x128xf32, #tpu.memory_space<hbm>> -> memref<16x128xf32, #tpu.memory_space<hbm>>
        tpu.wait_dma2 semaphore(%run_scoped3A : memref<!tpu.dma_semaphore, #tpu.memory_space<semaphore_mem>>) src(%arg12 : memref<16x128xf32, #tpu.memory_space<vmem>>) dst(%dma_wait3A_62 : memref<16x128xf32, #tpu.memory_space<hbm>>)
        tpu.yield
      }) : () -> ()
    } else {
    }
    %eq3A_41 = arith.constant 2 : i32
    %eq3A_42 = arith.cmpi eq, %select_n3A, %eq3A_41 : i32
    %convert_element_type3A_43 = arith.extui %eq3A_42 : i1 to i32
    %cond3A_44 = arith.constant 0 : i32
    %cond3A_45 = arith.cmpi ne, %convert_element_type3A_43, %cond3A_44 : i32
    scf.if %cond3A_45 {
      "tpu.region"() ({
        %run_scoped3A = tpu.sem_alloc : memref<!tpu.dma_semaphore, #tpu.memory_space<semaphore_mem>>
        %dma_start3A_66 = tpu.memref_slice %arg2[%multiple_of3A] : memref<64xi32, #tpu.memory_space<hbm>> -> memref<16xi32, #tpu.memory_space<hbm>>
        %dma_start3A_67 = tpu.memref_slice %arg2[%multiple_of3A] : memref<64xi32, #tpu.memory_space<hbm>> -> memref<16xi32, #tpu.memory_space<hbm>>
        tpu.enqueue_dma source(%dma_start3A_67 : memref<16xi32, #tpu.memory_space<hbm>>) target(%arg10 : memref<16xi32, #tpu.memory_space<vmem>>) target_semaphore(%run_scoped3A : memref<!tpu.dma_semaphore, #tpu.memory_space<semaphore_mem>>)
        %dma_wait3A_68 = tpu.memref_slice %arg2[%multiple_of3A] : memref<64xi32, #tpu.memory_space<hbm>> -> memref<16xi32, #tpu.memory_space<hbm>>
        %dma_wait3A_69 = tpu.memref_slice %arg2[%multiple_of3A] : memref<64xi32, #tpu.memory_space<hbm>> -> memref<16xi32, #tpu.memory_space<hbm>>
        tpu.wait_dma2 semaphore(%run_scoped3A : memref<!tpu.dma_semaphore, #tpu.memory_space<semaphore_mem>>) src(%dma_wait3A_69 : memref<16xi32, #tpu.memory_space<hbm>>) dst(%arg10 : memref<16xi32, #tpu.memory_space<vmem>>)
        tpu.yield
      }) : () -> ()
      %iota3A = tpu.iota {dimensions = array<i32: 0>} : vector<16xi32>
      %add3A_51 = vector.broadcast %multiple_of3A : i32 to vector<16xi32>
      %add3A_52 = arith.addi %iota3A, %add3A_51 : vector<16xi32>
      %get3A = arith.constant 0 : index
      %get3A_53 = tpu.vector_load %arg10[%get3A] {strides = array<i32>} : memref<16xi32, #tpu.memory_space<vmem>>, vector<16xi32>,
      %get3A_54 = vector.shape_cast %get3A_53 : vector<16xi32> to vector<16xi32>
      %mul3A_55 = arith.constant 10000 : i32
      %mul3A_56 = vector.broadcast %mul3A_55 : i32 to vector<16xi32>
      %mul3A_57 = arith.muli %add3A_52, %mul3A_56 : vector<16xi32>
      %add3A_58 = arith.addi %get3A_54, %mul3A_57 : vector<16xi32>
      %swap3A = arith.constant 0 : index
      %swap3A_59 = tpu.vector_load %arg11[%swap3A] {strides = array<i32>} : memref<16xi32, #tpu.memory_space<vmem>>, vector<16xi32>,
      %swap3A_60 = vector.shape_cast %swap3A_59 : vector<16xi32> to vector<16xi32>
      %swap3A_61 = vector.shape_cast %add3A_58 : vector<16xi32> to vector<16xi32>
      tpu.vector_store %arg11[%swap3A], %swap3A_61 {strides = array<i32>} : memref<16xi32, #tpu.memory_space<vmem>>, vector<16xi32>,
      %dma_start3A = arith.constant 0 : i32
      %dma_start3A_62 = arith.constant 0 : i32
      %dma_start3A_63 = tpu.memref_slice %arg5[%dma_start3A, %dma_start3A_62] : memref<640000x128xf32, #tpu.memory_space<hbm>> -> memref<640000x128xf32, #tpu.memory_space<hbm>>
      tpu.enqueue_indirect_dma source(%dma_start3A_63 : memref<640000x128xf32, #tpu.memory_space<hbm>>) target(%arg12 : memref<16x128xf32, #tpu.memory_space<vmem>>) offsets(%arg11 : memref<16xi32, #tpu.memory_space<vmem>>) semaphore(%arg13 : memref<!tpu.dma_semaphore, #tpu.memory_space<semaphore_mem>>)
      %dma_wait3A = arith.constant 0 : i32
      %dma_wait3A_64 = arith.constant 0 : i32
      %dma_wait3A_65 = tpu.memref_slice %arg5[%dma_wait3A, %dma_wait3A_64] : memref<640000x128xf32, #tpu.memory_space<hbm>> -> memref<640000x128xf32, #tpu.memory_space<hbm>>
      tpu.wait_indirect_dma semaphore(%arg13 : memref<!tpu.dma_semaphore, #tpu.memory_space<semaphore_mem>>) src(%dma_wait3A_65 : memref<640000x128xf32, #tpu.memory_space<hbm>>) dst(%arg12 : memref<16x128xf32, #tpu.memory_space<vmem>>)
      "tpu.region"() ({
        %run_scoped3A = tpu.sem_alloc : memref<!tpu.dma_semaphore, #tpu.memory_space<semaphore_mem>>
        %dma_start3A_66 = arith.constant 0 : i32
        %dma_start3A_67 = tpu.memref_slice %arg8[%multiple_of3A, %dma_start3A_66] : memref<64x128xf32, #tpu.memory_space<hbm>> -> memref<16x128xf32, #tpu.memory_space<hbm>>
        %dma_start3A_68 = arith.constant 0 : i32
        %dma_start3A_69 = tpu.memref_slice %arg8[%multiple_of3A, %dma_start3A_68] : memref<64x128xf32, #tpu.memory_space<hbm>> -> memref<16x128xf32, #tpu.memory_space<hbm>>
        tpu.enqueue_dma source(%arg12 : memref<16x128xf32, #tpu.memory_space<vmem>>) target(%dma_start3A_69 : memref<16x128xf32, #tpu.memory_space<hbm>>) target_semaphore(%run_scoped3A : memref<!tpu.dma_semaphore, #tpu.memory_space<semaphore_mem>>)
        %dma_wait3A_70 = arith.constant 0 : i32
        %dma_wait3A_71 = tpu.memref_slice %arg8[%multiple_of3A, %dma_wait3A_70] : memref<64x128xf32, #tpu.memory_space<hbm>> -> memref<16x128xf32, #tpu.memory_space<hbm>>
        %dma_wait3A_72 = arith.constant 0 : i32
        %dma_wait3A_73 = tpu.memref_slice %arg8[%multiple_of3A, %dma_wait3A_72] : memref<64x128xf32, #tpu.memory_space<hbm>> -> memref<16x128xf32, #tpu.memory_space<hbm>>
        tpu.wait_dma2 semaphore(%run_scoped3A : memref<!tpu.dma_semaphore, #tpu.memory_space<semaphore_mem>>) src(%arg12 : memref<16x128xf32, #tpu.memory_space<vmem>>) dst(%dma_wait3A_73 : memref<16x128xf32, #tpu.memory_space<hbm>>)
        tpu.yield
      }) : () -> ()
    } else {
    }
    %eq3A_46 = arith.constant 3 : i32
    %eq3A_47 = arith.cmpi eq, %select_n3A, %eq3A_46 : i32
    %convert_element_type3A_48 = arith.extui %eq3A_47 : i1 to i32
    %cond3A_49 = arith.constant 0 : i32
    %cond3A_50 = arith.cmpi ne, %convert_element_type3A_48, %cond3A_49 : i32
    scf.if %cond3A_50 {
      "tpu.region"() ({
        %run_scoped3A = tpu.sem_alloc : memref<!tpu.dma_semaphore, #tpu.memory_space<semaphore_mem>>
        %dma_start3A_66 = tpu.memref_slice %arg3[%multiple_of3A] : memref<64xi32, #tpu.memory_space<hbm>> -> memref<16xi32, #tpu.memory_space<hbm>>
        %dma_start3A_67 = tpu.memref_slice %arg3[%multiple_of3A] : memref<64xi32, #tpu.memory_space<hbm>> -> memref<16xi32, #tpu.memory_space<hbm>>
        tpu.enqueue_dma source(%dma_start3A_67 : memref<16xi32, #tpu.memory_space<hbm>>) target(%arg10 : memref<16xi32, #tpu.memory_space<vmem>>) target_semaphore(%run_scoped3A : memref<!tpu.dma_semaphore, #tpu.memory_space<semaphore_mem>>)
        %dma_wait3A_68 = tpu.memref_slice %arg3[%multiple_of3A] : memref<64xi32, #tpu.memory_space<hbm>> -> memref<16xi32, #tpu.memory_space<hbm>>
        %dma_wait3A_69 = tpu.memref_slice %arg3[%multiple_of3A] : memref<64xi32, #tpu.memory_space<hbm>> -> memref<16xi32, #tpu.memory_space<hbm>>
        tpu.wait_dma2 semaphore(%run_scoped3A : memref<!tpu.dma_semaphore, #tpu.memory_space<semaphore_mem>>) src(%dma_wait3A_69 : memref<16xi32, #tpu.memory_space<hbm>>) dst(%arg10 : memref<16xi32, #tpu.memory_space<vmem>>)
        tpu.yield
      }) : () -> ()
      %iota3A = tpu.iota {dimensions = array<i32: 0>} : vector<16xi32>
      %add3A_51 = vector.broadcast %multiple_of3A : i32 to vector<16xi32>
      %add3A_52 = arith.addi %iota3A, %add3A_51 : vector<16xi32>
      %get3A = arith.constant 0 : index
      %get3A_53 = tpu.vector_load %arg10[%get3A] {strides = array<i32>} : memref<16xi32, #tpu.memory_space<vmem>>, vector<16xi32>,
      %get3A_54 = vector.shape_cast %get3A_53 : vector<16xi32> to vector<16xi32>
      %mul3A_55 = arith.constant 10000 : i32
      %mul3A_56 = vector.broadcast %mul3A_55 : i32 to vector<16xi32>
      %mul3A_57 = arith.muli %add3A_52, %mul3A_56 : vector<16xi32>
      %add3A_58 = arith.addi %get3A_54, %mul3A_57 : vector<16xi32>
      %swap3A = arith.constant 0 : index
      %swap3A_59 = tpu.vector_load %arg11[%swap3A] {strides = array<i32>} : memref<16xi32, #tpu.memory_space<vmem>>, vector<16xi32>,
      %swap3A_60 = vector.shape_cast %swap3A_59 : vector<16xi32> to vector<16xi32>
      %swap3A_61 = vector.shape_cast %add3A_58 : vector<16xi32> to vector<16xi32>
      tpu.vector_store %arg11[%swap3A], %swap3A_61 {strides = array<i32>} : memref<16xi32, #tpu.memory_space<vmem>>, vector<16xi32>,
      %dma_start3A = arith.constant 0 : i32
      %dma_start3A_62 = arith.constant 0 : i32
      %dma_start3A_63 = tpu.memref_slice %arg5[%dma_start3A, %dma_start3A_62] : memref<640000x128xf32, #tpu.memory_space<hbm>> -> memref<640000x128xf32, #tpu.memory_space<hbm>>
      tpu.enqueue_indirect_dma source(%dma_start3A_63 : memref<640000x128xf32, #tpu.memory_space<hbm>>) target(%arg12 : memref<16x128xf32, #tpu.memory_space<vmem>>) offsets(%arg11 : memref<16xi32, #tpu.memory_space<vmem>>) semaphore(%arg13 : memref<!tpu.dma_semaphore, #tpu.memory_space<semaphore_mem>>)
      %dma_wait3A = arith.constant 0 : i32
      %dma_wait3A_64 = arith.constant 0 : i32
      %dma_wait3A_65 = tpu.memref_slice %arg5[%dma_wait3A, %dma_wait3A_64] : memref<640000x128xf32, #tpu.memory_space<hbm>> -> memref<640000x128xf32, #tpu.memory_space<hbm>>
      tpu.wait_indirect_dma semaphore(%arg13 : memref<!tpu.dma_semaphore, #tpu.memory_space<semaphore_mem>>) src(%dma_wait3A_65 : memref<640000x128xf32, #tpu.memory_space<hbm>>) dst(%arg12 : memref<16x128xf32, #tpu.memory_space<vmem>>)
      "tpu.region"() ({
        %run_scoped3A = tpu.sem_alloc : memref<!tpu.dma_semaphore, #tpu.memory_space<semaphore_mem>>
        %dma_start3A_66 = arith.constant 0 : i32
        %dma_start3A_67 = tpu.memref_slice %arg9[%multiple_of3A, %dma_start3A_66] : memref<64x128xf32, #tpu.memory_space<hbm>> -> memref<16x128xf32, #tpu.memory_space<hbm>>
        %dma_start3A_68 = arith.constant 0 : i32
        %dma_start3A_69 = tpu.memref_slice %arg9[%multiple_of3A, %dma_start3A_68] : memref<64x128xf32, #tpu.memory_space<hbm>> -> memref<16x128xf32, #tpu.memory_space<hbm>>
        tpu.enqueue_dma source(%arg12 : memref<16x128xf32, #tpu.memory_space<vmem>>) target(%dma_start3A_69 : memref<16x128xf32, #tpu.memory_space<hbm>>) target_semaphore(%run_scoped3A : memref<!tpu.dma_semaphore, #tpu.memory_space<semaphore_mem>>)
        %dma_wait3A_70 = arith.constant 0 : i32
        %dma_wait3A_71 = tpu.memref_slice %arg9[%multiple_of3A, %dma_wait3A_70] : memref<64x128xf32, #tpu.memory_space<hbm>> -> memref<16x128xf32, #tpu.memory_space<hbm>>
        %dma_wait3A_72 = arith.constant 0 : i32
        %dma_wait3A_73 = tpu.memref_slice %arg9[%multiple_of3A, %dma_wait3A_72] : memref<64x128xf32, #tpu.memory_space<hbm>> -> memref<16x128xf32, #tpu.memory_space<hbm>>
        tpu.wait_dma2 semaphore(%run_scoped3A : memref<!tpu.dma_semaphore, #tpu.memory_space<semaphore_mem>>) src(%arg12 : memref<16x128xf32, #tpu.memory_space<vmem>>) dst(%dma_wait3A_73 : memref<16x128xf32, #tpu.memory_space<hbm>>)
        tpu.yield
      }) : () -> ()
    } else {
    }
    return
  }
}

module attributes {stable_mosaic.version = 14 : i64} {
  func.func @_dense_body(%arg0: memref<64x128xf32, #tpu.memory_space<vmem>>, %arg1: memref<64x128xf32, #tpu.memory_space<vmem>>, %arg2: memref<64x128xf32, #tpu.memory_space<vmem>>, %arg3: memref<64x128xf32, #tpu.memory_space<vmem>>, %arg4: memref<64x10000xf32, #tpu.memory_space<vmem>>, %arg5: memref<1x64xi32, #tpu.memory_space<vmem>>, %arg6: memref<1x64xi32, #tpu.memory_space<vmem>>, %arg7: memref<1x64xi32, #tpu.memory_space<smem>>, %arg8: memref<1x64xi32, #tpu.memory_space<smem>>, %arg9: memref<385x128xf32, #tpu.memory_space<vmem>>, %arg10: memref<128xf32, #tpu.memory_space<vmem>>, %arg11: memref<128x128xf32, #tpu.memory_space<vmem>>, %arg12: memref<128xf32, #tpu.memory_space<vmem>>, %arg13: memref<385x128xf32, #tpu.memory_space<vmem>>, %arg14: memref<128xf32, #tpu.memory_space<vmem>>, %arg15: memref<128x128xf32, #tpu.memory_space<vmem>>, %arg16: memref<128xf32, #tpu.memory_space<vmem>>, %arg17: memref<384x128xf32, #tpu.memory_space<vmem>>, %arg18: memref<384x128xf32, #tpu.memory_space<vmem>>, %arg19: memref<384xf32, #tpu.memory_space<vmem>>, %arg20: memref<384xf32, #tpu.memory_space<vmem>>, %arg21: memref<10000x128xf32, #tpu.memory_space<any>>, %arg22: memref<10000x128xf32, #tpu.memory_space<any>>, %arg23: memref<128x128xf32, #tpu.memory_space<vmem>>, %arg24: memref<!tpu.dma_semaphore, #tpu.memory_space<semaphore_mem>>) attributes {dimension_semantics = [], scalar_prefetch = 0 : i64, scratch_operands = 2 : i64, tpu.core_type = #tpu.core_type<tc>} {
    %iota3A = tpu.iota {dimensions = array<i32: 0>} : vector<64x64xi32>
    %iota3A_0 = tpu.iota {dimensions = array<i32: 1>} : vector<64x64xi32>
    %eq3A = arith.cmpi eq, %iota3A, %iota3A_0 : vector<64x64xi32>
    %convert_element_type3A = arith.extui %eq3A : vector<64x64xi1> to vector<64x64xi32>
    %convert_element_type3A_1 = arith.sitofp %convert_element_type3A : vector<64x64xi32> to vector<64x64xf32>
    %get3A = arith.constant 0 : index
    %get3A_2 = arith.constant 0 : index
    %get3A_3 = vector.load %arg5[%get3A, %get3A_2] : memref<1x64xi32, #tpu.memory_space<vmem>>, vector<1x64xi32>
    %convert_element_type3A_4 = arith.sitofp %get3A_3 : vector<1x64xi32> to vector<1x64xf32>
    %dot_general3A = arith.constant dense<0.000000e+00> : vector<64x1xf32>
    %dot_general3A_5 = tpu.matmul %convert_element_type3A_1, %convert_element_type3A_4, %dot_general3A {dimension_numbers = #tpu.dot_dimension_numbers<[1], [1], [0], [0], [0, 0, 1, 0], [], []>, transpose_lhs_hint = false} : vector<64x64xf32>, vector<1x64xf32>, vector<64x1xf32> -> vector<64x1xf32>
    %get3A_6 = arith.constant 0 : index
    %get3A_7 = arith.constant 0 : index
    %get3A_8 = vector.load %arg6[%get3A_6, %get3A_7] : memref<1x64xi32, #tpu.memory_space<vmem>>, vector<1x64xi32>
    %convert_element_type3A_9 = arith.sitofp %get3A_8 : vector<1x64xi32> to vector<1x64xf32>
    %dot_general3A_10 = arith.constant dense<0.000000e+00> : vector<64x1xf32>
    %dot_general3A_11 = tpu.matmul %convert_element_type3A_1, %convert_element_type3A_9, %dot_general3A_10 {dimension_numbers = #tpu.dot_dimension_numbers<[1], [1], [0], [0], [0, 0, 1, 0], [], []>, transpose_lhs_hint = false} : vector<64x64xf32>, vector<1x64xf32>, vector<64x1xf32> -> vector<64x1xf32>
    %iota3A_12 = tpu.iota {dimensions = array<i32: 1>} : vector<64x10000xi32>
    %convert_element_type3A_13 = arith.sitofp %iota3A_12 : vector<64x10000xi32> to vector<64x10000xf32>
    %get3A_14 = arith.constant 0 : index
    %get3A_15 = arith.constant 0 : index
    %get3A_16 = vector.load %arg4[%get3A_14, %get3A_15] : memref<64x10000xf32, #tpu.memory_space<vmem>>, vector<64x10000xf32>
    %eq3A_17 = vector.broadcast %dot_general3A_5 : vector<64x1xf32> to vector<64x10000xf32>
    %eq3A_18 = arith.cmpf oeq, %convert_element_type3A_13, %eq3A_17 : vector<64x10000xf32>
    %jit3A = arith.constant 0.000000e+00 : f32
    %broadcast_in_dim3A = vector.broadcast %jit3A : f32 to vector<64x10000xf32>
    %select_n3A = arith.select %eq3A_18, %get3A_16, %broadcast_in_dim3A : vector<64x10000xi1>, vector<64x10000xf32>
    %reduce_sum3A = arith.constant dense<0.000000e+00> : vector<64xf32>
    %reduce_sum3A_19 = vector.multi_reduction <add>, %select_n3A, %reduce_sum3A [1] : vector<64x10000xf32> to vector<64xf32>
    %broadcast_in_dim3A_20 = vector.shape_cast %reduce_sum3A_19 : vector<64xf32> to vector<64x1xf32>
    %eq3A_21 = vector.broadcast %dot_general3A_11 : vector<64x1xf32> to vector<64x10000xf32>
    %eq3A_22 = arith.cmpf oeq, %convert_element_type3A_13, %eq3A_21 : vector<64x10000xf32>
    %jit3A_23 = arith.constant 0.000000e+00 : f32
    %broadcast_in_dim3A_24 = vector.broadcast %jit3A_23 : f32 to vector<64x10000xf32>
    %select_n3A_25 = arith.select %eq3A_22, %get3A_16, %broadcast_in_dim3A_24 : vector<64x10000xi1>, vector<64x10000xf32>
    %reduce_sum3A_26 = arith.constant dense<0.000000e+00> : vector<64xf32>
    %reduce_sum3A_27 = vector.multi_reduction <add>, %select_n3A_25, %reduce_sum3A_26 [1] : vector<64x10000xf32> to vector<64xf32>
    %broadcast_in_dim3A_28 = vector.shape_cast %reduce_sum3A_27 : vector<64xf32> to vector<64x1xf32>
    %get3A_29 = arith.constant 0 : index
    %get3A_30 = arith.constant 0 : index
    %get3A_31 = vector.load %arg0[%get3A_29, %get3A_30] : memref<64x128xf32, #tpu.memory_space<vmem>>, vector<64x128xf32>
    %get3A_32 = arith.constant 0 : index
    %get3A_33 = arith.constant 0 : index
    %get3A_34 = vector.load %arg1[%get3A_32, %get3A_33] : memref<64x128xf32, #tpu.memory_space<vmem>>, vector<64x128xf32>
    %get3A_35 = arith.constant 0 : index
    %get3A_36 = arith.constant 0 : index
    %get3A_37 = vector.load %arg2[%get3A_35, %get3A_36] : memref<64x128xf32, #tpu.memory_space<vmem>>, vector<64x128xf32>
    %get3A_38 = arith.constant 0 : index
    %get3A_39 = arith.constant 0 : index
    %get3A_40 = vector.load %arg9[%get3A_38, %get3A_39] : memref<385x128xf32, #tpu.memory_space<vmem>>, vector<128x128xf32>
    %dot_general3A_41 = arith.constant dense<0.000000e+00> : vector<64x128xf32>
    %dot_general3A_42 = tpu.matmul %get3A_31, %get3A_40, %dot_general3A_41 {dimension_numbers = #tpu.dot_dimension_numbers<[1], [0], [0], [1], [0, 0, 1, 1], [], []>, transpose_lhs_hint = false} : vector<64x128xf32>, vector<128x128xf32>, vector<64x128xf32> -> vector<64x128xf32>
    %get3A_43 = arith.constant 128 : index
    %get3A_44 = arith.constant 0 : index
    %get3A_45 = vector.load %arg9[%get3A_43, %get3A_44] : memref<385x128xf32, #tpu.memory_space<vmem>>, vector<128x128xf32>
    %dot_general3A_46 = arith.constant dense<0.000000e+00> : vector<64x128xf32>
    %dot_general3A_47 = tpu.matmul %get3A_34, %get3A_45, %dot_general3A_46 {dimension_numbers = #tpu.dot_dimension_numbers<[1], [0], [0], [1], [0, 0, 1, 1], [], []>, transpose_lhs_hint = false} : vector<64x128xf32>, vector<128x128xf32>, vector<64x128xf32> -> vector<64x128xf32>
    %add3A = arith.addf %dot_general3A_42, %dot_general3A_47 : vector<64x128xf32>
    %get3A_48 = arith.constant 256 : index
    %get3A_49 = arith.constant 0 : index
    %get3A_50 = vector.load %arg9[%get3A_48, %get3A_49] : memref<385x128xf32, #tpu.memory_space<vmem>>, vector<128x128xf32>
    %dot_general3A_51 = arith.constant dense<0.000000e+00> : vector<64x128xf32>
    %dot_general3A_52 = tpu.matmul %get3A_37, %get3A_50, %dot_general3A_51 {dimension_numbers = #tpu.dot_dimension_numbers<[1], [0], [0], [1], [0, 0, 1, 1], [], []>, transpose_lhs_hint = false} : vector<64x128xf32>, vector<128x128xf32>, vector<64x128xf32> -> vector<64x128xf32>
    %add3A_53 = arith.addf %add3A, %dot_general3A_52 : vector<64x128xf32>
    %get3A_54 = arith.constant 384 : index
    %get3A_55 = arith.constant 0 : index
    %get3A_56 = vector.load %arg9[%get3A_54, %get3A_55] : memref<385x128xf32, #tpu.memory_space<vmem>>, vector<1x128xf32>
    %dot_general3A_57 = arith.constant dense<0.000000e+00> : vector<64x128xf32>
    %dot_general3A_58 = tpu.matmul %broadcast_in_dim3A_20, %get3A_56, %dot_general3A_57 {dimension_numbers = #tpu.dot_dimension_numbers<[1], [0], [0], [1], [0, 0, 1, 1], [], []>, transpose_lhs_hint = false} : vector<64x1xf32>, vector<1x128xf32>, vector<64x128xf32> -> vector<64x128xf32>
    %add3A_59 = arith.addf %add3A_53, %dot_general3A_58 : vector<64x128xf32>
    %get3A_60 = arith.constant 0 : index
    %get3A_61 = vector.load %arg10[%get3A_60] : memref<128xf32, #tpu.memory_space<vmem>>, vector<128xf32>
    %broadcast_in_dim3A_62 = vector.shape_cast %get3A_61 : vector<128xf32> to vector<1x128xf32>
    %add3A_63 = vector.broadcast %broadcast_in_dim3A_62 : vector<1x128xf32> to vector<64x128xf32>
    %add3A_64 = arith.addf %add3A_59, %add3A_63 : vector<64x128xf32>
    %max3A = arith.constant 0.000000e+00 : f32
    %max3A_65 = vector.broadcast %max3A : f32 to vector<64x128xf32>
    %max3A_66 = arith.maximumf %add3A_64, %max3A_65 : vector<64x128xf32>
    %get3A_67 = arith.constant 0 : index
    %get3A_68 = arith.constant 0 : index
    %get3A_69 = vector.load %arg11[%get3A_67, %get3A_68] : memref<128x128xf32, #tpu.memory_space<vmem>>, vector<128x128xf32>
    %dot_general3A_70 = arith.constant dense<0.000000e+00> : vector<64x128xf32>
    %dot_general3A_71 = tpu.matmul %max3A_66, %get3A_69, %dot_general3A_70 {dimension_numbers = #tpu.dot_dimension_numbers<[1], [1], [0], [0], [0, 0, 1, 0], [], []>, transpose_lhs_hint = false} : vector<64x128xf32>, vector<128x128xf32>, vector<64x128xf32> -> vector<64x128xf32>
    %get3A_72 = arith.constant 0 : index
    %get3A_73 = vector.load %arg12[%get3A_72] : memref<128xf32, #tpu.memory_space<vmem>>, vector<128xf32>
    %broadcast_in_dim3A_74 = vector.shape_cast %get3A_73 : vector<128xf32> to vector<1x128xf32>
    %add3A_75 = vector.broadcast %broadcast_in_dim3A_74 : vector<1x128xf32> to vector<64x128xf32>
    %add3A_76 = arith.addf %dot_general3A_71, %add3A_75 : vector<64x128xf32>
    %get3A_77 = arith.constant 0 : index
    %get3A_78 = arith.constant 0 : index
    %get3A_79 = vector.load %arg1[%get3A_77, %get3A_78] : memref<64x128xf32, #tpu.memory_space<vmem>>, vector<64x128xf32>
    %get3A_80 = arith.constant 0 : index
    %get3A_81 = arith.constant 0 : index
    %get3A_82 = vector.load %arg0[%get3A_80, %get3A_81] : memref<64x128xf32, #tpu.memory_space<vmem>>, vector<64x128xf32>
    %get3A_83 = arith.constant 0 : index
    %get3A_84 = arith.constant 0 : index
    %get3A_85 = vector.load %arg3[%get3A_83, %get3A_84] : memref<64x128xf32, #tpu.memory_space<vmem>>, vector<64x128xf32>
    %get3A_86 = arith.constant 0 : index
    %get3A_87 = arith.constant 0 : index
    %get3A_88 = vector.load %arg13[%get3A_86, %get3A_87] : memref<385x128xf32, #tpu.memory_space<vmem>>, vector<128x128xf32>
    %dot_general3A_89 = arith.constant dense<0.000000e+00> : vector<64x128xf32>
    %dot_general3A_90 = tpu.matmul %get3A_79, %get3A_88, %dot_general3A_89 {dimension_numbers = #tpu.dot_dimension_numbers<[1], [0], [0], [1], [0, 0, 1, 1], [], []>, transpose_lhs_hint = false} : vector<64x128xf32>, vector<128x128xf32>, vector<64x128xf32> -> vector<64x128xf32>
    %get3A_91 = arith.constant 128 : index
    %get3A_92 = arith.constant 0 : index
    %get3A_93 = vector.load %arg13[%get3A_91, %get3A_92] : memref<385x128xf32, #tpu.memory_space<vmem>>, vector<128x128xf32>
    %dot_general3A_94 = arith.constant dense<0.000000e+00> : vector<64x128xf32>
    %dot_general3A_95 = tpu.matmul %get3A_82, %get3A_93, %dot_general3A_94 {dimension_numbers = #tpu.dot_dimension_numbers<[1], [0], [0], [1], [0, 0, 1, 1], [], []>, transpose_lhs_hint = false} : vector<64x128xf32>, vector<128x128xf32>, vector<64x128xf32> -> vector<64x128xf32>
    %add3A_96 = arith.addf %dot_general3A_90, %dot_general3A_95 : vector<64x128xf32>
    %get3A_97 = arith.constant 256 : index
    %get3A_98 = arith.constant 0 : index
    %get3A_99 = vector.load %arg13[%get3A_97, %get3A_98] : memref<385x128xf32, #tpu.memory_space<vmem>>, vector<128x128xf32>
    %dot_general3A_100 = arith.constant dense<0.000000e+00> : vector<64x128xf32>
    %dot_general3A_101 = tpu.matmul %get3A_85, %get3A_99, %dot_general3A_100 {dimension_numbers = #tpu.dot_dimension_numbers<[1], [0], [0], [1], [0, 0, 1, 1], [], []>, transpose_lhs_hint = false} : vector<64x128xf32>, vector<128x128xf32>, vector<64x128xf32> -> vector<64x128xf32>
    %add3A_102 = arith.addf %add3A_96, %dot_general3A_101 : vector<64x128xf32>
    %get3A_103 = arith.constant 384 : index
    %get3A_104 = arith.constant 0 : index
    %get3A_105 = vector.load %arg13[%get3A_103, %get3A_104] : memref<385x128xf32, #tpu.memory_space<vmem>>, vector<1x128xf32>
    %dot_general3A_106 = arith.constant dense<0.000000e+00> : vector<64x128xf32>
    %dot_general3A_107 = tpu.matmul %broadcast_in_dim3A_28, %get3A_105, %dot_general3A_106 {dimension_numbers = #tpu.dot_dimension_numbers<[1], [0], [0], [1], [0, 0, 1, 1], [], []>, transpose_lhs_hint = false} : vector<64x1xf32>, vector<1x128xf32>, vector<64x128xf32> -> vector<64x128xf32>
    %add3A_108 = arith.addf %add3A_102, %dot_general3A_107 : vector<64x128xf32>
    %get3A_109 = arith.constant 0 : index
    %get3A_110 = vector.load %arg14[%get3A_109] : memref<128xf32, #tpu.memory_space<vmem>>, vector<128xf32>
    %broadcast_in_dim3A_111 = vector.shape_cast %get3A_110 : vector<128xf32> to vector<1x128xf32>
    %add3A_112 = vector.broadcast %broadcast_in_dim3A_111 : vector<1x128xf32> to vector<64x128xf32>
    %add3A_113 = arith.addf %add3A_108, %add3A_112 : vector<64x128xf32>
    %max3A_114 = arith.constant 0.000000e+00 : f32
    %max3A_115 = vector.broadcast %max3A_114 : f32 to vector<64x128xf32>
    %max3A_116 = arith.maximumf %add3A_113, %max3A_115 : vector<64x128xf32>
    %get3A_117 = arith.constant 0 : index
    %get3A_118 = arith.constant 0 : index
    %get3A_119 = vector.load %arg15[%get3A_117, %get3A_118] : memref<128x128xf32, #tpu.memory_space<vmem>>, vector<128x128xf32>
    %dot_general3A_120 = arith.constant dense<0.000000e+00> : vector<64x128xf32>
    %dot_general3A_121 = tpu.matmul %max3A_116, %get3A_119, %dot_general3A_120 {dimension_numbers = #tpu.dot_dimension_numbers<[1], [1], [0], [0], [0, 0, 1, 0], [], []>, transpose_lhs_hint = false} : vector<64x128xf32>, vector<128x128xf32>, vector<64x128xf32> -> vector<64x128xf32>
    %get3A_122 = arith.constant 0 : index
    %get3A_123 = vector.load %arg16[%get3A_122] : memref<128xf32, #tpu.memory_space<vmem>>, vector<128xf32>
    %broadcast_in_dim3A_124 = vector.shape_cast %get3A_123 : vector<128xf32> to vector<1x128xf32>
    %add3A_125 = vector.broadcast %broadcast_in_dim3A_124 : vector<1x128xf32> to vector<64x128xf32>
    %add3A_126 = arith.addf %dot_general3A_121, %add3A_125 : vector<64x128xf32>
    %concatenate3A = tpu.concatenate %add3A_76, %add3A_126 in 0 : vector<64x128xf32>, vector<64x128xf32> -> vector<128x128xf32>
    %get3A_127 = arith.constant 0 : index
    %get3A_128 = arith.constant 0 : index
    %get3A_129 = vector.load %arg0[%get3A_127, %get3A_128] : memref<64x128xf32, #tpu.memory_space<vmem>>, vector<64x128xf32>
    %get3A_130 = arith.constant 0 : index
    %get3A_131 = arith.constant 0 : index
    %get3A_132 = vector.load %arg1[%get3A_130, %get3A_131] : memref<64x128xf32, #tpu.memory_space<vmem>>, vector<64x128xf32>
    %concatenate3A_133 = tpu.concatenate %get3A_129, %get3A_132 in 0 : vector<64x128xf32>, vector<64x128xf32> -> vector<128x128xf32>
    %get3A_134 = arith.constant 0 : index
    %get3A_135 = arith.constant 0 : index
    %get3A_136 = vector.load %arg5[%get3A_134, %get3A_135] : memref<1x64xi32, #tpu.memory_space<vmem>>, vector<1x64xi32>
    %get3A_137 = arith.constant 0 : index
    %get3A_138 = arith.constant 0 : index
    %get3A_139 = vector.load %arg6[%get3A_137, %get3A_138] : memref<1x64xi32, #tpu.memory_space<vmem>>, vector<1x64xi32>
    %concatenate3A_140 = tpu.concatenate %get3A_136, %get3A_139 in 1 : vector<1x64xi32>, vector<1x64xi32> -> vector<1x128xi32>
    %convert_element_type3A_141 = arith.sitofp %concatenate3A_140 : vector<1x128xi32> to vector<1x128xf32>
    %iota3A_142 = tpu.iota {dimensions = array<i32: 0>} : vector<128x128xi32>
    %iota3A_143 = tpu.iota {dimensions = array<i32: 1>} : vector<128x128xi32>
    %eq3A_144 = arith.cmpi eq, %iota3A_142, %iota3A_143 : vector<128x128xi32>
    %convert_element_type3A_145 = arith.extui %eq3A_144 : vector<128x128xi1> to vector<128x128xi32>
    %convert_element_type3A_146 = arith.sitofp %convert_element_type3A_145 : vector<128x128xi32> to vector<128x128xf32>
    %dot_general3A_147 = arith.constant dense<0.000000e+00> : vector<128x1xf32>
    %dot_general3A_148 = tpu.matmul %convert_element_type3A_146, %convert_element_type3A_141, %dot_general3A_147 {dimension_numbers = #tpu.dot_dimension_numbers<[1], [1], [0], [0], [0, 0, 1, 0], [], []>, transpose_lhs_hint = false} : vector<128x128xf32>, vector<1x128xf32>, vector<128x1xf32> -> vector<128x1xf32>
    %eq3A_149 = vector.broadcast %dot_general3A_148 : vector<128x1xf32> to vector<128x128xf32>
    %eq3A_150 = vector.broadcast %convert_element_type3A_141 : vector<1x128xf32> to vector<128x128xf32>
    %eq3A_151 = arith.cmpf oeq, %eq3A_149, %eq3A_150 : vector<128x128xf32>
    %convert_element_type3A_152 = arith.extui %eq3A_151 : vector<128x128xi1> to vector<128x128xi32>
    %convert_element_type3A_153 = arith.sitofp %convert_element_type3A_152 : vector<128x128xi32> to vector<128x128xf32>
    %reduce_sum3A_154 = arith.constant dense<0.000000e+00> : vector<128xf32>
    %reduce_sum3A_155 = vector.multi_reduction <add>, %convert_element_type3A_153, %reduce_sum3A_154 [1] : vector<128x128xf32> to vector<128xf32>
    %broadcast_in_dim3A_156 = vector.shape_cast %reduce_sum3A_155 : vector<128xf32> to vector<128x1xf32>
    %dot_general3A_157 = arith.constant dense<0.000000e+00> : vector<128x128xf32>
    %dot_general3A_158 = tpu.matmul %convert_element_type3A_153, %concatenate3A, %dot_general3A_157 {dimension_numbers = #tpu.dot_dimension_numbers<[1], [0], [0], [1], [0, 0, 1, 1], [], []>, transpose_lhs_hint = false} : vector<128x128xf32>, vector<128x128xf32>, vector<128x128xf32> -> vector<128x128xf32>
    %div3A = vector.broadcast %broadcast_in_dim3A_156 : vector<128x1xf32> to vector<128x128xf32>
    %div3A_159 = arith.divf %dot_general3A_158, %div3A : vector<128x128xf32>
    %get3A_160 = arith.constant 0 : index
    %get3A_161 = arith.constant 0 : index
    %get3A_162 = vector.load %arg17[%get3A_160, %get3A_161] : memref<384x128xf32, #tpu.memory_space<vmem>>, vector<384x128xf32>
    %dot_general3A_163 = arith.constant dense<0.000000e+00> : vector<128x384xf32>
    %dot_general3A_164 = tpu.matmul %div3A_159, %get3A_162, %dot_general3A_163 {dimension_numbers = #tpu.dot_dimension_numbers<[1], [1], [0], [0], [0, 0, 1, 0], [], []>, transpose_lhs_hint = false} : vector<128x128xf32>, vector<384x128xf32>, vector<128x384xf32> -> vector<128x384xf32>
    %get3A_165 = arith.constant 0 : index
    %get3A_166 = vector.load %arg19[%get3A_165] : memref<384xf32, #tpu.memory_space<vmem>>, vector<384xf32>
    %broadcast_in_dim3A_167 = vector.shape_cast %get3A_166 : vector<384xf32> to vector<1x384xf32>
    %add3A_168 = vector.broadcast %broadcast_in_dim3A_167 : vector<1x384xf32> to vector<128x384xf32>
    %add3A_169 = arith.addf %dot_general3A_164, %add3A_168 : vector<128x384xf32>
    %get3A_170 = arith.constant 0 : index
    %get3A_171 = arith.constant 0 : index
    %get3A_172 = vector.load %arg18[%get3A_170, %get3A_171] : memref<384x128xf32, #tpu.memory_space<vmem>>, vector<384x128xf32>
    %dot_general3A_173 = arith.constant dense<0.000000e+00> : vector<128x384xf32>
    %dot_general3A_174 = tpu.matmul %concatenate3A_133, %get3A_172, %dot_general3A_173 {dimension_numbers = #tpu.dot_dimension_numbers<[1], [1], [0], [0], [0, 0, 1, 0], [], []>, transpose_lhs_hint = false} : vector<128x128xf32>, vector<384x128xf32>, vector<128x384xf32> -> vector<128x384xf32>
    %get3A_175 = arith.constant 0 : index
    %get3A_176 = vector.load %arg20[%get3A_175] : memref<384xf32, #tpu.memory_space<vmem>>, vector<384xf32>
    %broadcast_in_dim3A_177 = vector.shape_cast %get3A_176 : vector<384xf32> to vector<1x384xf32>
    %add3A_178 = vector.broadcast %broadcast_in_dim3A_177 : vector<1x384xf32> to vector<128x384xf32>
    %add3A_179 = arith.addf %dot_general3A_174, %add3A_178 : vector<128x384xf32>
    %slice3A = vector.extract_strided_slice %add3A_169 {offsets = [0, 0], sizes = [128, 128], strides = [1, 1]} : vector<128x384xf32> to vector<128x128xf32>
    %slice3A_180 = vector.extract_strided_slice %add3A_179 {offsets = [0, 0], sizes = [128, 128], strides = [1, 1]} : vector<128x384xf32> to vector<128x128xf32>
    %add3A_181 = arith.addf %slice3A, %slice3A_180 : vector<128x128xf32>
    %logistic3A = arith.negf %add3A_181 : vector<128x128xf32>
    %logistic3A_182 = math.exp %logistic3A : vector<128x128xf32>
    %logistic3A_183 = arith.constant 1.000000e+00 : f32
    %logistic3A_184 = vector.broadcast %logistic3A_183 : f32 to vector<128x128xf32>
    %logistic3A_185 = arith.addf %logistic3A_184, %logistic3A_182 : vector<128x128xf32>
    %logistic3A_186 = arith.divf %logistic3A_184, %logistic3A_185 : vector<128x128xf32>
    %slice3A_187 = vector.extract_strided_slice %add3A_169 {offsets = [0, 128], sizes = [128, 128], strides = [1, 1]} : vector<128x384xf32> to vector<128x128xf32>
    %slice3A_188 = vector.extract_strided_slice %add3A_179 {offsets = [0, 128], sizes = [128, 128], strides = [1, 1]} : vector<128x384xf32> to vector<128x128xf32>
    %add3A_189 = arith.addf %slice3A_187, %slice3A_188 : vector<128x128xf32>
    %logistic3A_190 = arith.negf %add3A_189 : vector<128x128xf32>
    %logistic3A_191 = math.exp %logistic3A_190 : vector<128x128xf32>
    %logistic3A_192 = arith.constant 1.000000e+00 : f32
    %logistic3A_193 = vector.broadcast %logistic3A_192 : f32 to vector<128x128xf32>
    %logistic3A_194 = arith.addf %logistic3A_193, %logistic3A_191 : vector<128x128xf32>
    %logistic3A_195 = arith.divf %logistic3A_193, %logistic3A_194 : vector<128x128xf32>
    %slice3A_196 = vector.extract_strided_slice %add3A_169 {offsets = [0, 256], sizes = [128, 128], strides = [1, 1]} : vector<128x384xf32> to vector<128x128xf32>
    %slice3A_197 = vector.extract_strided_slice %add3A_179 {offsets = [0, 256], sizes = [128, 128], strides = [1, 1]} : vector<128x384xf32> to vector<128x128xf32>
    %mul3A = arith.mulf %logistic3A_186, %slice3A_197 : vector<128x128xf32>
    %add3A_198 = arith.addf %slice3A_196, %mul3A : vector<128x128xf32>
    %tanh3A = math.tanh %add3A_198 : vector<128x128xf32>
    %sub3A = arith.constant 1.000000e+00 : f32
    %sub3A_199 = vector.broadcast %sub3A : f32 to vector<128x128xf32>
    %sub3A_200 = arith.subf %sub3A_199, %logistic3A_195 : vector<128x128xf32>
    %mul3A_201 = arith.mulf %sub3A_200, %tanh3A : vector<128x128xf32>
    %mul3A_202 = arith.mulf %logistic3A_195, %concatenate3A_133 : vector<128x128xf32>
    %add3A_203 = arith.addf %mul3A_201, %mul3A_202 : vector<128x128xf32>
    %swap3A = arith.constant 0 : index
    %swap3A_204 = arith.constant 0 : index
    %swap3A_205 = vector.load %arg23[%swap3A, %swap3A_204] : memref<128x128xf32, #tpu.memory_space<vmem>>, vector<128x128xf32>
    tpu.vector_store %arg23[%swap3A, %swap3A_204], %add3A_203 {strides = array<i32>} : memref<128x128xf32, #tpu.memory_space<vmem>>, vector<128x128xf32>,
    %get3A_206 = arith.constant 0 : index
    %get3A_207 = arith.constant 0 : index
    %get3A_208 = memref.load %arg7[%get3A_206, %get3A_207] : memref<1x64xi32, #tpu.memory_space<smem>>
    %get3A_209 = arith.constant 0 : index
    %get3A_210 = arith.constant 1 : index
    %get3A_211 = memref.load %arg7[%get3A_209, %get3A_210] : memref<1x64xi32, #tpu.memory_space<smem>>
    %get3A_212 = arith.constant 0 : index
    %get3A_213 = arith.constant 2 : index
    %get3A_214 = memref.load %arg7[%get3A_212, %get3A_213] : memref<1x64xi32, #tpu.memory_space<smem>>
    %get3A_215 = arith.constant 0 : index
    %get3A_216 = arith.constant 3 : index
    %get3A_217 = memref.load %arg7[%get3A_215, %get3A_216] : memref<1x64xi32, #tpu.memory_space<smem>>
    %get3A_218 = arith.constant 0 : index
    %get3A_219 = arith.constant 4 : index
    %get3A_220 = memref.load %arg7[%get3A_218, %get3A_219] : memref<1x64xi32, #tpu.memory_space<smem>>
    %get3A_221 = arith.constant 0 : index
    %get3A_222 = arith.constant 5 : index
    %get3A_223 = memref.load %arg7[%get3A_221, %get3A_222] : memref<1x64xi32, #tpu.memory_space<smem>>
    %get3A_224 = arith.constant 0 : index
    %get3A_225 = arith.constant 6 : index
    %get3A_226 = memref.load %arg7[%get3A_224, %get3A_225] : memref<1x64xi32, #tpu.memory_space<smem>>
    %get3A_227 = arith.constant 0 : index
    %get3A_228 = arith.constant 7 : index
    %get3A_229 = memref.load %arg7[%get3A_227, %get3A_228] : memref<1x64xi32, #tpu.memory_space<smem>>
    %get3A_230 = arith.constant 0 : index
    %get3A_231 = arith.constant 8 : index
    %get3A_232 = memref.load %arg7[%get3A_230, %get3A_231] : memref<1x64xi32, #tpu.memory_space<smem>>
    %get3A_233 = arith.constant 0 : index
    %get3A_234 = arith.constant 9 : index
    %get3A_235 = memref.load %arg7[%get3A_233, %get3A_234] : memref<1x64xi32, #tpu.memory_space<smem>>
    %get3A_236 = arith.constant 0 : index
    %get3A_237 = arith.constant 10 : index
    %get3A_238 = memref.load %arg7[%get3A_236, %get3A_237] : memref<1x64xi32, #tpu.memory_space<smem>>
    %get3A_239 = arith.constant 0 : index
    %get3A_240 = arith.constant 11 : index
    %get3A_241 = memref.load %arg7[%get3A_239, %get3A_240] : memref<1x64xi32, #tpu.memory_space<smem>>
    %get3A_242 = arith.constant 0 : index
    %get3A_243 = arith.constant 12 : index
    %get3A_244 = memref.load %arg7[%get3A_242, %get3A_243] : memref<1x64xi32, #tpu.memory_space<smem>>
    %get3A_245 = arith.constant 0 : index
    %get3A_246 = arith.constant 13 : index
    %get3A_247 = memref.load %arg7[%get3A_245, %get3A_246] : memref<1x64xi32, #tpu.memory_space<smem>>
    %get3A_248 = arith.constant 0 : index
    %get3A_249 = arith.constant 14 : index
    %get3A_250 = memref.load %arg7[%get3A_248, %get3A_249] : memref<1x64xi32, #tpu.memory_space<smem>>
    %get3A_251 = arith.constant 0 : index
    %get3A_252 = arith.constant 15 : index
    %get3A_253 = memref.load %arg7[%get3A_251, %get3A_252] : memref<1x64xi32, #tpu.memory_space<smem>>
    %get3A_254 = arith.constant 0 : index
    %get3A_255 = arith.constant 16 : index
    %get3A_256 = memref.load %arg7[%get3A_254, %get3A_255] : memref<1x64xi32, #tpu.memory_space<smem>>
    %get3A_257 = arith.constant 0 : index
    %get3A_258 = arith.constant 17 : index
    %get3A_259 = memref.load %arg7[%get3A_257, %get3A_258] : memref<1x64xi32, #tpu.memory_space<smem>>
    %get3A_260 = arith.constant 0 : index
    %get3A_261 = arith.constant 18 : index
    %get3A_262 = memref.load %arg7[%get3A_260, %get3A_261] : memref<1x64xi32, #tpu.memory_space<smem>>
    %get3A_263 = arith.constant 0 : index
    %get3A_264 = arith.constant 19 : index
    %get3A_265 = memref.load %arg7[%get3A_263, %get3A_264] : memref<1x64xi32, #tpu.memory_space<smem>>
    %get3A_266 = arith.constant 0 : index
    %get3A_267 = arith.constant 20 : index
    %get3A_268 = memref.load %arg7[%get3A_266, %get3A_267] : memref<1x64xi32, #tpu.memory_space<smem>>
    %get3A_269 = arith.constant 0 : index
    %get3A_270 = arith.constant 21 : index
    %get3A_271 = memref.load %arg7[%get3A_269, %get3A_270] : memref<1x64xi32, #tpu.memory_space<smem>>
    %get3A_272 = arith.constant 0 : index
    %get3A_273 = arith.constant 22 : index
    %get3A_274 = memref.load %arg7[%get3A_272, %get3A_273] : memref<1x64xi32, #tpu.memory_space<smem>>
    %get3A_275 = arith.constant 0 : index
    %get3A_276 = arith.constant 23 : index
    %get3A_277 = memref.load %arg7[%get3A_275, %get3A_276] : memref<1x64xi32, #tpu.memory_space<smem>>
    %get3A_278 = arith.constant 0 : index
    %get3A_279 = arith.constant 24 : index
    %get3A_280 = memref.load %arg7[%get3A_278, %get3A_279] : memref<1x64xi32, #tpu.memory_space<smem>>
    %get3A_281 = arith.constant 0 : index
    %get3A_282 = arith.constant 25 : index
    %get3A_283 = memref.load %arg7[%get3A_281, %get3A_282] : memref<1x64xi32, #tpu.memory_space<smem>>
    %get3A_284 = arith.constant 0 : index
    %get3A_285 = arith.constant 26 : index
    %get3A_286 = memref.load %arg7[%get3A_284, %get3A_285] : memref<1x64xi32, #tpu.memory_space<smem>>
    %get3A_287 = arith.constant 0 : index
    %get3A_288 = arith.constant 27 : index
    %get3A_289 = memref.load %arg7[%get3A_287, %get3A_288] : memref<1x64xi32, #tpu.memory_space<smem>>
    %get3A_290 = arith.constant 0 : index
    %get3A_291 = arith.constant 28 : index
    %get3A_292 = memref.load %arg7[%get3A_290, %get3A_291] : memref<1x64xi32, #tpu.memory_space<smem>>
    %get3A_293 = arith.constant 0 : index
    %get3A_294 = arith.constant 29 : index
    %get3A_295 = memref.load %arg7[%get3A_293, %get3A_294] : memref<1x64xi32, #tpu.memory_space<smem>>
    %get3A_296 = arith.constant 0 : index
    %get3A_297 = arith.constant 30 : index
    %get3A_298 = memref.load %arg7[%get3A_296, %get3A_297] : memref<1x64xi32, #tpu.memory_space<smem>>
    %get3A_299 = arith.constant 0 : index
    %get3A_300 = arith.constant 31 : index
    %get3A_301 = memref.load %arg7[%get3A_299, %get3A_300] : memref<1x64xi32, #tpu.memory_space<smem>>
    %get3A_302 = arith.constant 0 : index
    %get3A_303 = arith.constant 32 : index
    %get3A_304 = memref.load %arg7[%get3A_302, %get3A_303] : memref<1x64xi32, #tpu.memory_space<smem>>
    %get3A_305 = arith.constant 0 : index
    %get3A_306 = arith.constant 33 : index
    %get3A_307 = memref.load %arg7[%get3A_305, %get3A_306] : memref<1x64xi32, #tpu.memory_space<smem>>
    %get3A_308 = arith.constant 0 : index
    %get3A_309 = arith.constant 34 : index
    %get3A_310 = memref.load %arg7[%get3A_308, %get3A_309] : memref<1x64xi32, #tpu.memory_space<smem>>
    %get3A_311 = arith.constant 0 : index
    %get3A_312 = arith.constant 35 : index
    %get3A_313 = memref.load %arg7[%get3A_311, %get3A_312] : memref<1x64xi32, #tpu.memory_space<smem>>
    %get3A_314 = arith.constant 0 : index
    %get3A_315 = arith.constant 36 : index
    %get3A_316 = memref.load %arg7[%get3A_314, %get3A_315] : memref<1x64xi32, #tpu.memory_space<smem>>
    %get3A_317 = arith.constant 0 : index
    %get3A_318 = arith.constant 37 : index
    %get3A_319 = memref.load %arg7[%get3A_317, %get3A_318] : memref<1x64xi32, #tpu.memory_space<smem>>
    %get3A_320 = arith.constant 0 : index
    %get3A_321 = arith.constant 38 : index
    %get3A_322 = memref.load %arg7[%get3A_320, %get3A_321] : memref<1x64xi32, #tpu.memory_space<smem>>
    %get3A_323 = arith.constant 0 : index
    %get3A_324 = arith.constant 39 : index
    %get3A_325 = memref.load %arg7[%get3A_323, %get3A_324] : memref<1x64xi32, #tpu.memory_space<smem>>
    %get3A_326 = arith.constant 0 : index
    %get3A_327 = arith.constant 40 : index
    %get3A_328 = memref.load %arg7[%get3A_326, %get3A_327] : memref<1x64xi32, #tpu.memory_space<smem>>
    %get3A_329 = arith.constant 0 : index
    %get3A_330 = arith.constant 41 : index
    %get3A_331 = memref.load %arg7[%get3A_329, %get3A_330] : memref<1x64xi32, #tpu.memory_space<smem>>
    %get3A_332 = arith.constant 0 : index
    %get3A_333 = arith.constant 42 : index
    %get3A_334 = memref.load %arg7[%get3A_332, %get3A_333] : memref<1x64xi32, #tpu.memory_space<smem>>
    %get3A_335 = arith.constant 0 : index
    %get3A_336 = arith.constant 43 : index
    %get3A_337 = memref.load %arg7[%get3A_335, %get3A_336] : memref<1x64xi32, #tpu.memory_space<smem>>
    %get3A_338 = arith.constant 0 : index
    %get3A_339 = arith.constant 44 : index
    %get3A_340 = memref.load %arg7[%get3A_338, %get3A_339] : memref<1x64xi32, #tpu.memory_space<smem>>
    %get3A_341 = arith.constant 0 : index
    %get3A_342 = arith.constant 45 : index
    %get3A_343 = memref.load %arg7[%get3A_341, %get3A_342] : memref<1x64xi32, #tpu.memory_space<smem>>
    %get3A_344 = arith.constant 0 : index
    %get3A_345 = arith.constant 46 : index
    %get3A_346 = memref.load %arg7[%get3A_344, %get3A_345] : memref<1x64xi32, #tpu.memory_space<smem>>
    %get3A_347 = arith.constant 0 : index
    %get3A_348 = arith.constant 47 : index
    %get3A_349 = memref.load %arg7[%get3A_347, %get3A_348] : memref<1x64xi32, #tpu.memory_space<smem>>
    %get3A_350 = arith.constant 0 : index
    %get3A_351 = arith.constant 48 : index
    %get3A_352 = memref.load %arg7[%get3A_350, %get3A_351] : memref<1x64xi32, #tpu.memory_space<smem>>
    %get3A_353 = arith.constant 0 : index
    %get3A_354 = arith.constant 49 : index
    %get3A_355 = memref.load %arg7[%get3A_353, %get3A_354] : memref<1x64xi32, #tpu.memory_space<smem>>
    %get3A_356 = arith.constant 0 : index
    %get3A_357 = arith.constant 50 : index
    %get3A_358 = memref.load %arg7[%get3A_356, %get3A_357] : memref<1x64xi32, #tpu.memory_space<smem>>
    %get3A_359 = arith.constant 0 : index
    %get3A_360 = arith.constant 51 : index
    %get3A_361 = memref.load %arg7[%get3A_359, %get3A_360] : memref<1x64xi32, #tpu.memory_space<smem>>
    %get3A_362 = arith.constant 0 : index
    %get3A_363 = arith.constant 52 : index
    %get3A_364 = memref.load %arg7[%get3A_362, %get3A_363] : memref<1x64xi32, #tpu.memory_space<smem>>
    %get3A_365 = arith.constant 0 : index
    %get3A_366 = arith.constant 53 : index
    %get3A_367 = memref.load %arg7[%get3A_365, %get3A_366] : memref<1x64xi32, #tpu.memory_space<smem>>
    %get3A_368 = arith.constant 0 : index
    %get3A_369 = arith.constant 54 : index
    %get3A_370 = memref.load %arg7[%get3A_368, %get3A_369] : memref<1x64xi32, #tpu.memory_space<smem>>
    %get3A_371 = arith.constant 0 : index
    %get3A_372 = arith.constant 55 : index
    %get3A_373 = memref.load %arg7[%get3A_371, %get3A_372] : memref<1x64xi32, #tpu.memory_space<smem>>
    %get3A_374 = arith.constant 0 : index
    %get3A_375 = arith.constant 56 : index
    %get3A_376 = memref.load %arg7[%get3A_374, %get3A_375] : memref<1x64xi32, #tpu.memory_space<smem>>
    %get3A_377 = arith.constant 0 : index
    %get3A_378 = arith.constant 57 : index
    %get3A_379 = memref.load %arg7[%get3A_377, %get3A_378] : memref<1x64xi32, #tpu.memory_space<smem>>
    %get3A_380 = arith.constant 0 : index
    %get3A_381 = arith.constant 58 : index
    %get3A_382 = memref.load %arg7[%get3A_380, %get3A_381] : memref<1x64xi32, #tpu.memory_space<smem>>
    %get3A_383 = arith.constant 0 : index
    %get3A_384 = arith.constant 59 : index
    %get3A_385 = memref.load %arg7[%get3A_383, %get3A_384] : memref<1x64xi32, #tpu.memory_space<smem>>
    %get3A_386 = arith.constant 0 : index
    %get3A_387 = arith.constant 60 : index
    %get3A_388 = memref.load %arg7[%get3A_386, %get3A_387] : memref<1x64xi32, #tpu.memory_space<smem>>
    %get3A_389 = arith.constant 0 : index
    %get3A_390 = arith.constant 61 : index
    %get3A_391 = memref.load %arg7[%get3A_389, %get3A_390] : memref<1x64xi32, #tpu.memory_space<smem>>
    %get3A_392 = arith.constant 0 : index
    %get3A_393 = arith.constant 62 : index
    %get3A_394 = memref.load %arg7[%get3A_392, %get3A_393] : memref<1x64xi32, #tpu.memory_space<smem>>
    %get3A_395 = arith.constant 0 : index
    %get3A_396 = arith.constant 63 : index
    %get3A_397 = memref.load %arg7[%get3A_395, %get3A_396] : memref<1x64xi32, #tpu.memory_space<smem>>
    %get3A_398 = arith.constant 0 : index
    %get3A_399 = arith.constant 0 : index
    %get3A_400 = memref.load %arg8[%get3A_398, %get3A_399] : memref<1x64xi32, #tpu.memory_space<smem>>
    %get3A_401 = arith.constant 0 : index
    %get3A_402 = arith.constant 1 : index
    %get3A_403 = memref.load %arg8[%get3A_401, %get3A_402] : memref<1x64xi32, #tpu.memory_space<smem>>
    %get3A_404 = arith.constant 0 : index
    %get3A_405 = arith.constant 2 : index
    %get3A_406 = memref.load %arg8[%get3A_404, %get3A_405] : memref<1x64xi32, #tpu.memory_space<smem>>
    %get3A_407 = arith.constant 0 : index
    %get3A_408 = arith.constant 3 : index
    %get3A_409 = memref.load %arg8[%get3A_407, %get3A_408] : memref<1x64xi32, #tpu.memory_space<smem>>
    %get3A_410 = arith.constant 0 : index
    %get3A_411 = arith.constant 4 : index
    %get3A_412 = memref.load %arg8[%get3A_410, %get3A_411] : memref<1x64xi32, #tpu.memory_space<smem>>
    %get3A_413 = arith.constant 0 : index
    %get3A_414 = arith.constant 5 : index
    %get3A_415 = memref.load %arg8[%get3A_413, %get3A_414] : memref<1x64xi32, #tpu.memory_space<smem>>
    %get3A_416 = arith.constant 0 : index
    %get3A_417 = arith.constant 6 : index
    %get3A_418 = memref.load %arg8[%get3A_416, %get3A_417] : memref<1x64xi32, #tpu.memory_space<smem>>
    %get3A_419 = arith.constant 0 : index
    %get3A_420 = arith.constant 7 : index
    %get3A_421 = memref.load %arg8[%get3A_419, %get3A_420] : memref<1x64xi32, #tpu.memory_space<smem>>
    %get3A_422 = arith.constant 0 : index
    %get3A_423 = arith.constant 8 : index
    %get3A_424 = memref.load %arg8[%get3A_422, %get3A_423] : memref<1x64xi32, #tpu.memory_space<smem>>
    %get3A_425 = arith.constant 0 : index
    %get3A_426 = arith.constant 9 : index
    %get3A_427 = memref.load %arg8[%get3A_425, %get3A_426] : memref<1x64xi32, #tpu.memory_space<smem>>
    %get3A_428 = arith.constant 0 : index
    %get3A_429 = arith.constant 10 : index
    %get3A_430 = memref.load %arg8[%get3A_428, %get3A_429] : memref<1x64xi32, #tpu.memory_space<smem>>
    %get3A_431 = arith.constant 0 : index
    %get3A_432 = arith.constant 11 : index
    %get3A_433 = memref.load %arg8[%get3A_431, %get3A_432] : memref<1x64xi32, #tpu.memory_space<smem>>
    %get3A_434 = arith.constant 0 : index
    %get3A_435 = arith.constant 12 : index
    %get3A_436 = memref.load %arg8[%get3A_434, %get3A_435] : memref<1x64xi32, #tpu.memory_space<smem>>
    %get3A_437 = arith.constant 0 : index
    %get3A_438 = arith.constant 13 : index
    %get3A_439 = memref.load %arg8[%get3A_437, %get3A_438] : memref<1x64xi32, #tpu.memory_space<smem>>
    %get3A_440 = arith.constant 0 : index
    %get3A_441 = arith.constant 14 : index
    %get3A_442 = memref.load %arg8[%get3A_440, %get3A_441] : memref<1x64xi32, #tpu.memory_space<smem>>
    %get3A_443 = arith.constant 0 : index
    %get3A_444 = arith.constant 15 : index
    %get3A_445 = memref.load %arg8[%get3A_443, %get3A_444] : memref<1x64xi32, #tpu.memory_space<smem>>
    %get3A_446 = arith.constant 0 : index
    %get3A_447 = arith.constant 16 : index
    %get3A_448 = memref.load %arg8[%get3A_446, %get3A_447] : memref<1x64xi32, #tpu.memory_space<smem>>
    %get3A_449 = arith.constant 0 : index
    %get3A_450 = arith.constant 17 : index
    %get3A_451 = memref.load %arg8[%get3A_449, %get3A_450] : memref<1x64xi32, #tpu.memory_space<smem>>
    %get3A_452 = arith.constant 0 : index
    %get3A_453 = arith.constant 18 : index
    %get3A_454 = memref.load %arg8[%get3A_452, %get3A_453] : memref<1x64xi32, #tpu.memory_space<smem>>
    %get3A_455 = arith.constant 0 : index
    %get3A_456 = arith.constant 19 : index
    %get3A_457 = memref.load %arg8[%get3A_455, %get3A_456] : memref<1x64xi32, #tpu.memory_space<smem>>
    %get3A_458 = arith.constant 0 : index
    %get3A_459 = arith.constant 20 : index
    %get3A_460 = memref.load %arg8[%get3A_458, %get3A_459] : memref<1x64xi32, #tpu.memory_space<smem>>
    %get3A_461 = arith.constant 0 : index
    %get3A_462 = arith.constant 21 : index
    %get3A_463 = memref.load %arg8[%get3A_461, %get3A_462] : memref<1x64xi32, #tpu.memory_space<smem>>
    %get3A_464 = arith.constant 0 : index
    %get3A_465 = arith.constant 22 : index
    %get3A_466 = memref.load %arg8[%get3A_464, %get3A_465] : memref<1x64xi32, #tpu.memory_space<smem>>
    %get3A_467 = arith.constant 0 : index
    %get3A_468 = arith.constant 23 : index
    %get3A_469 = memref.load %arg8[%get3A_467, %get3A_468] : memref<1x64xi32, #tpu.memory_space<smem>>
    %get3A_470 = arith.constant 0 : index
    %get3A_471 = arith.constant 24 : index
    %get3A_472 = memref.load %arg8[%get3A_470, %get3A_471] : memref<1x64xi32, #tpu.memory_space<smem>>
    %get3A_473 = arith.constant 0 : index
    %get3A_474 = arith.constant 25 : index
    %get3A_475 = memref.load %arg8[%get3A_473, %get3A_474] : memref<1x64xi32, #tpu.memory_space<smem>>
    %get3A_476 = arith.constant 0 : index
    %get3A_477 = arith.constant 26 : index
    %get3A_478 = memref.load %arg8[%get3A_476, %get3A_477] : memref<1x64xi32, #tpu.memory_space<smem>>
    %get3A_479 = arith.constant 0 : index
    %get3A_480 = arith.constant 27 : index
    %get3A_481 = memref.load %arg8[%get3A_479, %get3A_480] : memref<1x64xi32, #tpu.memory_space<smem>>
    %get3A_482 = arith.constant 0 : index
    %get3A_483 = arith.constant 28 : index
    %get3A_484 = memref.load %arg8[%get3A_482, %get3A_483] : memref<1x64xi32, #tpu.memory_space<smem>>
    %get3A_485 = arith.constant 0 : index
    %get3A_486 = arith.constant 29 : index
    %get3A_487 = memref.load %arg8[%get3A_485, %get3A_486] : memref<1x64xi32, #tpu.memory_space<smem>>
    %get3A_488 = arith.constant 0 : index
    %get3A_489 = arith.constant 30 : index
    %get3A_490 = memref.load %arg8[%get3A_488, %get3A_489] : memref<1x64xi32, #tpu.memory_space<smem>>
    %get3A_491 = arith.constant 0 : index
    %get3A_492 = arith.constant 31 : index
    %get3A_493 = memref.load %arg8[%get3A_491, %get3A_492] : memref<1x64xi32, #tpu.memory_space<smem>>
    %get3A_494 = arith.constant 0 : index
    %get3A_495 = arith.constant 32 : index
    %get3A_496 = memref.load %arg8[%get3A_494, %get3A_495] : memref<1x64xi32, #tpu.memory_space<smem>>
    %get3A_497 = arith.constant 0 : index
    %get3A_498 = arith.constant 33 : index
    %get3A_499 = memref.load %arg8[%get3A_497, %get3A_498] : memref<1x64xi32, #tpu.memory_space<smem>>
    %get3A_500 = arith.constant 0 : index
    %get3A_501 = arith.constant 34 : index
    %get3A_502 = memref.load %arg8[%get3A_500, %get3A_501] : memref<1x64xi32, #tpu.memory_space<smem>>
    %get3A_503 = arith.constant 0 : index
    %get3A_504 = arith.constant 35 : index
    %get3A_505 = memref.load %arg8[%get3A_503, %get3A_504] : memref<1x64xi32, #tpu.memory_space<smem>>
    %get3A_506 = arith.constant 0 : index
    %get3A_507 = arith.constant 36 : index
    %get3A_508 = memref.load %arg8[%get3A_506, %get3A_507] : memref<1x64xi32, #tpu.memory_space<smem>>
    %get3A_509 = arith.constant 0 : index
    %get3A_510 = arith.constant 37 : index
    %get3A_511 = memref.load %arg8[%get3A_509, %get3A_510] : memref<1x64xi32, #tpu.memory_space<smem>>
    %get3A_512 = arith.constant 0 : index
    %get3A_513 = arith.constant 38 : index
    %get3A_514 = memref.load %arg8[%get3A_512, %get3A_513] : memref<1x64xi32, #tpu.memory_space<smem>>
    %get3A_515 = arith.constant 0 : index
    %get3A_516 = arith.constant 39 : index
    %get3A_517 = memref.load %arg8[%get3A_515, %get3A_516] : memref<1x64xi32, #tpu.memory_space<smem>>
    %get3A_518 = arith.constant 0 : index
    %get3A_519 = arith.constant 40 : index
    %get3A_520 = memref.load %arg8[%get3A_518, %get3A_519] : memref<1x64xi32, #tpu.memory_space<smem>>
    %get3A_521 = arith.constant 0 : index
    %get3A_522 = arith.constant 41 : index
    %get3A_523 = memref.load %arg8[%get3A_521, %get3A_522] : memref<1x64xi32, #tpu.memory_space<smem>>
    %get3A_524 = arith.constant 0 : index
    %get3A_525 = arith.constant 42 : index
    %get3A_526 = memref.load %arg8[%get3A_524, %get3A_525] : memref<1x64xi32, #tpu.memory_space<smem>>
    %get3A_527 = arith.constant 0 : index
    %get3A_528 = arith.constant 43 : index
    %get3A_529 = memref.load %arg8[%get3A_527, %get3A_528] : memref<1x64xi32, #tpu.memory_space<smem>>
    %get3A_530 = arith.constant 0 : index
    %get3A_531 = arith.constant 44 : index
    %get3A_532 = memref.load %arg8[%get3A_530, %get3A_531] : memref<1x64xi32, #tpu.memory_space<smem>>
    %get3A_533 = arith.constant 0 : index
    %get3A_534 = arith.constant 45 : index
    %get3A_535 = memref.load %arg8[%get3A_533, %get3A_534] : memref<1x64xi32, #tpu.memory_space<smem>>
    %get3A_536 = arith.constant 0 : index
    %get3A_537 = arith.constant 46 : index
    %get3A_538 = memref.load %arg8[%get3A_536, %get3A_537] : memref<1x64xi32, #tpu.memory_space<smem>>
    %get3A_539 = arith.constant 0 : index
    %get3A_540 = arith.constant 47 : index
    %get3A_541 = memref.load %arg8[%get3A_539, %get3A_540] : memref<1x64xi32, #tpu.memory_space<smem>>
    %get3A_542 = arith.constant 0 : index
    %get3A_543 = arith.constant 48 : index
    %get3A_544 = memref.load %arg8[%get3A_542, %get3A_543] : memref<1x64xi32, #tpu.memory_space<smem>>
    %get3A_545 = arith.constant 0 : index
    %get3A_546 = arith.constant 49 : index
    %get3A_547 = memref.load %arg8[%get3A_545, %get3A_546] : memref<1x64xi32, #tpu.memory_space<smem>>
    %get3A_548 = arith.constant 0 : index
    %get3A_549 = arith.constant 50 : index
    %get3A_550 = memref.load %arg8[%get3A_548, %get3A_549] : memref<1x64xi32, #tpu.memory_space<smem>>
    %get3A_551 = arith.constant 0 : index
    %get3A_552 = arith.constant 51 : index
    %get3A_553 = memref.load %arg8[%get3A_551, %get3A_552] : memref<1x64xi32, #tpu.memory_space<smem>>
    %get3A_554 = arith.constant 0 : index
    %get3A_555 = arith.constant 52 : index
    %get3A_556 = memref.load %arg8[%get3A_554, %get3A_555] : memref<1x64xi32, #tpu.memory_space<smem>>
    %get3A_557 = arith.constant 0 : index
    %get3A_558 = arith.constant 53 : index
    %get3A_559 = memref.load %arg8[%get3A_557, %get3A_558] : memref<1x64xi32, #tpu.memory_space<smem>>
    %get3A_560 = arith.constant 0 : index
    %get3A_561 = arith.constant 54 : index
    %get3A_562 = memref.load %arg8[%get3A_560, %get3A_561] : memref<1x64xi32, #tpu.memory_space<smem>>
    %get3A_563 = arith.constant 0 : index
    %get3A_564 = arith.constant 55 : index
    %get3A_565 = memref.load %arg8[%get3A_563, %get3A_564] : memref<1x64xi32, #tpu.memory_space<smem>>
    %get3A_566 = arith.constant 0 : index
    %get3A_567 = arith.constant 56 : index
    %get3A_568 = memref.load %arg8[%get3A_566, %get3A_567] : memref<1x64xi32, #tpu.memory_space<smem>>
    %get3A_569 = arith.constant 0 : index
    %get3A_570 = arith.constant 57 : index
    %get3A_571 = memref.load %arg8[%get3A_569, %get3A_570] : memref<1x64xi32, #tpu.memory_space<smem>>
    %get3A_572 = arith.constant 0 : index
    %get3A_573 = arith.constant 58 : index
    %get3A_574 = memref.load %arg8[%get3A_572, %get3A_573] : memref<1x64xi32, #tpu.memory_space<smem>>
    %get3A_575 = arith.constant 0 : index
    %get3A_576 = arith.constant 59 : index
    %get3A_577 = memref.load %arg8[%get3A_575, %get3A_576] : memref<1x64xi32, #tpu.memory_space<smem>>
    %get3A_578 = arith.constant 0 : index
    %get3A_579 = arith.constant 60 : index
    %get3A_580 = memref.load %arg8[%get3A_578, %get3A_579] : memref<1x64xi32, #tpu.memory_space<smem>>
    %get3A_581 = arith.constant 0 : index
    %get3A_582 = arith.constant 61 : index
    %get3A_583 = memref.load %arg8[%get3A_581, %get3A_582] : memref<1x64xi32, #tpu.memory_space<smem>>
    %get3A_584 = arith.constant 0 : index
    %get3A_585 = arith.constant 62 : index
    %get3A_586 = memref.load %arg8[%get3A_584, %get3A_585] : memref<1x64xi32, #tpu.memory_space<smem>>
    %get3A_587 = arith.constant 0 : index
    %get3A_588 = arith.constant 63 : index
    %get3A_589 = memref.load %arg8[%get3A_587, %get3A_588] : memref<1x64xi32, #tpu.memory_space<smem>>
    %dma_start3A = arith.constant 0 : i32
    %dma_start3A_590 = tpu.memref_slice %arg22[%get3A_208, %dma_start3A] : memref<10000x128xf32, #tpu.memory_space<any>> -> memref<1x128xf32, #tpu.memory_space<any>>
    %dma_start3A_591 = arith.constant 0 : i32
    %dma_start3A_592 = arith.constant 0 : i32
    %dma_start3A_593 = tpu.memref_slice %arg23[%dma_start3A_591, %dma_start3A_592] : memref<128x128xf32, #tpu.memory_space<vmem>> -> memref<1x128xf32, #tpu.memory_space<vmem>>
    tpu.enqueue_dma source(%dma_start3A_593 : memref<1x128xf32, #tpu.memory_space<vmem>>) target(%dma_start3A_590 : memref<1x128xf32, #tpu.memory_space<any>>) target_semaphore(%arg24 : memref<!tpu.dma_semaphore, #tpu.memory_space<semaphore_mem>>)
    %dma_start3A_594 = arith.constant 0 : i32
    %dma_start3A_595 = tpu.memref_slice %arg22[%get3A_211, %dma_start3A_594] : memref<10000x128xf32, #tpu.memory_space<any>> -> memref<1x128xf32, #tpu.memory_space<any>>
    %dma_start3A_596 = arith.constant 1 : i32
    %dma_start3A_597 = arith.constant 0 : i32
    %dma_start3A_598 = tpu.memref_slice %arg23[%dma_start3A_596, %dma_start3A_597] : memref<128x128xf32, #tpu.memory_space<vmem>> -> memref<1x128xf32, #tpu.memory_space<vmem>>
    tpu.enqueue_dma source(%dma_start3A_598 : memref<1x128xf32, #tpu.memory_space<vmem>>) target(%dma_start3A_595 : memref<1x128xf32, #tpu.memory_space<any>>) target_semaphore(%arg24 : memref<!tpu.dma_semaphore, #tpu.memory_space<semaphore_mem>>)
    %dma_start3A_599 = arith.constant 0 : i32
    %dma_start3A_600 = tpu.memref_slice %arg22[%get3A_214, %dma_start3A_599] : memref<10000x128xf32, #tpu.memory_space<any>> -> memref<1x128xf32, #tpu.memory_space<any>>
    %dma_start3A_601 = arith.constant 2 : i32
    %dma_start3A_602 = arith.constant 0 : i32
    %dma_start3A_603 = tpu.memref_slice %arg23[%dma_start3A_601, %dma_start3A_602] : memref<128x128xf32, #tpu.memory_space<vmem>> -> memref<1x128xf32, #tpu.memory_space<vmem>>
    tpu.enqueue_dma source(%dma_start3A_603 : memref<1x128xf32, #tpu.memory_space<vmem>>) target(%dma_start3A_600 : memref<1x128xf32, #tpu.memory_space<any>>) target_semaphore(%arg24 : memref<!tpu.dma_semaphore, #tpu.memory_space<semaphore_mem>>)
    %dma_start3A_604 = arith.constant 0 : i32
    %dma_start3A_605 = tpu.memref_slice %arg22[%get3A_217, %dma_start3A_604] : memref<10000x128xf32, #tpu.memory_space<any>> -> memref<1x128xf32, #tpu.memory_space<any>>
    %dma_start3A_606 = arith.constant 3 : i32
    %dma_start3A_607 = arith.constant 0 : i32
    %dma_start3A_608 = tpu.memref_slice %arg23[%dma_start3A_606, %dma_start3A_607] : memref<128x128xf32, #tpu.memory_space<vmem>> -> memref<1x128xf32, #tpu.memory_space<vmem>>
    tpu.enqueue_dma source(%dma_start3A_608 : memref<1x128xf32, #tpu.memory_space<vmem>>) target(%dma_start3A_605 : memref<1x128xf32, #tpu.memory_space<any>>) target_semaphore(%arg24 : memref<!tpu.dma_semaphore, #tpu.memory_space<semaphore_mem>>)
    %dma_start3A_609 = arith.constant 0 : i32
    %dma_start3A_610 = tpu.memref_slice %arg22[%get3A_220, %dma_start3A_609] : memref<10000x128xf32, #tpu.memory_space<any>> -> memref<1x128xf32, #tpu.memory_space<any>>
    %dma_start3A_611 = arith.constant 4 : i32
    %dma_start3A_612 = arith.constant 0 : i32
    %dma_start3A_613 = tpu.memref_slice %arg23[%dma_start3A_611, %dma_start3A_612] : memref<128x128xf32, #tpu.memory_space<vmem>> -> memref<1x128xf32, #tpu.memory_space<vmem>>
    tpu.enqueue_dma source(%dma_start3A_613 : memref<1x128xf32, #tpu.memory_space<vmem>>) target(%dma_start3A_610 : memref<1x128xf32, #tpu.memory_space<any>>) target_semaphore(%arg24 : memref<!tpu.dma_semaphore, #tpu.memory_space<semaphore_mem>>)
    %dma_start3A_614 = arith.constant 0 : i32
    %dma_start3A_615 = tpu.memref_slice %arg22[%get3A_223, %dma_start3A_614] : memref<10000x128xf32, #tpu.memory_space<any>> -> memref<1x128xf32, #tpu.memory_space<any>>
    %dma_start3A_616 = arith.constant 5 : i32
    %dma_start3A_617 = arith.constant 0 : i32
    %dma_start3A_618 = tpu.memref_slice %arg23[%dma_start3A_616, %dma_start3A_617] : memref<128x128xf32, #tpu.memory_space<vmem>> -> memref<1x128xf32, #tpu.memory_space<vmem>>
    tpu.enqueue_dma source(%dma_start3A_618 : memref<1x128xf32, #tpu.memory_space<vmem>>) target(%dma_start3A_615 : memref<1x128xf32, #tpu.memory_space<any>>) target_semaphore(%arg24 : memref<!tpu.dma_semaphore, #tpu.memory_space<semaphore_mem>>)
    %dma_start3A_619 = arith.constant 0 : i32
    %dma_start3A_620 = tpu.memref_slice %arg22[%get3A_226, %dma_start3A_619] : memref<10000x128xf32, #tpu.memory_space<any>> -> memref<1x128xf32, #tpu.memory_space<any>>
    %dma_start3A_621 = arith.constant 6 : i32
    %dma_start3A_622 = arith.constant 0 : i32
    %dma_start3A_623 = tpu.memref_slice %arg23[%dma_start3A_621, %dma_start3A_622] : memref<128x128xf32, #tpu.memory_space<vmem>> -> memref<1x128xf32, #tpu.memory_space<vmem>>
    tpu.enqueue_dma source(%dma_start3A_623 : memref<1x128xf32, #tpu.memory_space<vmem>>) target(%dma_start3A_620 : memref<1x128xf32, #tpu.memory_space<any>>) target_semaphore(%arg24 : memref<!tpu.dma_semaphore, #tpu.memory_space<semaphore_mem>>)
    %dma_start3A_624 = arith.constant 0 : i32
    %dma_start3A_625 = tpu.memref_slice %arg22[%get3A_229, %dma_start3A_624] : memref<10000x128xf32, #tpu.memory_space<any>> -> memref<1x128xf32, #tpu.memory_space<any>>
    %dma_start3A_626 = arith.constant 7 : i32
    %dma_start3A_627 = arith.constant 0 : i32
    %dma_start3A_628 = tpu.memref_slice %arg23[%dma_start3A_626, %dma_start3A_627] : memref<128x128xf32, #tpu.memory_space<vmem>> -> memref<1x128xf32, #tpu.memory_space<vmem>>
    tpu.enqueue_dma source(%dma_start3A_628 : memref<1x128xf32, #tpu.memory_space<vmem>>) target(%dma_start3A_625 : memref<1x128xf32, #tpu.memory_space<any>>) target_semaphore(%arg24 : memref<!tpu.dma_semaphore, #tpu.memory_space<semaphore_mem>>)
    %dma_start3A_629 = arith.constant 0 : i32
    %dma_start3A_630 = tpu.memref_slice %arg22[%get3A_232, %dma_start3A_629] : memref<10000x128xf32, #tpu.memory_space<any>> -> memref<1x128xf32, #tpu.memory_space<any>>
    %dma_start3A_631 = arith.constant 8 : i32
    %dma_start3A_632 = arith.constant 0 : i32
    %dma_start3A_633 = tpu.memref_slice %arg23[%dma_start3A_631, %dma_start3A_632] : memref<128x128xf32, #tpu.memory_space<vmem>> -> memref<1x128xf32, #tpu.memory_space<vmem>>
    tpu.enqueue_dma source(%dma_start3A_633 : memref<1x128xf32, #tpu.memory_space<vmem>>) target(%dma_start3A_630 : memref<1x128xf32, #tpu.memory_space<any>>) target_semaphore(%arg24 : memref<!tpu.dma_semaphore, #tpu.memory_space<semaphore_mem>>)
    %dma_start3A_634 = arith.constant 0 : i32
    %dma_start3A_635 = tpu.memref_slice %arg22[%get3A_235, %dma_start3A_634] : memref<10000x128xf32, #tpu.memory_space<any>> -> memref<1x128xf32, #tpu.memory_space<any>>
    %dma_start3A_636 = arith.constant 9 : i32
    %dma_start3A_637 = arith.constant 0 : i32
    %dma_start3A_638 = tpu.memref_slice %arg23[%dma_start3A_636, %dma_start3A_637] : memref<128x128xf32, #tpu.memory_space<vmem>> -> memref<1x128xf32, #tpu.memory_space<vmem>>
    tpu.enqueue_dma source(%dma_start3A_638 : memref<1x128xf32, #tpu.memory_space<vmem>>) target(%dma_start3A_635 : memref<1x128xf32, #tpu.memory_space<any>>) target_semaphore(%arg24 : memref<!tpu.dma_semaphore, #tpu.memory_space<semaphore_mem>>)
    %dma_start3A_639 = arith.constant 0 : i32
    %dma_start3A_640 = tpu.memref_slice %arg22[%get3A_238, %dma_start3A_639] : memref<10000x128xf32, #tpu.memory_space<any>> -> memref<1x128xf32, #tpu.memory_space<any>>
    %dma_start3A_641 = arith.constant 10 : i32
    %dma_start3A_642 = arith.constant 0 : i32
    %dma_start3A_643 = tpu.memref_slice %arg23[%dma_start3A_641, %dma_start3A_642] : memref<128x128xf32, #tpu.memory_space<vmem>> -> memref<1x128xf32, #tpu.memory_space<vmem>>
    tpu.enqueue_dma source(%dma_start3A_643 : memref<1x128xf32, #tpu.memory_space<vmem>>) target(%dma_start3A_640 : memref<1x128xf32, #tpu.memory_space<any>>) target_semaphore(%arg24 : memref<!tpu.dma_semaphore, #tpu.memory_space<semaphore_mem>>)
    %dma_start3A_644 = arith.constant 0 : i32
    %dma_start3A_645 = tpu.memref_slice %arg22[%get3A_241, %dma_start3A_644] : memref<10000x128xf32, #tpu.memory_space<any>> -> memref<1x128xf32, #tpu.memory_space<any>>
    %dma_start3A_646 = arith.constant 11 : i32
    %dma_start3A_647 = arith.constant 0 : i32
    %dma_start3A_648 = tpu.memref_slice %arg23[%dma_start3A_646, %dma_start3A_647] : memref<128x128xf32, #tpu.memory_space<vmem>> -> memref<1x128xf32, #tpu.memory_space<vmem>>
    tpu.enqueue_dma source(%dma_start3A_648 : memref<1x128xf32, #tpu.memory_space<vmem>>) target(%dma_start3A_645 : memref<1x128xf32, #tpu.memory_space<any>>) target_semaphore(%arg24 : memref<!tpu.dma_semaphore, #tpu.memory_space<semaphore_mem>>)
    %dma_start3A_649 = arith.constant 0 : i32
    %dma_start3A_650 = tpu.memref_slice %arg22[%get3A_244, %dma_start3A_649] : memref<10000x128xf32, #tpu.memory_space<any>> -> memref<1x128xf32, #tpu.memory_space<any>>
    %dma_start3A_651 = arith.constant 12 : i32
    %dma_start3A_652 = arith.constant 0 : i32
    %dma_start3A_653 = tpu.memref_slice %arg23[%dma_start3A_651, %dma_start3A_652] : memref<128x128xf32, #tpu.memory_space<vmem>> -> memref<1x128xf32, #tpu.memory_space<vmem>>
    tpu.enqueue_dma source(%dma_start3A_653 : memref<1x128xf32, #tpu.memory_space<vmem>>) target(%dma_start3A_650 : memref<1x128xf32, #tpu.memory_space<any>>) target_semaphore(%arg24 : memref<!tpu.dma_semaphore, #tpu.memory_space<semaphore_mem>>)
    %dma_start3A_654 = arith.constant 0 : i32
    %dma_start3A_655 = tpu.memref_slice %arg22[%get3A_247, %dma_start3A_654] : memref<10000x128xf32, #tpu.memory_space<any>> -> memref<1x128xf32, #tpu.memory_space<any>>
    %dma_start3A_656 = arith.constant 13 : i32
    %dma_start3A_657 = arith.constant 0 : i32
    %dma_start3A_658 = tpu.memref_slice %arg23[%dma_start3A_656, %dma_start3A_657] : memref<128x128xf32, #tpu.memory_space<vmem>> -> memref<1x128xf32, #tpu.memory_space<vmem>>
    tpu.enqueue_dma source(%dma_start3A_658 : memref<1x128xf32, #tpu.memory_space<vmem>>) target(%dma_start3A_655 : memref<1x128xf32, #tpu.memory_space<any>>) target_semaphore(%arg24 : memref<!tpu.dma_semaphore, #tpu.memory_space<semaphore_mem>>)
    %dma_start3A_659 = arith.constant 0 : i32
    %dma_start3A_660 = tpu.memref_slice %arg22[%get3A_250, %dma_start3A_659] : memref<10000x128xf32, #tpu.memory_space<any>> -> memref<1x128xf32, #tpu.memory_space<any>>
    %dma_start3A_661 = arith.constant 14 : i32
    %dma_start3A_662 = arith.constant 0 : i32
    %dma_start3A_663 = tpu.memref_slice %arg23[%dma_start3A_661, %dma_start3A_662] : memref<128x128xf32, #tpu.memory_space<vmem>> -> memref<1x128xf32, #tpu.memory_space<vmem>>
    tpu.enqueue_dma source(%dma_start3A_663 : memref<1x128xf32, #tpu.memory_space<vmem>>) target(%dma_start3A_660 : memref<1x128xf32, #tpu.memory_space<any>>) target_semaphore(%arg24 : memref<!tpu.dma_semaphore, #tpu.memory_space<semaphore_mem>>)
    %dma_start3A_664 = arith.constant 0 : i32
    %dma_start3A_665 = tpu.memref_slice %arg22[%get3A_253, %dma_start3A_664] : memref<10000x128xf32, #tpu.memory_space<any>> -> memref<1x128xf32, #tpu.memory_space<any>>
    %dma_start3A_666 = arith.constant 15 : i32
    %dma_start3A_667 = arith.constant 0 : i32
    %dma_start3A_668 = tpu.memref_slice %arg23[%dma_start3A_666, %dma_start3A_667] : memref<128x128xf32, #tpu.memory_space<vmem>> -> memref<1x128xf32, #tpu.memory_space<vmem>>
    tpu.enqueue_dma source(%dma_start3A_668 : memref<1x128xf32, #tpu.memory_space<vmem>>) target(%dma_start3A_665 : memref<1x128xf32, #tpu.memory_space<any>>) target_semaphore(%arg24 : memref<!tpu.dma_semaphore, #tpu.memory_space<semaphore_mem>>)
    %dma_start3A_669 = arith.constant 0 : i32
    %dma_start3A_670 = tpu.memref_slice %arg22[%get3A_256, %dma_start3A_669] : memref<10000x128xf32, #tpu.memory_space<any>> -> memref<1x128xf32, #tpu.memory_space<any>>
    %dma_start3A_671 = arith.constant 16 : i32
    %dma_start3A_672 = arith.constant 0 : i32
    %dma_start3A_673 = tpu.memref_slice %arg23[%dma_start3A_671, %dma_start3A_672] : memref<128x128xf32, #tpu.memory_space<vmem>> -> memref<1x128xf32, #tpu.memory_space<vmem>>
    tpu.enqueue_dma source(%dma_start3A_673 : memref<1x128xf32, #tpu.memory_space<vmem>>) target(%dma_start3A_670 : memref<1x128xf32, #tpu.memory_space<any>>) target_semaphore(%arg24 : memref<!tpu.dma_semaphore, #tpu.memory_space<semaphore_mem>>)
    %dma_start3A_674 = arith.constant 0 : i32
    %dma_start3A_675 = tpu.memref_slice %arg22[%get3A_259, %dma_start3A_674] : memref<10000x128xf32, #tpu.memory_space<any>> -> memref<1x128xf32, #tpu.memory_space<any>>
    %dma_start3A_676 = arith.constant 17 : i32
    %dma_start3A_677 = arith.constant 0 : i32
    %dma_start3A_678 = tpu.memref_slice %arg23[%dma_start3A_676, %dma_start3A_677] : memref<128x128xf32, #tpu.memory_space<vmem>> -> memref<1x128xf32, #tpu.memory_space<vmem>>
    tpu.enqueue_dma source(%dma_start3A_678 : memref<1x128xf32, #tpu.memory_space<vmem>>) target(%dma_start3A_675 : memref<1x128xf32, #tpu.memory_space<any>>) target_semaphore(%arg24 : memref<!tpu.dma_semaphore, #tpu.memory_space<semaphore_mem>>)
    %dma_start3A_679 = arith.constant 0 : i32
    %dma_start3A_680 = tpu.memref_slice %arg22[%get3A_262, %dma_start3A_679] : memref<10000x128xf32, #tpu.memory_space<any>> -> memref<1x128xf32, #tpu.memory_space<any>>
    %dma_start3A_681 = arith.constant 18 : i32
    %dma_start3A_682 = arith.constant 0 : i32
    %dma_start3A_683 = tpu.memref_slice %arg23[%dma_start3A_681, %dma_start3A_682] : memref<128x128xf32, #tpu.memory_space<vmem>> -> memref<1x128xf32, #tpu.memory_space<vmem>>
    tpu.enqueue_dma source(%dma_start3A_683 : memref<1x128xf32, #tpu.memory_space<vmem>>) target(%dma_start3A_680 : memref<1x128xf32, #tpu.memory_space<any>>) target_semaphore(%arg24 : memref<!tpu.dma_semaphore, #tpu.memory_space<semaphore_mem>>)
    %dma_start3A_684 = arith.constant 0 : i32
    %dma_start3A_685 = tpu.memref_slice %arg22[%get3A_265, %dma_start3A_684] : memref<10000x128xf32, #tpu.memory_space<any>> -> memref<1x128xf32, #tpu.memory_space<any>>
    %dma_start3A_686 = arith.constant 19 : i32
    %dma_start3A_687 = arith.constant 0 : i32
    %dma_start3A_688 = tpu.memref_slice %arg23[%dma_start3A_686, %dma_start3A_687] : memref<128x128xf32, #tpu.memory_space<vmem>> -> memref<1x128xf32, #tpu.memory_space<vmem>>
    tpu.enqueue_dma source(%dma_start3A_688 : memref<1x128xf32, #tpu.memory_space<vmem>>) target(%dma_start3A_685 : memref<1x128xf32, #tpu.memory_space<any>>) target_semaphore(%arg24 : memref<!tpu.dma_semaphore, #tpu.memory_space<semaphore_mem>>)
    %dma_start3A_689 = arith.constant 0 : i32
    %dma_start3A_690 = tpu.memref_slice %arg22[%get3A_268, %dma_start3A_689] : memref<10000x128xf32, #tpu.memory_space<any>> -> memref<1x128xf32, #tpu.memory_space<any>>
    %dma_start3A_691 = arith.constant 20 : i32
    %dma_start3A_692 = arith.constant 0 : i32
    %dma_start3A_693 = tpu.memref_slice %arg23[%dma_start3A_691, %dma_start3A_692] : memref<128x128xf32, #tpu.memory_space<vmem>> -> memref<1x128xf32, #tpu.memory_space<vmem>>
    tpu.enqueue_dma source(%dma_start3A_693 : memref<1x128xf32, #tpu.memory_space<vmem>>) target(%dma_start3A_690 : memref<1x128xf32, #tpu.memory_space<any>>) target_semaphore(%arg24 : memref<!tpu.dma_semaphore, #tpu.memory_space<semaphore_mem>>)
    %dma_start3A_694 = arith.constant 0 : i32
    %dma_start3A_695 = tpu.memref_slice %arg22[%get3A_271, %dma_start3A_694] : memref<10000x128xf32, #tpu.memory_space<any>> -> memref<1x128xf32, #tpu.memory_space<any>>
    %dma_start3A_696 = arith.constant 21 : i32
    %dma_start3A_697 = arith.constant 0 : i32
    %dma_start3A_698 = tpu.memref_slice %arg23[%dma_start3A_696, %dma_start3A_697] : memref<128x128xf32, #tpu.memory_space<vmem>> -> memref<1x128xf32, #tpu.memory_space<vmem>>
    tpu.enqueue_dma source(%dma_start3A_698 : memref<1x128xf32, #tpu.memory_space<vmem>>) target(%dma_start3A_695 : memref<1x128xf32, #tpu.memory_space<any>>) target_semaphore(%arg24 : memref<!tpu.dma_semaphore, #tpu.memory_space<semaphore_mem>>)
    %dma_start3A_699 = arith.constant 0 : i32
    %dma_start3A_700 = tpu.memref_slice %arg22[%get3A_274, %dma_start3A_699] : memref<10000x128xf32, #tpu.memory_space<any>> -> memref<1x128xf32, #tpu.memory_space<any>>
    %dma_start3A_701 = arith.constant 22 : i32
    %dma_start3A_702 = arith.constant 0 : i32
    %dma_start3A_703 = tpu.memref_slice %arg23[%dma_start3A_701, %dma_start3A_702] : memref<128x128xf32, #tpu.memory_space<vmem>> -> memref<1x128xf32, #tpu.memory_space<vmem>>
    tpu.enqueue_dma source(%dma_start3A_703 : memref<1x128xf32, #tpu.memory_space<vmem>>) target(%dma_start3A_700 : memref<1x128xf32, #tpu.memory_space<any>>) target_semaphore(%arg24 : memref<!tpu.dma_semaphore, #tpu.memory_space<semaphore_mem>>)
    %dma_start3A_704 = arith.constant 0 : i32
    %dma_start3A_705 = tpu.memref_slice %arg22[%get3A_277, %dma_start3A_704] : memref<10000x128xf32, #tpu.memory_space<any>> -> memref<1x128xf32, #tpu.memory_space<any>>
    %dma_start3A_706 = arith.constant 23 : i32
    %dma_start3A_707 = arith.constant 0 : i32
    %dma_start3A_708 = tpu.memref_slice %arg23[%dma_start3A_706, %dma_start3A_707] : memref<128x128xf32, #tpu.memory_space<vmem>> -> memref<1x128xf32, #tpu.memory_space<vmem>>
    tpu.enqueue_dma source(%dma_start3A_708 : memref<1x128xf32, #tpu.memory_space<vmem>>) target(%dma_start3A_705 : memref<1x128xf32, #tpu.memory_space<any>>) target_semaphore(%arg24 : memref<!tpu.dma_semaphore, #tpu.memory_space<semaphore_mem>>)
    %dma_start3A_709 = arith.constant 0 : i32
    %dma_start3A_710 = tpu.memref_slice %arg22[%get3A_280, %dma_start3A_709] : memref<10000x128xf32, #tpu.memory_space<any>> -> memref<1x128xf32, #tpu.memory_space<any>>
    %dma_start3A_711 = arith.constant 24 : i32
    %dma_start3A_712 = arith.constant 0 : i32
    %dma_start3A_713 = tpu.memref_slice %arg23[%dma_start3A_711, %dma_start3A_712] : memref<128x128xf32, #tpu.memory_space<vmem>> -> memref<1x128xf32, #tpu.memory_space<vmem>>
    tpu.enqueue_dma source(%dma_start3A_713 : memref<1x128xf32, #tpu.memory_space<vmem>>) target(%dma_start3A_710 : memref<1x128xf32, #tpu.memory_space<any>>) target_semaphore(%arg24 : memref<!tpu.dma_semaphore, #tpu.memory_space<semaphore_mem>>)
    %dma_start3A_714 = arith.constant 0 : i32
    %dma_start3A_715 = tpu.memref_slice %arg22[%get3A_283, %dma_start3A_714] : memref<10000x128xf32, #tpu.memory_space<any>> -> memref<1x128xf32, #tpu.memory_space<any>>
    %dma_start3A_716 = arith.constant 25 : i32
    %dma_start3A_717 = arith.constant 0 : i32
    %dma_start3A_718 = tpu.memref_slice %arg23[%dma_start3A_716, %dma_start3A_717] : memref<128x128xf32, #tpu.memory_space<vmem>> -> memref<1x128xf32, #tpu.memory_space<vmem>>
    tpu.enqueue_dma source(%dma_start3A_718 : memref<1x128xf32, #tpu.memory_space<vmem>>) target(%dma_start3A_715 : memref<1x128xf32, #tpu.memory_space<any>>) target_semaphore(%arg24 : memref<!tpu.dma_semaphore, #tpu.memory_space<semaphore_mem>>)
    %dma_start3A_719 = arith.constant 0 : i32
    %dma_start3A_720 = tpu.memref_slice %arg22[%get3A_286, %dma_start3A_719] : memref<10000x128xf32, #tpu.memory_space<any>> -> memref<1x128xf32, #tpu.memory_space<any>>
    %dma_start3A_721 = arith.constant 26 : i32
    %dma_start3A_722 = arith.constant 0 : i32
    %dma_start3A_723 = tpu.memref_slice %arg23[%dma_start3A_721, %dma_start3A_722] : memref<128x128xf32, #tpu.memory_space<vmem>> -> memref<1x128xf32, #tpu.memory_space<vmem>>
    tpu.enqueue_dma source(%dma_start3A_723 : memref<1x128xf32, #tpu.memory_space<vmem>>) target(%dma_start3A_720 : memref<1x128xf32, #tpu.memory_space<any>>) target_semaphore(%arg24 : memref<!tpu.dma_semaphore, #tpu.memory_space<semaphore_mem>>)
    %dma_start3A_724 = arith.constant 0 : i32
    %dma_start3A_725 = tpu.memref_slice %arg22[%get3A_289, %dma_start3A_724] : memref<10000x128xf32, #tpu.memory_space<any>> -> memref<1x128xf32, #tpu.memory_space<any>>
    %dma_start3A_726 = arith.constant 27 : i32
    %dma_start3A_727 = arith.constant 0 : i32
    %dma_start3A_728 = tpu.memref_slice %arg23[%dma_start3A_726, %dma_start3A_727] : memref<128x128xf32, #tpu.memory_space<vmem>> -> memref<1x128xf32, #tpu.memory_space<vmem>>
    tpu.enqueue_dma source(%dma_start3A_728 : memref<1x128xf32, #tpu.memory_space<vmem>>) target(%dma_start3A_725 : memref<1x128xf32, #tpu.memory_space<any>>) target_semaphore(%arg24 : memref<!tpu.dma_semaphore, #tpu.memory_space<semaphore_mem>>)
    %dma_start3A_729 = arith.constant 0 : i32
    %dma_start3A_730 = tpu.memref_slice %arg22[%get3A_292, %dma_start3A_729] : memref<10000x128xf32, #tpu.memory_space<any>> -> memref<1x128xf32, #tpu.memory_space<any>>
    %dma_start3A_731 = arith.constant 28 : i32
    %dma_start3A_732 = arith.constant 0 : i32
    %dma_start3A_733 = tpu.memref_slice %arg23[%dma_start3A_731, %dma_start3A_732] : memref<128x128xf32, #tpu.memory_space<vmem>> -> memref<1x128xf32, #tpu.memory_space<vmem>>
    tpu.enqueue_dma source(%dma_start3A_733 : memref<1x128xf32, #tpu.memory_space<vmem>>) target(%dma_start3A_730 : memref<1x128xf32, #tpu.memory_space<any>>) target_semaphore(%arg24 : memref<!tpu.dma_semaphore, #tpu.memory_space<semaphore_mem>>)
    %dma_start3A_734 = arith.constant 0 : i32
    %dma_start3A_735 = tpu.memref_slice %arg22[%get3A_295, %dma_start3A_734] : memref<10000x128xf32, #tpu.memory_space<any>> -> memref<1x128xf32, #tpu.memory_space<any>>
    %dma_start3A_736 = arith.constant 29 : i32
    %dma_start3A_737 = arith.constant 0 : i32
    %dma_start3A_738 = tpu.memref_slice %arg23[%dma_start3A_736, %dma_start3A_737] : memref<128x128xf32, #tpu.memory_space<vmem>> -> memref<1x128xf32, #tpu.memory_space<vmem>>
    tpu.enqueue_dma source(%dma_start3A_738 : memref<1x128xf32, #tpu.memory_space<vmem>>) target(%dma_start3A_735 : memref<1x128xf32, #tpu.memory_space<any>>) target_semaphore(%arg24 : memref<!tpu.dma_semaphore, #tpu.memory_space<semaphore_mem>>)
    %dma_start3A_739 = arith.constant 0 : i32
    %dma_start3A_740 = tpu.memref_slice %arg22[%get3A_298, %dma_start3A_739] : memref<10000x128xf32, #tpu.memory_space<any>> -> memref<1x128xf32, #tpu.memory_space<any>>
    %dma_start3A_741 = arith.constant 30 : i32
    %dma_start3A_742 = arith.constant 0 : i32
    %dma_start3A_743 = tpu.memref_slice %arg23[%dma_start3A_741, %dma_start3A_742] : memref<128x128xf32, #tpu.memory_space<vmem>> -> memref<1x128xf32, #tpu.memory_space<vmem>>
    tpu.enqueue_dma source(%dma_start3A_743 : memref<1x128xf32, #tpu.memory_space<vmem>>) target(%dma_start3A_740 : memref<1x128xf32, #tpu.memory_space<any>>) target_semaphore(%arg24 : memref<!tpu.dma_semaphore, #tpu.memory_space<semaphore_mem>>)
    %dma_start3A_744 = arith.constant 0 : i32
    %dma_start3A_745 = tpu.memref_slice %arg22[%get3A_301, %dma_start3A_744] : memref<10000x128xf32, #tpu.memory_space<any>> -> memref<1x128xf32, #tpu.memory_space<any>>
    %dma_start3A_746 = arith.constant 31 : i32
    %dma_start3A_747 = arith.constant 0 : i32
    %dma_start3A_748 = tpu.memref_slice %arg23[%dma_start3A_746, %dma_start3A_747] : memref<128x128xf32, #tpu.memory_space<vmem>> -> memref<1x128xf32, #tpu.memory_space<vmem>>
    tpu.enqueue_dma source(%dma_start3A_748 : memref<1x128xf32, #tpu.memory_space<vmem>>) target(%dma_start3A_745 : memref<1x128xf32, #tpu.memory_space<any>>) target_semaphore(%arg24 : memref<!tpu.dma_semaphore, #tpu.memory_space<semaphore_mem>>)
    %dma_start3A_749 = arith.constant 0 : i32
    %dma_start3A_750 = tpu.memref_slice %arg22[%get3A_304, %dma_start3A_749] : memref<10000x128xf32, #tpu.memory_space<any>> -> memref<1x128xf32, #tpu.memory_space<any>>
    %dma_start3A_751 = arith.constant 32 : i32
    %dma_start3A_752 = arith.constant 0 : i32
    %dma_start3A_753 = tpu.memref_slice %arg23[%dma_start3A_751, %dma_start3A_752] : memref<128x128xf32, #tpu.memory_space<vmem>> -> memref<1x128xf32, #tpu.memory_space<vmem>>
    tpu.enqueue_dma source(%dma_start3A_753 : memref<1x128xf32, #tpu.memory_space<vmem>>) target(%dma_start3A_750 : memref<1x128xf32, #tpu.memory_space<any>>) target_semaphore(%arg24 : memref<!tpu.dma_semaphore, #tpu.memory_space<semaphore_mem>>)
    %dma_start3A_754 = arith.constant 0 : i32
    %dma_start3A_755 = tpu.memref_slice %arg22[%get3A_307, %dma_start3A_754] : memref<10000x128xf32, #tpu.memory_space<any>> -> memref<1x128xf32, #tpu.memory_space<any>>
    %dma_start3A_756 = arith.constant 33 : i32
    %dma_start3A_757 = arith.constant 0 : i32
    %dma_start3A_758 = tpu.memref_slice %arg23[%dma_start3A_756, %dma_start3A_757] : memref<128x128xf32, #tpu.memory_space<vmem>> -> memref<1x128xf32, #tpu.memory_space<vmem>>
    tpu.enqueue_dma source(%dma_start3A_758 : memref<1x128xf32, #tpu.memory_space<vmem>>) target(%dma_start3A_755 : memref<1x128xf32, #tpu.memory_space<any>>) target_semaphore(%arg24 : memref<!tpu.dma_semaphore, #tpu.memory_space<semaphore_mem>>)
    %dma_start3A_759 = arith.constant 0 : i32
    %dma_start3A_760 = tpu.memref_slice %arg22[%get3A_310, %dma_start3A_759] : memref<10000x128xf32, #tpu.memory_space<any>> -> memref<1x128xf32, #tpu.memory_space<any>>
    %dma_start3A_761 = arith.constant 34 : i32
    %dma_start3A_762 = arith.constant 0 : i32
    %dma_start3A_763 = tpu.memref_slice %arg23[%dma_start3A_761, %dma_start3A_762] : memref<128x128xf32, #tpu.memory_space<vmem>> -> memref<1x128xf32, #tpu.memory_space<vmem>>
    tpu.enqueue_dma source(%dma_start3A_763 : memref<1x128xf32, #tpu.memory_space<vmem>>) target(%dma_start3A_760 : memref<1x128xf32, #tpu.memory_space<any>>) target_semaphore(%arg24 : memref<!tpu.dma_semaphore, #tpu.memory_space<semaphore_mem>>)
    %dma_start3A_764 = arith.constant 0 : i32
    %dma_start3A_765 = tpu.memref_slice %arg22[%get3A_313, %dma_start3A_764] : memref<10000x128xf32, #tpu.memory_space<any>> -> memref<1x128xf32, #tpu.memory_space<any>>
    %dma_start3A_766 = arith.constant 35 : i32
    %dma_start3A_767 = arith.constant 0 : i32
    %dma_start3A_768 = tpu.memref_slice %arg23[%dma_start3A_766, %dma_start3A_767] : memref<128x128xf32, #tpu.memory_space<vmem>> -> memref<1x128xf32, #tpu.memory_space<vmem>>
    tpu.enqueue_dma source(%dma_start3A_768 : memref<1x128xf32, #tpu.memory_space<vmem>>) target(%dma_start3A_765 : memref<1x128xf32, #tpu.memory_space<any>>) target_semaphore(%arg24 : memref<!tpu.dma_semaphore, #tpu.memory_space<semaphore_mem>>)
    %dma_start3A_769 = arith.constant 0 : i32
    %dma_start3A_770 = tpu.memref_slice %arg22[%get3A_316, %dma_start3A_769] : memref<10000x128xf32, #tpu.memory_space<any>> -> memref<1x128xf32, #tpu.memory_space<any>>
    %dma_start3A_771 = arith.constant 36 : i32
    %dma_start3A_772 = arith.constant 0 : i32
    %dma_start3A_773 = tpu.memref_slice %arg23[%dma_start3A_771, %dma_start3A_772] : memref<128x128xf32, #tpu.memory_space<vmem>> -> memref<1x128xf32, #tpu.memory_space<vmem>>
    tpu.enqueue_dma source(%dma_start3A_773 : memref<1x128xf32, #tpu.memory_space<vmem>>) target(%dma_start3A_770 : memref<1x128xf32, #tpu.memory_space<any>>) target_semaphore(%arg24 : memref<!tpu.dma_semaphore, #tpu.memory_space<semaphore_mem>>)
    %dma_start3A_774 = arith.constant 0 : i32
    %dma_start3A_775 = tpu.memref_slice %arg22[%get3A_319, %dma_start3A_774] : memref<10000x128xf32, #tpu.memory_space<any>> -> memref<1x128xf32, #tpu.memory_space<any>>
    %dma_start3A_776 = arith.constant 37 : i32
    %dma_start3A_777 = arith.constant 0 : i32
    %dma_start3A_778 = tpu.memref_slice %arg23[%dma_start3A_776, %dma_start3A_777] : memref<128x128xf32, #tpu.memory_space<vmem>> -> memref<1x128xf32, #tpu.memory_space<vmem>>
    tpu.enqueue_dma source(%dma_start3A_778 : memref<1x128xf32, #tpu.memory_space<vmem>>) target(%dma_start3A_775 : memref<1x128xf32, #tpu.memory_space<any>>) target_semaphore(%arg24 : memref<!tpu.dma_semaphore, #tpu.memory_space<semaphore_mem>>)
    %dma_start3A_779 = arith.constant 0 : i32
    %dma_start3A_780 = tpu.memref_slice %arg22[%get3A_322, %dma_start3A_779] : memref<10000x128xf32, #tpu.memory_space<any>> -> memref<1x128xf32, #tpu.memory_space<any>>
    %dma_start3A_781 = arith.constant 38 : i32
    %dma_start3A_782 = arith.constant 0 : i32
    %dma_start3A_783 = tpu.memref_slice %arg23[%dma_start3A_781, %dma_start3A_782] : memref<128x128xf32, #tpu.memory_space<vmem>> -> memref<1x128xf32, #tpu.memory_space<vmem>>
    tpu.enqueue_dma source(%dma_start3A_783 : memref<1x128xf32, #tpu.memory_space<vmem>>) target(%dma_start3A_780 : memref<1x128xf32, #tpu.memory_space<any>>) target_semaphore(%arg24 : memref<!tpu.dma_semaphore, #tpu.memory_space<semaphore_mem>>)
    %dma_start3A_784 = arith.constant 0 : i32
    %dma_start3A_785 = tpu.memref_slice %arg22[%get3A_325, %dma_start3A_784] : memref<10000x128xf32, #tpu.memory_space<any>> -> memref<1x128xf32, #tpu.memory_space<any>>
    %dma_start3A_786 = arith.constant 39 : i32
    %dma_start3A_787 = arith.constant 0 : i32
    %dma_start3A_788 = tpu.memref_slice %arg23[%dma_start3A_786, %dma_start3A_787] : memref<128x128xf32, #tpu.memory_space<vmem>> -> memref<1x128xf32, #tpu.memory_space<vmem>>
    tpu.enqueue_dma source(%dma_start3A_788 : memref<1x128xf32, #tpu.memory_space<vmem>>) target(%dma_start3A_785 : memref<1x128xf32, #tpu.memory_space<any>>) target_semaphore(%arg24 : memref<!tpu.dma_semaphore, #tpu.memory_space<semaphore_mem>>)
    %dma_start3A_789 = arith.constant 0 : i32
    %dma_start3A_790 = tpu.memref_slice %arg22[%get3A_328, %dma_start3A_789] : memref<10000x128xf32, #tpu.memory_space<any>> -> memref<1x128xf32, #tpu.memory_space<any>>
    %dma_start3A_791 = arith.constant 40 : i32
    %dma_start3A_792 = arith.constant 0 : i32
    %dma_start3A_793 = tpu.memref_slice %arg23[%dma_start3A_791, %dma_start3A_792] : memref<128x128xf32, #tpu.memory_space<vmem>> -> memref<1x128xf32, #tpu.memory_space<vmem>>
    tpu.enqueue_dma source(%dma_start3A_793 : memref<1x128xf32, #tpu.memory_space<vmem>>) target(%dma_start3A_790 : memref<1x128xf32, #tpu.memory_space<any>>) target_semaphore(%arg24 : memref<!tpu.dma_semaphore, #tpu.memory_space<semaphore_mem>>)
    %dma_start3A_794 = arith.constant 0 : i32
    %dma_start3A_795 = tpu.memref_slice %arg22[%get3A_331, %dma_start3A_794] : memref<10000x128xf32, #tpu.memory_space<any>> -> memref<1x128xf32, #tpu.memory_space<any>>
    %dma_start3A_796 = arith.constant 41 : i32
    %dma_start3A_797 = arith.constant 0 : i32
    %dma_start3A_798 = tpu.memref_slice %arg23[%dma_start3A_796, %dma_start3A_797] : memref<128x128xf32, #tpu.memory_space<vmem>> -> memref<1x128xf32, #tpu.memory_space<vmem>>
    tpu.enqueue_dma source(%dma_start3A_798 : memref<1x128xf32, #tpu.memory_space<vmem>>) target(%dma_start3A_795 : memref<1x128xf32, #tpu.memory_space<any>>) target_semaphore(%arg24 : memref<!tpu.dma_semaphore, #tpu.memory_space<semaphore_mem>>)
    %dma_start3A_799 = arith.constant 0 : i32
    %dma_start3A_800 = tpu.memref_slice %arg22[%get3A_334, %dma_start3A_799] : memref<10000x128xf32, #tpu.memory_space<any>> -> memref<1x128xf32, #tpu.memory_space<any>>
    %dma_start3A_801 = arith.constant 42 : i32
    %dma_start3A_802 = arith.constant 0 : i32
    %dma_start3A_803 = tpu.memref_slice %arg23[%dma_start3A_801, %dma_start3A_802] : memref<128x128xf32, #tpu.memory_space<vmem>> -> memref<1x128xf32, #tpu.memory_space<vmem>>
    tpu.enqueue_dma source(%dma_start3A_803 : memref<1x128xf32, #tpu.memory_space<vmem>>) target(%dma_start3A_800 : memref<1x128xf32, #tpu.memory_space<any>>) target_semaphore(%arg24 : memref<!tpu.dma_semaphore, #tpu.memory_space<semaphore_mem>>)
    %dma_start3A_804 = arith.constant 0 : i32
    %dma_start3A_805 = tpu.memref_slice %arg22[%get3A_337, %dma_start3A_804] : memref<10000x128xf32, #tpu.memory_space<any>> -> memref<1x128xf32, #tpu.memory_space<any>>
    %dma_start3A_806 = arith.constant 43 : i32
    %dma_start3A_807 = arith.constant 0 : i32
    %dma_start3A_808 = tpu.memref_slice %arg23[%dma_start3A_806, %dma_start3A_807] : memref<128x128xf32, #tpu.memory_space<vmem>> -> memref<1x128xf32, #tpu.memory_space<vmem>>
    tpu.enqueue_dma source(%dma_start3A_808 : memref<1x128xf32, #tpu.memory_space<vmem>>) target(%dma_start3A_805 : memref<1x128xf32, #tpu.memory_space<any>>) target_semaphore(%arg24 : memref<!tpu.dma_semaphore, #tpu.memory_space<semaphore_mem>>)
    %dma_start3A_809 = arith.constant 0 : i32
    %dma_start3A_810 = tpu.memref_slice %arg22[%get3A_340, %dma_start3A_809] : memref<10000x128xf32, #tpu.memory_space<any>> -> memref<1x128xf32, #tpu.memory_space<any>>
    %dma_start3A_811 = arith.constant 44 : i32
    %dma_start3A_812 = arith.constant 0 : i32
    %dma_start3A_813 = tpu.memref_slice %arg23[%dma_start3A_811, %dma_start3A_812] : memref<128x128xf32, #tpu.memory_space<vmem>> -> memref<1x128xf32, #tpu.memory_space<vmem>>
    tpu.enqueue_dma source(%dma_start3A_813 : memref<1x128xf32, #tpu.memory_space<vmem>>) target(%dma_start3A_810 : memref<1x128xf32, #tpu.memory_space<any>>) target_semaphore(%arg24 : memref<!tpu.dma_semaphore, #tpu.memory_space<semaphore_mem>>)
    %dma_start3A_814 = arith.constant 0 : i32
    %dma_start3A_815 = tpu.memref_slice %arg22[%get3A_343, %dma_start3A_814] : memref<10000x128xf32, #tpu.memory_space<any>> -> memref<1x128xf32, #tpu.memory_space<any>>
    %dma_start3A_816 = arith.constant 45 : i32
    %dma_start3A_817 = arith.constant 0 : i32
    %dma_start3A_818 = tpu.memref_slice %arg23[%dma_start3A_816, %dma_start3A_817] : memref<128x128xf32, #tpu.memory_space<vmem>> -> memref<1x128xf32, #tpu.memory_space<vmem>>
    tpu.enqueue_dma source(%dma_start3A_818 : memref<1x128xf32, #tpu.memory_space<vmem>>) target(%dma_start3A_815 : memref<1x128xf32, #tpu.memory_space<any>>) target_semaphore(%arg24 : memref<!tpu.dma_semaphore, #tpu.memory_space<semaphore_mem>>)
    %dma_start3A_819 = arith.constant 0 : i32
    %dma_start3A_820 = tpu.memref_slice %arg22[%get3A_346, %dma_start3A_819] : memref<10000x128xf32, #tpu.memory_space<any>> -> memref<1x128xf32, #tpu.memory_space<any>>
    %dma_start3A_821 = arith.constant 46 : i32
    %dma_start3A_822 = arith.constant 0 : i32
    %dma_start3A_823 = tpu.memref_slice %arg23[%dma_start3A_821, %dma_start3A_822] : memref<128x128xf32, #tpu.memory_space<vmem>> -> memref<1x128xf32, #tpu.memory_space<vmem>>
    tpu.enqueue_dma source(%dma_start3A_823 : memref<1x128xf32, #tpu.memory_space<vmem>>) target(%dma_start3A_820 : memref<1x128xf32, #tpu.memory_space<any>>) target_semaphore(%arg24 : memref<!tpu.dma_semaphore, #tpu.memory_space<semaphore_mem>>)
    %dma_start3A_824 = arith.constant 0 : i32
    %dma_start3A_825 = tpu.memref_slice %arg22[%get3A_349, %dma_start3A_824] : memref<10000x128xf32, #tpu.memory_space<any>> -> memref<1x128xf32, #tpu.memory_space<any>>
    %dma_start3A_826 = arith.constant 47 : i32
    %dma_start3A_827 = arith.constant 0 : i32
    %dma_start3A_828 = tpu.memref_slice %arg23[%dma_start3A_826, %dma_start3A_827] : memref<128x128xf32, #tpu.memory_space<vmem>> -> memref<1x128xf32, #tpu.memory_space<vmem>>
    tpu.enqueue_dma source(%dma_start3A_828 : memref<1x128xf32, #tpu.memory_space<vmem>>) target(%dma_start3A_825 : memref<1x128xf32, #tpu.memory_space<any>>) target_semaphore(%arg24 : memref<!tpu.dma_semaphore, #tpu.memory_space<semaphore_mem>>)
    %dma_start3A_829 = arith.constant 0 : i32
    %dma_start3A_830 = tpu.memref_slice %arg22[%get3A_352, %dma_start3A_829] : memref<10000x128xf32, #tpu.memory_space<any>> -> memref<1x128xf32, #tpu.memory_space<any>>
    %dma_start3A_831 = arith.constant 48 : i32
    %dma_start3A_832 = arith.constant 0 : i32
    %dma_start3A_833 = tpu.memref_slice %arg23[%dma_start3A_831, %dma_start3A_832] : memref<128x128xf32, #tpu.memory_space<vmem>> -> memref<1x128xf32, #tpu.memory_space<vmem>>
    tpu.enqueue_dma source(%dma_start3A_833 : memref<1x128xf32, #tpu.memory_space<vmem>>) target(%dma_start3A_830 : memref<1x128xf32, #tpu.memory_space<any>>) target_semaphore(%arg24 : memref<!tpu.dma_semaphore, #tpu.memory_space<semaphore_mem>>)
    %dma_start3A_834 = arith.constant 0 : i32
    %dma_start3A_835 = tpu.memref_slice %arg22[%get3A_355, %dma_start3A_834] : memref<10000x128xf32, #tpu.memory_space<any>> -> memref<1x128xf32, #tpu.memory_space<any>>
    %dma_start3A_836 = arith.constant 49 : i32
    %dma_start3A_837 = arith.constant 0 : i32
    %dma_start3A_838 = tpu.memref_slice %arg23[%dma_start3A_836, %dma_start3A_837] : memref<128x128xf32, #tpu.memory_space<vmem>> -> memref<1x128xf32, #tpu.memory_space<vmem>>
    tpu.enqueue_dma source(%dma_start3A_838 : memref<1x128xf32, #tpu.memory_space<vmem>>) target(%dma_start3A_835 : memref<1x128xf32, #tpu.memory_space<any>>) target_semaphore(%arg24 : memref<!tpu.dma_semaphore, #tpu.memory_space<semaphore_mem>>)
    %dma_start3A_839 = arith.constant 0 : i32
    %dma_start3A_840 = tpu.memref_slice %arg22[%get3A_358, %dma_start3A_839] : memref<10000x128xf32, #tpu.memory_space<any>> -> memref<1x128xf32, #tpu.memory_space<any>>
    %dma_start3A_841 = arith.constant 50 : i32
    %dma_start3A_842 = arith.constant 0 : i32
    %dma_start3A_843 = tpu.memref_slice %arg23[%dma_start3A_841, %dma_start3A_842] : memref<128x128xf32, #tpu.memory_space<vmem>> -> memref<1x128xf32, #tpu.memory_space<vmem>>
    tpu.enqueue_dma source(%dma_start3A_843 : memref<1x128xf32, #tpu.memory_space<vmem>>) target(%dma_start3A_840 : memref<1x128xf32, #tpu.memory_space<any>>) target_semaphore(%arg24 : memref<!tpu.dma_semaphore, #tpu.memory_space<semaphore_mem>>)
    %dma_start3A_844 = arith.constant 0 : i32
    %dma_start3A_845 = tpu.memref_slice %arg22[%get3A_361, %dma_start3A_844] : memref<10000x128xf32, #tpu.memory_space<any>> -> memref<1x128xf32, #tpu.memory_space<any>>
    %dma_start3A_846 = arith.constant 51 : i32
    %dma_start3A_847 = arith.constant 0 : i32
    %dma_start3A_848 = tpu.memref_slice %arg23[%dma_start3A_846, %dma_start3A_847] : memref<128x128xf32, #tpu.memory_space<vmem>> -> memref<1x128xf32, #tpu.memory_space<vmem>>
    tpu.enqueue_dma source(%dma_start3A_848 : memref<1x128xf32, #tpu.memory_space<vmem>>) target(%dma_start3A_845 : memref<1x128xf32, #tpu.memory_space<any>>) target_semaphore(%arg24 : memref<!tpu.dma_semaphore, #tpu.memory_space<semaphore_mem>>)
    %dma_start3A_849 = arith.constant 0 : i32
    %dma_start3A_850 = tpu.memref_slice %arg22[%get3A_364, %dma_start3A_849] : memref<10000x128xf32, #tpu.memory_space<any>> -> memref<1x128xf32, #tpu.memory_space<any>>
    %dma_start3A_851 = arith.constant 52 : i32
    %dma_start3A_852 = arith.constant 0 : i32
    %dma_start3A_853 = tpu.memref_slice %arg23[%dma_start3A_851, %dma_start3A_852] : memref<128x128xf32, #tpu.memory_space<vmem>> -> memref<1x128xf32, #tpu.memory_space<vmem>>
    tpu.enqueue_dma source(%dma_start3A_853 : memref<1x128xf32, #tpu.memory_space<vmem>>) target(%dma_start3A_850 : memref<1x128xf32, #tpu.memory_space<any>>) target_semaphore(%arg24 : memref<!tpu.dma_semaphore, #tpu.memory_space<semaphore_mem>>)
    %dma_start3A_854 = arith.constant 0 : i32
    %dma_start3A_855 = tpu.memref_slice %arg22[%get3A_367, %dma_start3A_854] : memref<10000x128xf32, #tpu.memory_space<any>> -> memref<1x128xf32, #tpu.memory_space<any>>
    %dma_start3A_856 = arith.constant 53 : i32
    %dma_start3A_857 = arith.constant 0 : i32
    %dma_start3A_858 = tpu.memref_slice %arg23[%dma_start3A_856, %dma_start3A_857] : memref<128x128xf32, #tpu.memory_space<vmem>> -> memref<1x128xf32, #tpu.memory_space<vmem>>
    tpu.enqueue_dma source(%dma_start3A_858 : memref<1x128xf32, #tpu.memory_space<vmem>>) target(%dma_start3A_855 : memref<1x128xf32, #tpu.memory_space<any>>) target_semaphore(%arg24 : memref<!tpu.dma_semaphore, #tpu.memory_space<semaphore_mem>>)
    %dma_start3A_859 = arith.constant 0 : i32
    %dma_start3A_860 = tpu.memref_slice %arg22[%get3A_370, %dma_start3A_859] : memref<10000x128xf32, #tpu.memory_space<any>> -> memref<1x128xf32, #tpu.memory_space<any>>
    %dma_start3A_861 = arith.constant 54 : i32
    %dma_start3A_862 = arith.constant 0 : i32
    %dma_start3A_863 = tpu.memref_slice %arg23[%dma_start3A_861, %dma_start3A_862] : memref<128x128xf32, #tpu.memory_space<vmem>> -> memref<1x128xf32, #tpu.memory_space<vmem>>
    tpu.enqueue_dma source(%dma_start3A_863 : memref<1x128xf32, #tpu.memory_space<vmem>>) target(%dma_start3A_860 : memref<1x128xf32, #tpu.memory_space<any>>) target_semaphore(%arg24 : memref<!tpu.dma_semaphore, #tpu.memory_space<semaphore_mem>>)
    %dma_start3A_864 = arith.constant 0 : i32
    %dma_start3A_865 = tpu.memref_slice %arg22[%get3A_373, %dma_start3A_864] : memref<10000x128xf32, #tpu.memory_space<any>> -> memref<1x128xf32, #tpu.memory_space<any>>
    %dma_start3A_866 = arith.constant 55 : i32
    %dma_start3A_867 = arith.constant 0 : i32
    %dma_start3A_868 = tpu.memref_slice %arg23[%dma_start3A_866, %dma_start3A_867] : memref<128x128xf32, #tpu.memory_space<vmem>> -> memref<1x128xf32, #tpu.memory_space<vmem>>
    tpu.enqueue_dma source(%dma_start3A_868 : memref<1x128xf32, #tpu.memory_space<vmem>>) target(%dma_start3A_865 : memref<1x128xf32, #tpu.memory_space<any>>) target_semaphore(%arg24 : memref<!tpu.dma_semaphore, #tpu.memory_space<semaphore_mem>>)
    %dma_start3A_869 = arith.constant 0 : i32
    %dma_start3A_870 = tpu.memref_slice %arg22[%get3A_376, %dma_start3A_869] : memref<10000x128xf32, #tpu.memory_space<any>> -> memref<1x128xf32, #tpu.memory_space<any>>
    %dma_start3A_871 = arith.constant 56 : i32
    %dma_start3A_872 = arith.constant 0 : i32
    %dma_start3A_873 = tpu.memref_slice %arg23[%dma_start3A_871, %dma_start3A_872] : memref<128x128xf32, #tpu.memory_space<vmem>> -> memref<1x128xf32, #tpu.memory_space<vmem>>
    tpu.enqueue_dma source(%dma_start3A_873 : memref<1x128xf32, #tpu.memory_space<vmem>>) target(%dma_start3A_870 : memref<1x128xf32, #tpu.memory_space<any>>) target_semaphore(%arg24 : memref<!tpu.dma_semaphore, #tpu.memory_space<semaphore_mem>>)
    %dma_start3A_874 = arith.constant 0 : i32
    %dma_start3A_875 = tpu.memref_slice %arg22[%get3A_379, %dma_start3A_874] : memref<10000x128xf32, #tpu.memory_space<any>> -> memref<1x128xf32, #tpu.memory_space<any>>
    %dma_start3A_876 = arith.constant 57 : i32
    %dma_start3A_877 = arith.constant 0 : i32
    %dma_start3A_878 = tpu.memref_slice %arg23[%dma_start3A_876, %dma_start3A_877] : memref<128x128xf32, #tpu.memory_space<vmem>> -> memref<1x128xf32, #tpu.memory_space<vmem>>
    tpu.enqueue_dma source(%dma_start3A_878 : memref<1x128xf32, #tpu.memory_space<vmem>>) target(%dma_start3A_875 : memref<1x128xf32, #tpu.memory_space<any>>) target_semaphore(%arg24 : memref<!tpu.dma_semaphore, #tpu.memory_space<semaphore_mem>>)
    %dma_start3A_879 = arith.constant 0 : i32
    %dma_start3A_880 = tpu.memref_slice %arg22[%get3A_382, %dma_start3A_879] : memref<10000x128xf32, #tpu.memory_space<any>> -> memref<1x128xf32, #tpu.memory_space<any>>
    %dma_start3A_881 = arith.constant 58 : i32
    %dma_start3A_882 = arith.constant 0 : i32
    %dma_start3A_883 = tpu.memref_slice %arg23[%dma_start3A_881, %dma_start3A_882] : memref<128x128xf32, #tpu.memory_space<vmem>> -> memref<1x128xf32, #tpu.memory_space<vmem>>
    tpu.enqueue_dma source(%dma_start3A_883 : memref<1x128xf32, #tpu.memory_space<vmem>>) target(%dma_start3A_880 : memref<1x128xf32, #tpu.memory_space<any>>) target_semaphore(%arg24 : memref<!tpu.dma_semaphore, #tpu.memory_space<semaphore_mem>>)
    %dma_start3A_884 = arith.constant 0 : i32
    %dma_start3A_885 = tpu.memref_slice %arg22[%get3A_385, %dma_start3A_884] : memref<10000x128xf32, #tpu.memory_space<any>> -> memref<1x128xf32, #tpu.memory_space<any>>
    %dma_start3A_886 = arith.constant 59 : i32
    %dma_start3A_887 = arith.constant 0 : i32
    %dma_start3A_888 = tpu.memref_slice %arg23[%dma_start3A_886, %dma_start3A_887] : memref<128x128xf32, #tpu.memory_space<vmem>> -> memref<1x128xf32, #tpu.memory_space<vmem>>
    tpu.enqueue_dma source(%dma_start3A_888 : memref<1x128xf32, #tpu.memory_space<vmem>>) target(%dma_start3A_885 : memref<1x128xf32, #tpu.memory_space<any>>) target_semaphore(%arg24 : memref<!tpu.dma_semaphore, #tpu.memory_space<semaphore_mem>>)
    %dma_start3A_889 = arith.constant 0 : i32
    %dma_start3A_890 = tpu.memref_slice %arg22[%get3A_388, %dma_start3A_889] : memref<10000x128xf32, #tpu.memory_space<any>> -> memref<1x128xf32, #tpu.memory_space<any>>
    %dma_start3A_891 = arith.constant 60 : i32
    %dma_start3A_892 = arith.constant 0 : i32
    %dma_start3A_893 = tpu.memref_slice %arg23[%dma_start3A_891, %dma_start3A_892] : memref<128x128xf32, #tpu.memory_space<vmem>> -> memref<1x128xf32, #tpu.memory_space<vmem>>
    tpu.enqueue_dma source(%dma_start3A_893 : memref<1x128xf32, #tpu.memory_space<vmem>>) target(%dma_start3A_890 : memref<1x128xf32, #tpu.memory_space<any>>) target_semaphore(%arg24 : memref<!tpu.dma_semaphore, #tpu.memory_space<semaphore_mem>>)
    %dma_start3A_894 = arith.constant 0 : i32
    %dma_start3A_895 = tpu.memref_slice %arg22[%get3A_391, %dma_start3A_894] : memref<10000x128xf32, #tpu.memory_space<any>> -> memref<1x128xf32, #tpu.memory_space<any>>
    %dma_start3A_896 = arith.constant 61 : i32
    %dma_start3A_897 = arith.constant 0 : i32
    %dma_start3A_898 = tpu.memref_slice %arg23[%dma_start3A_896, %dma_start3A_897] : memref<128x128xf32, #tpu.memory_space<vmem>> -> memref<1x128xf32, #tpu.memory_space<vmem>>
    tpu.enqueue_dma source(%dma_start3A_898 : memref<1x128xf32, #tpu.memory_space<vmem>>) target(%dma_start3A_895 : memref<1x128xf32, #tpu.memory_space<any>>) target_semaphore(%arg24 : memref<!tpu.dma_semaphore, #tpu.memory_space<semaphore_mem>>)
    %dma_start3A_899 = arith.constant 0 : i32
    %dma_start3A_900 = tpu.memref_slice %arg22[%get3A_394, %dma_start3A_899] : memref<10000x128xf32, #tpu.memory_space<any>> -> memref<1x128xf32, #tpu.memory_space<any>>
    %dma_start3A_901 = arith.constant 62 : i32
    %dma_start3A_902 = arith.constant 0 : i32
    %dma_start3A_903 = tpu.memref_slice %arg23[%dma_start3A_901, %dma_start3A_902] : memref<128x128xf32, #tpu.memory_space<vmem>> -> memref<1x128xf32, #tpu.memory_space<vmem>>
    tpu.enqueue_dma source(%dma_start3A_903 : memref<1x128xf32, #tpu.memory_space<vmem>>) target(%dma_start3A_900 : memref<1x128xf32, #tpu.memory_space<any>>) target_semaphore(%arg24 : memref<!tpu.dma_semaphore, #tpu.memory_space<semaphore_mem>>)
    %dma_start3A_904 = arith.constant 0 : i32
    %dma_start3A_905 = tpu.memref_slice %arg22[%get3A_397, %dma_start3A_904] : memref<10000x128xf32, #tpu.memory_space<any>> -> memref<1x128xf32, #tpu.memory_space<any>>
    %dma_start3A_906 = arith.constant 63 : i32
    %dma_start3A_907 = arith.constant 0 : i32
    %dma_start3A_908 = tpu.memref_slice %arg23[%dma_start3A_906, %dma_start3A_907] : memref<128x128xf32, #tpu.memory_space<vmem>> -> memref<1x128xf32, #tpu.memory_space<vmem>>
    tpu.enqueue_dma source(%dma_start3A_908 : memref<1x128xf32, #tpu.memory_space<vmem>>) target(%dma_start3A_905 : memref<1x128xf32, #tpu.memory_space<any>>) target_semaphore(%arg24 : memref<!tpu.dma_semaphore, #tpu.memory_space<semaphore_mem>>)
    %dma_start3A_909 = arith.constant 0 : i32
    %dma_start3A_910 = tpu.memref_slice %arg22[%get3A_400, %dma_start3A_909] : memref<10000x128xf32, #tpu.memory_space<any>> -> memref<1x128xf32, #tpu.memory_space<any>>
    %dma_start3A_911 = arith.constant 64 : i32
    %dma_start3A_912 = arith.constant 0 : i32
    %dma_start3A_913 = tpu.memref_slice %arg23[%dma_start3A_911, %dma_start3A_912] : memref<128x128xf32, #tpu.memory_space<vmem>> -> memref<1x128xf32, #tpu.memory_space<vmem>>
    tpu.enqueue_dma source(%dma_start3A_913 : memref<1x128xf32, #tpu.memory_space<vmem>>) target(%dma_start3A_910 : memref<1x128xf32, #tpu.memory_space<any>>) target_semaphore(%arg24 : memref<!tpu.dma_semaphore, #tpu.memory_space<semaphore_mem>>)
    %dma_start3A_914 = arith.constant 0 : i32
    %dma_start3A_915 = tpu.memref_slice %arg22[%get3A_403, %dma_start3A_914] : memref<10000x128xf32, #tpu.memory_space<any>> -> memref<1x128xf32, #tpu.memory_space<any>>
    %dma_start3A_916 = arith.constant 65 : i32
    %dma_start3A_917 = arith.constant 0 : i32
    %dma_start3A_918 = tpu.memref_slice %arg23[%dma_start3A_916, %dma_start3A_917] : memref<128x128xf32, #tpu.memory_space<vmem>> -> memref<1x128xf32, #tpu.memory_space<vmem>>
    tpu.enqueue_dma source(%dma_start3A_918 : memref<1x128xf32, #tpu.memory_space<vmem>>) target(%dma_start3A_915 : memref<1x128xf32, #tpu.memory_space<any>>) target_semaphore(%arg24 : memref<!tpu.dma_semaphore, #tpu.memory_space<semaphore_mem>>)
    %dma_start3A_919 = arith.constant 0 : i32
    %dma_start3A_920 = tpu.memref_slice %arg22[%get3A_406, %dma_start3A_919] : memref<10000x128xf32, #tpu.memory_space<any>> -> memref<1x128xf32, #tpu.memory_space<any>>
    %dma_start3A_921 = arith.constant 66 : i32
    %dma_start3A_922 = arith.constant 0 : i32
    %dma_start3A_923 = tpu.memref_slice %arg23[%dma_start3A_921, %dma_start3A_922] : memref<128x128xf32, #tpu.memory_space<vmem>> -> memref<1x128xf32, #tpu.memory_space<vmem>>
    tpu.enqueue_dma source(%dma_start3A_923 : memref<1x128xf32, #tpu.memory_space<vmem>>) target(%dma_start3A_920 : memref<1x128xf32, #tpu.memory_space<any>>) target_semaphore(%arg24 : memref<!tpu.dma_semaphore, #tpu.memory_space<semaphore_mem>>)
    %dma_start3A_924 = arith.constant 0 : i32
    %dma_start3A_925 = tpu.memref_slice %arg22[%get3A_409, %dma_start3A_924] : memref<10000x128xf32, #tpu.memory_space<any>> -> memref<1x128xf32, #tpu.memory_space<any>>
    %dma_start3A_926 = arith.constant 67 : i32
    %dma_start3A_927 = arith.constant 0 : i32
    %dma_start3A_928 = tpu.memref_slice %arg23[%dma_start3A_926, %dma_start3A_927] : memref<128x128xf32, #tpu.memory_space<vmem>> -> memref<1x128xf32, #tpu.memory_space<vmem>>
    tpu.enqueue_dma source(%dma_start3A_928 : memref<1x128xf32, #tpu.memory_space<vmem>>) target(%dma_start3A_925 : memref<1x128xf32, #tpu.memory_space<any>>) target_semaphore(%arg24 : memref<!tpu.dma_semaphore, #tpu.memory_space<semaphore_mem>>)
    %dma_start3A_929 = arith.constant 0 : i32
    %dma_start3A_930 = tpu.memref_slice %arg22[%get3A_412, %dma_start3A_929] : memref<10000x128xf32, #tpu.memory_space<any>> -> memref<1x128xf32, #tpu.memory_space<any>>
    %dma_start3A_931 = arith.constant 68 : i32
    %dma_start3A_932 = arith.constant 0 : i32
    %dma_start3A_933 = tpu.memref_slice %arg23[%dma_start3A_931, %dma_start3A_932] : memref<128x128xf32, #tpu.memory_space<vmem>> -> memref<1x128xf32, #tpu.memory_space<vmem>>
    tpu.enqueue_dma source(%dma_start3A_933 : memref<1x128xf32, #tpu.memory_space<vmem>>) target(%dma_start3A_930 : memref<1x128xf32, #tpu.memory_space<any>>) target_semaphore(%arg24 : memref<!tpu.dma_semaphore, #tpu.memory_space<semaphore_mem>>)
    %dma_start3A_934 = arith.constant 0 : i32
    %dma_start3A_935 = tpu.memref_slice %arg22[%get3A_415, %dma_start3A_934] : memref<10000x128xf32, #tpu.memory_space<any>> -> memref<1x128xf32, #tpu.memory_space<any>>
    %dma_start3A_936 = arith.constant 69 : i32
    %dma_start3A_937 = arith.constant 0 : i32
    %dma_start3A_938 = tpu.memref_slice %arg23[%dma_start3A_936, %dma_start3A_937] : memref<128x128xf32, #tpu.memory_space<vmem>> -> memref<1x128xf32, #tpu.memory_space<vmem>>
    tpu.enqueue_dma source(%dma_start3A_938 : memref<1x128xf32, #tpu.memory_space<vmem>>) target(%dma_start3A_935 : memref<1x128xf32, #tpu.memory_space<any>>) target_semaphore(%arg24 : memref<!tpu.dma_semaphore, #tpu.memory_space<semaphore_mem>>)
    %dma_start3A_939 = arith.constant 0 : i32
    %dma_start3A_940 = tpu.memref_slice %arg22[%get3A_418, %dma_start3A_939] : memref<10000x128xf32, #tpu.memory_space<any>> -> memref<1x128xf32, #tpu.memory_space<any>>
    %dma_start3A_941 = arith.constant 70 : i32
    %dma_start3A_942 = arith.constant 0 : i32
    %dma_start3A_943 = tpu.memref_slice %arg23[%dma_start3A_941, %dma_start3A_942] : memref<128x128xf32, #tpu.memory_space<vmem>> -> memref<1x128xf32, #tpu.memory_space<vmem>>
    tpu.enqueue_dma source(%dma_start3A_943 : memref<1x128xf32, #tpu.memory_space<vmem>>) target(%dma_start3A_940 : memref<1x128xf32, #tpu.memory_space<any>>) target_semaphore(%arg24 : memref<!tpu.dma_semaphore, #tpu.memory_space<semaphore_mem>>)
    %dma_start3A_944 = arith.constant 0 : i32
    %dma_start3A_945 = tpu.memref_slice %arg22[%get3A_421, %dma_start3A_944] : memref<10000x128xf32, #tpu.memory_space<any>> -> memref<1x128xf32, #tpu.memory_space<any>>
    %dma_start3A_946 = arith.constant 71 : i32
    %dma_start3A_947 = arith.constant 0 : i32
    %dma_start3A_948 = tpu.memref_slice %arg23[%dma_start3A_946, %dma_start3A_947] : memref<128x128xf32, #tpu.memory_space<vmem>> -> memref<1x128xf32, #tpu.memory_space<vmem>>
    tpu.enqueue_dma source(%dma_start3A_948 : memref<1x128xf32, #tpu.memory_space<vmem>>) target(%dma_start3A_945 : memref<1x128xf32, #tpu.memory_space<any>>) target_semaphore(%arg24 : memref<!tpu.dma_semaphore, #tpu.memory_space<semaphore_mem>>)
    %dma_start3A_949 = arith.constant 0 : i32
    %dma_start3A_950 = tpu.memref_slice %arg22[%get3A_424, %dma_start3A_949] : memref<10000x128xf32, #tpu.memory_space<any>> -> memref<1x128xf32, #tpu.memory_space<any>>
    %dma_start3A_951 = arith.constant 72 : i32
    %dma_start3A_952 = arith.constant 0 : i32
    %dma_start3A_953 = tpu.memref_slice %arg23[%dma_start3A_951, %dma_start3A_952] : memref<128x128xf32, #tpu.memory_space<vmem>> -> memref<1x128xf32, #tpu.memory_space<vmem>>
    tpu.enqueue_dma source(%dma_start3A_953 : memref<1x128xf32, #tpu.memory_space<vmem>>) target(%dma_start3A_950 : memref<1x128xf32, #tpu.memory_space<any>>) target_semaphore(%arg24 : memref<!tpu.dma_semaphore, #tpu.memory_space<semaphore_mem>>)
    %dma_start3A_954 = arith.constant 0 : i32
    %dma_start3A_955 = tpu.memref_slice %arg22[%get3A_427, %dma_start3A_954] : memref<10000x128xf32, #tpu.memory_space<any>> -> memref<1x128xf32, #tpu.memory_space<any>>
    %dma_start3A_956 = arith.constant 73 : i32
    %dma_start3A_957 = arith.constant 0 : i32
    %dma_start3A_958 = tpu.memref_slice %arg23[%dma_start3A_956, %dma_start3A_957] : memref<128x128xf32, #tpu.memory_space<vmem>> -> memref<1x128xf32, #tpu.memory_space<vmem>>
    tpu.enqueue_dma source(%dma_start3A_958 : memref<1x128xf32, #tpu.memory_space<vmem>>) target(%dma_start3A_955 : memref<1x128xf32, #tpu.memory_space<any>>) target_semaphore(%arg24 : memref<!tpu.dma_semaphore, #tpu.memory_space<semaphore_mem>>)
    %dma_start3A_959 = arith.constant 0 : i32
    %dma_start3A_960 = tpu.memref_slice %arg22[%get3A_430, %dma_start3A_959] : memref<10000x128xf32, #tpu.memory_space<any>> -> memref<1x128xf32, #tpu.memory_space<any>>
    %dma_start3A_961 = arith.constant 74 : i32
    %dma_start3A_962 = arith.constant 0 : i32
    %dma_start3A_963 = tpu.memref_slice %arg23[%dma_start3A_961, %dma_start3A_962] : memref<128x128xf32, #tpu.memory_space<vmem>> -> memref<1x128xf32, #tpu.memory_space<vmem>>
    tpu.enqueue_dma source(%dma_start3A_963 : memref<1x128xf32, #tpu.memory_space<vmem>>) target(%dma_start3A_960 : memref<1x128xf32, #tpu.memory_space<any>>) target_semaphore(%arg24 : memref<!tpu.dma_semaphore, #tpu.memory_space<semaphore_mem>>)
    %dma_start3A_964 = arith.constant 0 : i32
    %dma_start3A_965 = tpu.memref_slice %arg22[%get3A_433, %dma_start3A_964] : memref<10000x128xf32, #tpu.memory_space<any>> -> memref<1x128xf32, #tpu.memory_space<any>>
    %dma_start3A_966 = arith.constant 75 : i32
    %dma_start3A_967 = arith.constant 0 : i32
    %dma_start3A_968 = tpu.memref_slice %arg23[%dma_start3A_966, %dma_start3A_967] : memref<128x128xf32, #tpu.memory_space<vmem>> -> memref<1x128xf32, #tpu.memory_space<vmem>>
    tpu.enqueue_dma source(%dma_start3A_968 : memref<1x128xf32, #tpu.memory_space<vmem>>) target(%dma_start3A_965 : memref<1x128xf32, #tpu.memory_space<any>>) target_semaphore(%arg24 : memref<!tpu.dma_semaphore, #tpu.memory_space<semaphore_mem>>)
    %dma_start3A_969 = arith.constant 0 : i32
    %dma_start3A_970 = tpu.memref_slice %arg22[%get3A_436, %dma_start3A_969] : memref<10000x128xf32, #tpu.memory_space<any>> -> memref<1x128xf32, #tpu.memory_space<any>>
    %dma_start3A_971 = arith.constant 76 : i32
    %dma_start3A_972 = arith.constant 0 : i32
    %dma_start3A_973 = tpu.memref_slice %arg23[%dma_start3A_971, %dma_start3A_972] : memref<128x128xf32, #tpu.memory_space<vmem>> -> memref<1x128xf32, #tpu.memory_space<vmem>>
    tpu.enqueue_dma source(%dma_start3A_973 : memref<1x128xf32, #tpu.memory_space<vmem>>) target(%dma_start3A_970 : memref<1x128xf32, #tpu.memory_space<any>>) target_semaphore(%arg24 : memref<!tpu.dma_semaphore, #tpu.memory_space<semaphore_mem>>)
    %dma_start3A_974 = arith.constant 0 : i32
    %dma_start3A_975 = tpu.memref_slice %arg22[%get3A_439, %dma_start3A_974] : memref<10000x128xf32, #tpu.memory_space<any>> -> memref<1x128xf32, #tpu.memory_space<any>>
    %dma_start3A_976 = arith.constant 77 : i32
    %dma_start3A_977 = arith.constant 0 : i32
    %dma_start3A_978 = tpu.memref_slice %arg23[%dma_start3A_976, %dma_start3A_977] : memref<128x128xf32, #tpu.memory_space<vmem>> -> memref<1x128xf32, #tpu.memory_space<vmem>>
    tpu.enqueue_dma source(%dma_start3A_978 : memref<1x128xf32, #tpu.memory_space<vmem>>) target(%dma_start3A_975 : memref<1x128xf32, #tpu.memory_space<any>>) target_semaphore(%arg24 : memref<!tpu.dma_semaphore, #tpu.memory_space<semaphore_mem>>)
    %dma_start3A_979 = arith.constant 0 : i32
    %dma_start3A_980 = tpu.memref_slice %arg22[%get3A_442, %dma_start3A_979] : memref<10000x128xf32, #tpu.memory_space<any>> -> memref<1x128xf32, #tpu.memory_space<any>>
    %dma_start3A_981 = arith.constant 78 : i32
    %dma_start3A_982 = arith.constant 0 : i32
    %dma_start3A_983 = tpu.memref_slice %arg23[%dma_start3A_981, %dma_start3A_982] : memref<128x128xf32, #tpu.memory_space<vmem>> -> memref<1x128xf32, #tpu.memory_space<vmem>>
    tpu.enqueue_dma source(%dma_start3A_983 : memref<1x128xf32, #tpu.memory_space<vmem>>) target(%dma_start3A_980 : memref<1x128xf32, #tpu.memory_space<any>>) target_semaphore(%arg24 : memref<!tpu.dma_semaphore, #tpu.memory_space<semaphore_mem>>)
    %dma_start3A_984 = arith.constant 0 : i32
    %dma_start3A_985 = tpu.memref_slice %arg22[%get3A_445, %dma_start3A_984] : memref<10000x128xf32, #tpu.memory_space<any>> -> memref<1x128xf32, #tpu.memory_space<any>>
    %dma_start3A_986 = arith.constant 79 : i32
    %dma_start3A_987 = arith.constant 0 : i32
    %dma_start3A_988 = tpu.memref_slice %arg23[%dma_start3A_986, %dma_start3A_987] : memref<128x128xf32, #tpu.memory_space<vmem>> -> memref<1x128xf32, #tpu.memory_space<vmem>>
    tpu.enqueue_dma source(%dma_start3A_988 : memref<1x128xf32, #tpu.memory_space<vmem>>) target(%dma_start3A_985 : memref<1x128xf32, #tpu.memory_space<any>>) target_semaphore(%arg24 : memref<!tpu.dma_semaphore, #tpu.memory_space<semaphore_mem>>)
    %dma_start3A_989 = arith.constant 0 : i32
    %dma_start3A_990 = tpu.memref_slice %arg22[%get3A_448, %dma_start3A_989] : memref<10000x128xf32, #tpu.memory_space<any>> -> memref<1x128xf32, #tpu.memory_space<any>>
    %dma_start3A_991 = arith.constant 80 : i32
    %dma_start3A_992 = arith.constant 0 : i32
    %dma_start3A_993 = tpu.memref_slice %arg23[%dma_start3A_991, %dma_start3A_992] : memref<128x128xf32, #tpu.memory_space<vmem>> -> memref<1x128xf32, #tpu.memory_space<vmem>>
    tpu.enqueue_dma source(%dma_start3A_993 : memref<1x128xf32, #tpu.memory_space<vmem>>) target(%dma_start3A_990 : memref<1x128xf32, #tpu.memory_space<any>>) target_semaphore(%arg24 : memref<!tpu.dma_semaphore, #tpu.memory_space<semaphore_mem>>)
    %dma_start3A_994 = arith.constant 0 : i32
    %dma_start3A_995 = tpu.memref_slice %arg22[%get3A_451, %dma_start3A_994] : memref<10000x128xf32, #tpu.memory_space<any>> -> memref<1x128xf32, #tpu.memory_space<any>>
    %dma_start3A_996 = arith.constant 81 : i32
    %dma_start3A_997 = arith.constant 0 : i32
    %dma_start3A_998 = tpu.memref_slice %arg23[%dma_start3A_996, %dma_start3A_997] : memref<128x128xf32, #tpu.memory_space<vmem>> -> memref<1x128xf32, #tpu.memory_space<vmem>>
    tpu.enqueue_dma source(%dma_start3A_998 : memref<1x128xf32, #tpu.memory_space<vmem>>) target(%dma_start3A_995 : memref<1x128xf32, #tpu.memory_space<any>>) target_semaphore(%arg24 : memref<!tpu.dma_semaphore, #tpu.memory_space<semaphore_mem>>)
    %dma_start3A_999 = arith.constant 0 : i32
    %dma_start3A_1000 = tpu.memref_slice %arg22[%get3A_454, %dma_start3A_999] : memref<10000x128xf32, #tpu.memory_space<any>> -> memref<1x128xf32, #tpu.memory_space<any>>
    %dma_start3A_1001 = arith.constant 82 : i32
    %dma_start3A_1002 = arith.constant 0 : i32
    %dma_start3A_1003 = tpu.memref_slice %arg23[%dma_start3A_1001, %dma_start3A_1002] : memref<128x128xf32, #tpu.memory_space<vmem>> -> memref<1x128xf32, #tpu.memory_space<vmem>>
    tpu.enqueue_dma source(%dma_start3A_1003 : memref<1x128xf32, #tpu.memory_space<vmem>>) target(%dma_start3A_1000 : memref<1x128xf32, #tpu.memory_space<any>>) target_semaphore(%arg24 : memref<!tpu.dma_semaphore, #tpu.memory_space<semaphore_mem>>)
    %dma_start3A_1004 = arith.constant 0 : i32
    %dma_start3A_1005 = tpu.memref_slice %arg22[%get3A_457, %dma_start3A_1004] : memref<10000x128xf32, #tpu.memory_space<any>> -> memref<1x128xf32, #tpu.memory_space<any>>
    %dma_start3A_1006 = arith.constant 83 : i32
    %dma_start3A_1007 = arith.constant 0 : i32
    %dma_start3A_1008 = tpu.memref_slice %arg23[%dma_start3A_1006, %dma_start3A_1007] : memref<128x128xf32, #tpu.memory_space<vmem>> -> memref<1x128xf32, #tpu.memory_space<vmem>>
    tpu.enqueue_dma source(%dma_start3A_1008 : memref<1x128xf32, #tpu.memory_space<vmem>>) target(%dma_start3A_1005 : memref<1x128xf32, #tpu.memory_space<any>>) target_semaphore(%arg24 : memref<!tpu.dma_semaphore, #tpu.memory_space<semaphore_mem>>)
    %dma_start3A_1009 = arith.constant 0 : i32
    %dma_start3A_1010 = tpu.memref_slice %arg22[%get3A_460, %dma_start3A_1009] : memref<10000x128xf32, #tpu.memory_space<any>> -> memref<1x128xf32, #tpu.memory_space<any>>
    %dma_start3A_1011 = arith.constant 84 : i32
    %dma_start3A_1012 = arith.constant 0 : i32
    %dma_start3A_1013 = tpu.memref_slice %arg23[%dma_start3A_1011, %dma_start3A_1012] : memref<128x128xf32, #tpu.memory_space<vmem>> -> memref<1x128xf32, #tpu.memory_space<vmem>>
    tpu.enqueue_dma source(%dma_start3A_1013 : memref<1x128xf32, #tpu.memory_space<vmem>>) target(%dma_start3A_1010 : memref<1x128xf32, #tpu.memory_space<any>>) target_semaphore(%arg24 : memref<!tpu.dma_semaphore, #tpu.memory_space<semaphore_mem>>)
    %dma_start3A_1014 = arith.constant 0 : i32
    %dma_start3A_1015 = tpu.memref_slice %arg22[%get3A_463, %dma_start3A_1014] : memref<10000x128xf32, #tpu.memory_space<any>> -> memref<1x128xf32, #tpu.memory_space<any>>
    %dma_start3A_1016 = arith.constant 85 : i32
    %dma_start3A_1017 = arith.constant 0 : i32
    %dma_start3A_1018 = tpu.memref_slice %arg23[%dma_start3A_1016, %dma_start3A_1017] : memref<128x128xf32, #tpu.memory_space<vmem>> -> memref<1x128xf32, #tpu.memory_space<vmem>>
    tpu.enqueue_dma source(%dma_start3A_1018 : memref<1x128xf32, #tpu.memory_space<vmem>>) target(%dma_start3A_1015 : memref<1x128xf32, #tpu.memory_space<any>>) target_semaphore(%arg24 : memref<!tpu.dma_semaphore, #tpu.memory_space<semaphore_mem>>)
    %dma_start3A_1019 = arith.constant 0 : i32
    %dma_start3A_1020 = tpu.memref_slice %arg22[%get3A_466, %dma_start3A_1019] : memref<10000x128xf32, #tpu.memory_space<any>> -> memref<1x128xf32, #tpu.memory_space<any>>
    %dma_start3A_1021 = arith.constant 86 : i32
    %dma_start3A_1022 = arith.constant 0 : i32
    %dma_start3A_1023 = tpu.memref_slice %arg23[%dma_start3A_1021, %dma_start3A_1022] : memref<128x128xf32, #tpu.memory_space<vmem>> -> memref<1x128xf32, #tpu.memory_space<vmem>>
    tpu.enqueue_dma source(%dma_start3A_1023 : memref<1x128xf32, #tpu.memory_space<vmem>>) target(%dma_start3A_1020 : memref<1x128xf32, #tpu.memory_space<any>>) target_semaphore(%arg24 : memref<!tpu.dma_semaphore, #tpu.memory_space<semaphore_mem>>)
    %dma_start3A_1024 = arith.constant 0 : i32
    %dma_start3A_1025 = tpu.memref_slice %arg22[%get3A_469, %dma_start3A_1024] : memref<10000x128xf32, #tpu.memory_space<any>> -> memref<1x128xf32, #tpu.memory_space<any>>
    %dma_start3A_1026 = arith.constant 87 : i32
    %dma_start3A_1027 = arith.constant 0 : i32
    %dma_start3A_1028 = tpu.memref_slice %arg23[%dma_start3A_1026, %dma_start3A_1027] : memref<128x128xf32, #tpu.memory_space<vmem>> -> memref<1x128xf32, #tpu.memory_space<vmem>>
    tpu.enqueue_dma source(%dma_start3A_1028 : memref<1x128xf32, #tpu.memory_space<vmem>>) target(%dma_start3A_1025 : memref<1x128xf32, #tpu.memory_space<any>>) target_semaphore(%arg24 : memref<!tpu.dma_semaphore, #tpu.memory_space<semaphore_mem>>)
    %dma_start3A_1029 = arith.constant 0 : i32
    %dma_start3A_1030 = tpu.memref_slice %arg22[%get3A_472, %dma_start3A_1029] : memref<10000x128xf32, #tpu.memory_space<any>> -> memref<1x128xf32, #tpu.memory_space<any>>
    %dma_start3A_1031 = arith.constant 88 : i32
    %dma_start3A_1032 = arith.constant 0 : i32
    %dma_start3A_1033 = tpu.memref_slice %arg23[%dma_start3A_1031, %dma_start3A_1032] : memref<128x128xf32, #tpu.memory_space<vmem>> -> memref<1x128xf32, #tpu.memory_space<vmem>>
    tpu.enqueue_dma source(%dma_start3A_1033 : memref<1x128xf32, #tpu.memory_space<vmem>>) target(%dma_start3A_1030 : memref<1x128xf32, #tpu.memory_space<any>>) target_semaphore(%arg24 : memref<!tpu.dma_semaphore, #tpu.memory_space<semaphore_mem>>)
    %dma_start3A_1034 = arith.constant 0 : i32
    %dma_start3A_1035 = tpu.memref_slice %arg22[%get3A_475, %dma_start3A_1034] : memref<10000x128xf32, #tpu.memory_space<any>> -> memref<1x128xf32, #tpu.memory_space<any>>
    %dma_start3A_1036 = arith.constant 89 : i32
    %dma_start3A_1037 = arith.constant 0 : i32
    %dma_start3A_1038 = tpu.memref_slice %arg23[%dma_start3A_1036, %dma_start3A_1037] : memref<128x128xf32, #tpu.memory_space<vmem>> -> memref<1x128xf32, #tpu.memory_space<vmem>>
    tpu.enqueue_dma source(%dma_start3A_1038 : memref<1x128xf32, #tpu.memory_space<vmem>>) target(%dma_start3A_1035 : memref<1x128xf32, #tpu.memory_space<any>>) target_semaphore(%arg24 : memref<!tpu.dma_semaphore, #tpu.memory_space<semaphore_mem>>)
    %dma_start3A_1039 = arith.constant 0 : i32
    %dma_start3A_1040 = tpu.memref_slice %arg22[%get3A_478, %dma_start3A_1039] : memref<10000x128xf32, #tpu.memory_space<any>> -> memref<1x128xf32, #tpu.memory_space<any>>
    %dma_start3A_1041 = arith.constant 90 : i32
    %dma_start3A_1042 = arith.constant 0 : i32
    %dma_start3A_1043 = tpu.memref_slice %arg23[%dma_start3A_1041, %dma_start3A_1042] : memref<128x128xf32, #tpu.memory_space<vmem>> -> memref<1x128xf32, #tpu.memory_space<vmem>>
    tpu.enqueue_dma source(%dma_start3A_1043 : memref<1x128xf32, #tpu.memory_space<vmem>>) target(%dma_start3A_1040 : memref<1x128xf32, #tpu.memory_space<any>>) target_semaphore(%arg24 : memref<!tpu.dma_semaphore, #tpu.memory_space<semaphore_mem>>)
    %dma_start3A_1044 = arith.constant 0 : i32
    %dma_start3A_1045 = tpu.memref_slice %arg22[%get3A_481, %dma_start3A_1044] : memref<10000x128xf32, #tpu.memory_space<any>> -> memref<1x128xf32, #tpu.memory_space<any>>
    %dma_start3A_1046 = arith.constant 91 : i32
    %dma_start3A_1047 = arith.constant 0 : i32
    %dma_start3A_1048 = tpu.memref_slice %arg23[%dma_start3A_1046, %dma_start3A_1047] : memref<128x128xf32, #tpu.memory_space<vmem>> -> memref<1x128xf32, #tpu.memory_space<vmem>>
    tpu.enqueue_dma source(%dma_start3A_1048 : memref<1x128xf32, #tpu.memory_space<vmem>>) target(%dma_start3A_1045 : memref<1x128xf32, #tpu.memory_space<any>>) target_semaphore(%arg24 : memref<!tpu.dma_semaphore, #tpu.memory_space<semaphore_mem>>)
    %dma_start3A_1049 = arith.constant 0 : i32
    %dma_start3A_1050 = tpu.memref_slice %arg22[%get3A_484, %dma_start3A_1049] : memref<10000x128xf32, #tpu.memory_space<any>> -> memref<1x128xf32, #tpu.memory_space<any>>
    %dma_start3A_1051 = arith.constant 92 : i32
    %dma_start3A_1052 = arith.constant 0 : i32
    %dma_start3A_1053 = tpu.memref_slice %arg23[%dma_start3A_1051, %dma_start3A_1052] : memref<128x128xf32, #tpu.memory_space<vmem>> -> memref<1x128xf32, #tpu.memory_space<vmem>>
    tpu.enqueue_dma source(%dma_start3A_1053 : memref<1x128xf32, #tpu.memory_space<vmem>>) target(%dma_start3A_1050 : memref<1x128xf32, #tpu.memory_space<any>>) target_semaphore(%arg24 : memref<!tpu.dma_semaphore, #tpu.memory_space<semaphore_mem>>)
    %dma_start3A_1054 = arith.constant 0 : i32
    %dma_start3A_1055 = tpu.memref_slice %arg22[%get3A_487, %dma_start3A_1054] : memref<10000x128xf32, #tpu.memory_space<any>> -> memref<1x128xf32, #tpu.memory_space<any>>
    %dma_start3A_1056 = arith.constant 93 : i32
    %dma_start3A_1057 = arith.constant 0 : i32
    %dma_start3A_1058 = tpu.memref_slice %arg23[%dma_start3A_1056, %dma_start3A_1057] : memref<128x128xf32, #tpu.memory_space<vmem>> -> memref<1x128xf32, #tpu.memory_space<vmem>>
    tpu.enqueue_dma source(%dma_start3A_1058 : memref<1x128xf32, #tpu.memory_space<vmem>>) target(%dma_start3A_1055 : memref<1x128xf32, #tpu.memory_space<any>>) target_semaphore(%arg24 : memref<!tpu.dma_semaphore, #tpu.memory_space<semaphore_mem>>)
    %dma_start3A_1059 = arith.constant 0 : i32
    %dma_start3A_1060 = tpu.memref_slice %arg22[%get3A_490, %dma_start3A_1059] : memref<10000x128xf32, #tpu.memory_space<any>> -> memref<1x128xf32, #tpu.memory_space<any>>
    %dma_start3A_1061 = arith.constant 94 : i32
    %dma_start3A_1062 = arith.constant 0 : i32
    %dma_start3A_1063 = tpu.memref_slice %arg23[%dma_start3A_1061, %dma_start3A_1062] : memref<128x128xf32, #tpu.memory_space<vmem>> -> memref<1x128xf32, #tpu.memory_space<vmem>>
    tpu.enqueue_dma source(%dma_start3A_1063 : memref<1x128xf32, #tpu.memory_space<vmem>>) target(%dma_start3A_1060 : memref<1x128xf32, #tpu.memory_space<any>>) target_semaphore(%arg24 : memref<!tpu.dma_semaphore, #tpu.memory_space<semaphore_mem>>)
    %dma_start3A_1064 = arith.constant 0 : i32
    %dma_start3A_1065 = tpu.memref_slice %arg22[%get3A_493, %dma_start3A_1064] : memref<10000x128xf32, #tpu.memory_space<any>> -> memref<1x128xf32, #tpu.memory_space<any>>
    %dma_start3A_1066 = arith.constant 95 : i32
    %dma_start3A_1067 = arith.constant 0 : i32
    %dma_start3A_1068 = tpu.memref_slice %arg23[%dma_start3A_1066, %dma_start3A_1067] : memref<128x128xf32, #tpu.memory_space<vmem>> -> memref<1x128xf32, #tpu.memory_space<vmem>>
    tpu.enqueue_dma source(%dma_start3A_1068 : memref<1x128xf32, #tpu.memory_space<vmem>>) target(%dma_start3A_1065 : memref<1x128xf32, #tpu.memory_space<any>>) target_semaphore(%arg24 : memref<!tpu.dma_semaphore, #tpu.memory_space<semaphore_mem>>)
    %dma_start3A_1069 = arith.constant 0 : i32
    %dma_start3A_1070 = tpu.memref_slice %arg22[%get3A_496, %dma_start3A_1069] : memref<10000x128xf32, #tpu.memory_space<any>> -> memref<1x128xf32, #tpu.memory_space<any>>
    %dma_start3A_1071 = arith.constant 96 : i32
    %dma_start3A_1072 = arith.constant 0 : i32
    %dma_start3A_1073 = tpu.memref_slice %arg23[%dma_start3A_1071, %dma_start3A_1072] : memref<128x128xf32, #tpu.memory_space<vmem>> -> memref<1x128xf32, #tpu.memory_space<vmem>>
    tpu.enqueue_dma source(%dma_start3A_1073 : memref<1x128xf32, #tpu.memory_space<vmem>>) target(%dma_start3A_1070 : memref<1x128xf32, #tpu.memory_space<any>>) target_semaphore(%arg24 : memref<!tpu.dma_semaphore, #tpu.memory_space<semaphore_mem>>)
    %dma_start3A_1074 = arith.constant 0 : i32
    %dma_start3A_1075 = tpu.memref_slice %arg22[%get3A_499, %dma_start3A_1074] : memref<10000x128xf32, #tpu.memory_space<any>> -> memref<1x128xf32, #tpu.memory_space<any>>
    %dma_start3A_1076 = arith.constant 97 : i32
    %dma_start3A_1077 = arith.constant 0 : i32
    %dma_start3A_1078 = tpu.memref_slice %arg23[%dma_start3A_1076, %dma_start3A_1077] : memref<128x128xf32, #tpu.memory_space<vmem>> -> memref<1x128xf32, #tpu.memory_space<vmem>>
    tpu.enqueue_dma source(%dma_start3A_1078 : memref<1x128xf32, #tpu.memory_space<vmem>>) target(%dma_start3A_1075 : memref<1x128xf32, #tpu.memory_space<any>>) target_semaphore(%arg24 : memref<!tpu.dma_semaphore, #tpu.memory_space<semaphore_mem>>)
    %dma_start3A_1079 = arith.constant 0 : i32
    %dma_start3A_1080 = tpu.memref_slice %arg22[%get3A_502, %dma_start3A_1079] : memref<10000x128xf32, #tpu.memory_space<any>> -> memref<1x128xf32, #tpu.memory_space<any>>
    %dma_start3A_1081 = arith.constant 98 : i32
    %dma_start3A_1082 = arith.constant 0 : i32
    %dma_start3A_1083 = tpu.memref_slice %arg23[%dma_start3A_1081, %dma_start3A_1082] : memref<128x128xf32, #tpu.memory_space<vmem>> -> memref<1x128xf32, #tpu.memory_space<vmem>>
    tpu.enqueue_dma source(%dma_start3A_1083 : memref<1x128xf32, #tpu.memory_space<vmem>>) target(%dma_start3A_1080 : memref<1x128xf32, #tpu.memory_space<any>>) target_semaphore(%arg24 : memref<!tpu.dma_semaphore, #tpu.memory_space<semaphore_mem>>)
    %dma_start3A_1084 = arith.constant 0 : i32
    %dma_start3A_1085 = tpu.memref_slice %arg22[%get3A_505, %dma_start3A_1084] : memref<10000x128xf32, #tpu.memory_space<any>> -> memref<1x128xf32, #tpu.memory_space<any>>
    %dma_start3A_1086 = arith.constant 99 : i32
    %dma_start3A_1087 = arith.constant 0 : i32
    %dma_start3A_1088 = tpu.memref_slice %arg23[%dma_start3A_1086, %dma_start3A_1087] : memref<128x128xf32, #tpu.memory_space<vmem>> -> memref<1x128xf32, #tpu.memory_space<vmem>>
    tpu.enqueue_dma source(%dma_start3A_1088 : memref<1x128xf32, #tpu.memory_space<vmem>>) target(%dma_start3A_1085 : memref<1x128xf32, #tpu.memory_space<any>>) target_semaphore(%arg24 : memref<!tpu.dma_semaphore, #tpu.memory_space<semaphore_mem>>)
    %dma_start3A_1089 = arith.constant 0 : i32
    %dma_start3A_1090 = tpu.memref_slice %arg22[%get3A_508, %dma_start3A_1089] : memref<10000x128xf32, #tpu.memory_space<any>> -> memref<1x128xf32, #tpu.memory_space<any>>
    %dma_start3A_1091 = arith.constant 100 : i32
    %dma_start3A_1092 = arith.constant 0 : i32
    %dma_start3A_1093 = tpu.memref_slice %arg23[%dma_start3A_1091, %dma_start3A_1092] : memref<128x128xf32, #tpu.memory_space<vmem>> -> memref<1x128xf32, #tpu.memory_space<vmem>>
    tpu.enqueue_dma source(%dma_start3A_1093 : memref<1x128xf32, #tpu.memory_space<vmem>>) target(%dma_start3A_1090 : memref<1x128xf32, #tpu.memory_space<any>>) target_semaphore(%arg24 : memref<!tpu.dma_semaphore, #tpu.memory_space<semaphore_mem>>)
    %dma_start3A_1094 = arith.constant 0 : i32
    %dma_start3A_1095 = tpu.memref_slice %arg22[%get3A_511, %dma_start3A_1094] : memref<10000x128xf32, #tpu.memory_space<any>> -> memref<1x128xf32, #tpu.memory_space<any>>
    %dma_start3A_1096 = arith.constant 101 : i32
    %dma_start3A_1097 = arith.constant 0 : i32
    %dma_start3A_1098 = tpu.memref_slice %arg23[%dma_start3A_1096, %dma_start3A_1097] : memref<128x128xf32, #tpu.memory_space<vmem>> -> memref<1x128xf32, #tpu.memory_space<vmem>>
    tpu.enqueue_dma source(%dma_start3A_1098 : memref<1x128xf32, #tpu.memory_space<vmem>>) target(%dma_start3A_1095 : memref<1x128xf32, #tpu.memory_space<any>>) target_semaphore(%arg24 : memref<!tpu.dma_semaphore, #tpu.memory_space<semaphore_mem>>)
    %dma_start3A_1099 = arith.constant 0 : i32
    %dma_start3A_1100 = tpu.memref_slice %arg22[%get3A_514, %dma_start3A_1099] : memref<10000x128xf32, #tpu.memory_space<any>> -> memref<1x128xf32, #tpu.memory_space<any>>
    %dma_start3A_1101 = arith.constant 102 : i32
    %dma_start3A_1102 = arith.constant 0 : i32
    %dma_start3A_1103 = tpu.memref_slice %arg23[%dma_start3A_1101, %dma_start3A_1102] : memref<128x128xf32, #tpu.memory_space<vmem>> -> memref<1x128xf32, #tpu.memory_space<vmem>>
    tpu.enqueue_dma source(%dma_start3A_1103 : memref<1x128xf32, #tpu.memory_space<vmem>>) target(%dma_start3A_1100 : memref<1x128xf32, #tpu.memory_space<any>>) target_semaphore(%arg24 : memref<!tpu.dma_semaphore, #tpu.memory_space<semaphore_mem>>)
    %dma_start3A_1104 = arith.constant 0 : i32
    %dma_start3A_1105 = tpu.memref_slice %arg22[%get3A_517, %dma_start3A_1104] : memref<10000x128xf32, #tpu.memory_space<any>> -> memref<1x128xf32, #tpu.memory_space<any>>
    %dma_start3A_1106 = arith.constant 103 : i32
    %dma_start3A_1107 = arith.constant 0 : i32
    %dma_start3A_1108 = tpu.memref_slice %arg23[%dma_start3A_1106, %dma_start3A_1107] : memref<128x128xf32, #tpu.memory_space<vmem>> -> memref<1x128xf32, #tpu.memory_space<vmem>>
    tpu.enqueue_dma source(%dma_start3A_1108 : memref<1x128xf32, #tpu.memory_space<vmem>>) target(%dma_start3A_1105 : memref<1x128xf32, #tpu.memory_space<any>>) target_semaphore(%arg24 : memref<!tpu.dma_semaphore, #tpu.memory_space<semaphore_mem>>)
    %dma_start3A_1109 = arith.constant 0 : i32
    %dma_start3A_1110 = tpu.memref_slice %arg22[%get3A_520, %dma_start3A_1109] : memref<10000x128xf32, #tpu.memory_space<any>> -> memref<1x128xf32, #tpu.memory_space<any>>
    %dma_start3A_1111 = arith.constant 104 : i32
    %dma_start3A_1112 = arith.constant 0 : i32
    %dma_start3A_1113 = tpu.memref_slice %arg23[%dma_start3A_1111, %dma_start3A_1112] : memref<128x128xf32, #tpu.memory_space<vmem>> -> memref<1x128xf32, #tpu.memory_space<vmem>>
    tpu.enqueue_dma source(%dma_start3A_1113 : memref<1x128xf32, #tpu.memory_space<vmem>>) target(%dma_start3A_1110 : memref<1x128xf32, #tpu.memory_space<any>>) target_semaphore(%arg24 : memref<!tpu.dma_semaphore, #tpu.memory_space<semaphore_mem>>)
    %dma_start3A_1114 = arith.constant 0 : i32
    %dma_start3A_1115 = tpu.memref_slice %arg22[%get3A_523, %dma_start3A_1114] : memref<10000x128xf32, #tpu.memory_space<any>> -> memref<1x128xf32, #tpu.memory_space<any>>
    %dma_start3A_1116 = arith.constant 105 : i32
    %dma_start3A_1117 = arith.constant 0 : i32
    %dma_start3A_1118 = tpu.memref_slice %arg23[%dma_start3A_1116, %dma_start3A_1117] : memref<128x128xf32, #tpu.memory_space<vmem>> -> memref<1x128xf32, #tpu.memory_space<vmem>>
    tpu.enqueue_dma source(%dma_start3A_1118 : memref<1x128xf32, #tpu.memory_space<vmem>>) target(%dma_start3A_1115 : memref<1x128xf32, #tpu.memory_space<any>>) target_semaphore(%arg24 : memref<!tpu.dma_semaphore, #tpu.memory_space<semaphore_mem>>)
    %dma_start3A_1119 = arith.constant 0 : i32
    %dma_start3A_1120 = tpu.memref_slice %arg22[%get3A_526, %dma_start3A_1119] : memref<10000x128xf32, #tpu.memory_space<any>> -> memref<1x128xf32, #tpu.memory_space<any>>
    %dma_start3A_1121 = arith.constant 106 : i32
    %dma_start3A_1122 = arith.constant 0 : i32
    %dma_start3A_1123 = tpu.memref_slice %arg23[%dma_start3A_1121, %dma_start3A_1122] : memref<128x128xf32, #tpu.memory_space<vmem>> -> memref<1x128xf32, #tpu.memory_space<vmem>>
    tpu.enqueue_dma source(%dma_start3A_1123 : memref<1x128xf32, #tpu.memory_space<vmem>>) target(%dma_start3A_1120 : memref<1x128xf32, #tpu.memory_space<any>>) target_semaphore(%arg24 : memref<!tpu.dma_semaphore, #tpu.memory_space<semaphore_mem>>)
    %dma_start3A_1124 = arith.constant 0 : i32
    %dma_start3A_1125 = tpu.memref_slice %arg22[%get3A_529, %dma_start3A_1124] : memref<10000x128xf32, #tpu.memory_space<any>> -> memref<1x128xf32, #tpu.memory_space<any>>
    %dma_start3A_1126 = arith.constant 107 : i32
    %dma_start3A_1127 = arith.constant 0 : i32
    %dma_start3A_1128 = tpu.memref_slice %arg23[%dma_start3A_1126, %dma_start3A_1127] : memref<128x128xf32, #tpu.memory_space<vmem>> -> memref<1x128xf32, #tpu.memory_space<vmem>>
    tpu.enqueue_dma source(%dma_start3A_1128 : memref<1x128xf32, #tpu.memory_space<vmem>>) target(%dma_start3A_1125 : memref<1x128xf32, #tpu.memory_space<any>>) target_semaphore(%arg24 : memref<!tpu.dma_semaphore, #tpu.memory_space<semaphore_mem>>)
    %dma_start3A_1129 = arith.constant 0 : i32
    %dma_start3A_1130 = tpu.memref_slice %arg22[%get3A_532, %dma_start3A_1129] : memref<10000x128xf32, #tpu.memory_space<any>> -> memref<1x128xf32, #tpu.memory_space<any>>
    %dma_start3A_1131 = arith.constant 108 : i32
    %dma_start3A_1132 = arith.constant 0 : i32
    %dma_start3A_1133 = tpu.memref_slice %arg23[%dma_start3A_1131, %dma_start3A_1132] : memref<128x128xf32, #tpu.memory_space<vmem>> -> memref<1x128xf32, #tpu.memory_space<vmem>>
    tpu.enqueue_dma source(%dma_start3A_1133 : memref<1x128xf32, #tpu.memory_space<vmem>>) target(%dma_start3A_1130 : memref<1x128xf32, #tpu.memory_space<any>>) target_semaphore(%arg24 : memref<!tpu.dma_semaphore, #tpu.memory_space<semaphore_mem>>)
    %dma_start3A_1134 = arith.constant 0 : i32
    %dma_start3A_1135 = tpu.memref_slice %arg22[%get3A_535, %dma_start3A_1134] : memref<10000x128xf32, #tpu.memory_space<any>> -> memref<1x128xf32, #tpu.memory_space<any>>
    %dma_start3A_1136 = arith.constant 109 : i32
    %dma_start3A_1137 = arith.constant 0 : i32
    %dma_start3A_1138 = tpu.memref_slice %arg23[%dma_start3A_1136, %dma_start3A_1137] : memref<128x128xf32, #tpu.memory_space<vmem>> -> memref<1x128xf32, #tpu.memory_space<vmem>>
    tpu.enqueue_dma source(%dma_start3A_1138 : memref<1x128xf32, #tpu.memory_space<vmem>>) target(%dma_start3A_1135 : memref<1x128xf32, #tpu.memory_space<any>>) target_semaphore(%arg24 : memref<!tpu.dma_semaphore, #tpu.memory_space<semaphore_mem>>)
    %dma_start3A_1139 = arith.constant 0 : i32
    %dma_start3A_1140 = tpu.memref_slice %arg22[%get3A_538, %dma_start3A_1139] : memref<10000x128xf32, #tpu.memory_space<any>> -> memref<1x128xf32, #tpu.memory_space<any>>
    %dma_start3A_1141 = arith.constant 110 : i32
    %dma_start3A_1142 = arith.constant 0 : i32
    %dma_start3A_1143 = tpu.memref_slice %arg23[%dma_start3A_1141, %dma_start3A_1142] : memref<128x128xf32, #tpu.memory_space<vmem>> -> memref<1x128xf32, #tpu.memory_space<vmem>>
    tpu.enqueue_dma source(%dma_start3A_1143 : memref<1x128xf32, #tpu.memory_space<vmem>>) target(%dma_start3A_1140 : memref<1x128xf32, #tpu.memory_space<any>>) target_semaphore(%arg24 : memref<!tpu.dma_semaphore, #tpu.memory_space<semaphore_mem>>)
    %dma_start3A_1144 = arith.constant 0 : i32
    %dma_start3A_1145 = tpu.memref_slice %arg22[%get3A_541, %dma_start3A_1144] : memref<10000x128xf32, #tpu.memory_space<any>> -> memref<1x128xf32, #tpu.memory_space<any>>
    %dma_start3A_1146 = arith.constant 111 : i32
    %dma_start3A_1147 = arith.constant 0 : i32
    %dma_start3A_1148 = tpu.memref_slice %arg23[%dma_start3A_1146, %dma_start3A_1147] : memref<128x128xf32, #tpu.memory_space<vmem>> -> memref<1x128xf32, #tpu.memory_space<vmem>>
    tpu.enqueue_dma source(%dma_start3A_1148 : memref<1x128xf32, #tpu.memory_space<vmem>>) target(%dma_start3A_1145 : memref<1x128xf32, #tpu.memory_space<any>>) target_semaphore(%arg24 : memref<!tpu.dma_semaphore, #tpu.memory_space<semaphore_mem>>)
    %dma_start3A_1149 = arith.constant 0 : i32
    %dma_start3A_1150 = tpu.memref_slice %arg22[%get3A_544, %dma_start3A_1149] : memref<10000x128xf32, #tpu.memory_space<any>> -> memref<1x128xf32, #tpu.memory_space<any>>
    %dma_start3A_1151 = arith.constant 112 : i32
    %dma_start3A_1152 = arith.constant 0 : i32
    %dma_start3A_1153 = tpu.memref_slice %arg23[%dma_start3A_1151, %dma_start3A_1152] : memref<128x128xf32, #tpu.memory_space<vmem>> -> memref<1x128xf32, #tpu.memory_space<vmem>>
    tpu.enqueue_dma source(%dma_start3A_1153 : memref<1x128xf32, #tpu.memory_space<vmem>>) target(%dma_start3A_1150 : memref<1x128xf32, #tpu.memory_space<any>>) target_semaphore(%arg24 : memref<!tpu.dma_semaphore, #tpu.memory_space<semaphore_mem>>)
    %dma_start3A_1154 = arith.constant 0 : i32
    %dma_start3A_1155 = tpu.memref_slice %arg22[%get3A_547, %dma_start3A_1154] : memref<10000x128xf32, #tpu.memory_space<any>> -> memref<1x128xf32, #tpu.memory_space<any>>
    %dma_start3A_1156 = arith.constant 113 : i32
    %dma_start3A_1157 = arith.constant 0 : i32
    %dma_start3A_1158 = tpu.memref_slice %arg23[%dma_start3A_1156, %dma_start3A_1157] : memref<128x128xf32, #tpu.memory_space<vmem>> -> memref<1x128xf32, #tpu.memory_space<vmem>>
    tpu.enqueue_dma source(%dma_start3A_1158 : memref<1x128xf32, #tpu.memory_space<vmem>>) target(%dma_start3A_1155 : memref<1x128xf32, #tpu.memory_space<any>>) target_semaphore(%arg24 : memref<!tpu.dma_semaphore, #tpu.memory_space<semaphore_mem>>)
    %dma_start3A_1159 = arith.constant 0 : i32
    %dma_start3A_1160 = tpu.memref_slice %arg22[%get3A_550, %dma_start3A_1159] : memref<10000x128xf32, #tpu.memory_space<any>> -> memref<1x128xf32, #tpu.memory_space<any>>
    %dma_start3A_1161 = arith.constant 114 : i32
    %dma_start3A_1162 = arith.constant 0 : i32
    %dma_start3A_1163 = tpu.memref_slice %arg23[%dma_start3A_1161, %dma_start3A_1162] : memref<128x128xf32, #tpu.memory_space<vmem>> -> memref<1x128xf32, #tpu.memory_space<vmem>>
    tpu.enqueue_dma source(%dma_start3A_1163 : memref<1x128xf32, #tpu.memory_space<vmem>>) target(%dma_start3A_1160 : memref<1x128xf32, #tpu.memory_space<any>>) target_semaphore(%arg24 : memref<!tpu.dma_semaphore, #tpu.memory_space<semaphore_mem>>)
    %dma_start3A_1164 = arith.constant 0 : i32
    %dma_start3A_1165 = tpu.memref_slice %arg22[%get3A_553, %dma_start3A_1164] : memref<10000x128xf32, #tpu.memory_space<any>> -> memref<1x128xf32, #tpu.memory_space<any>>
    %dma_start3A_1166 = arith.constant 115 : i32
    %dma_start3A_1167 = arith.constant 0 : i32
    %dma_start3A_1168 = tpu.memref_slice %arg23[%dma_start3A_1166, %dma_start3A_1167] : memref<128x128xf32, #tpu.memory_space<vmem>> -> memref<1x128xf32, #tpu.memory_space<vmem>>
    tpu.enqueue_dma source(%dma_start3A_1168 : memref<1x128xf32, #tpu.memory_space<vmem>>) target(%dma_start3A_1165 : memref<1x128xf32, #tpu.memory_space<any>>) target_semaphore(%arg24 : memref<!tpu.dma_semaphore, #tpu.memory_space<semaphore_mem>>)
    %dma_start3A_1169 = arith.constant 0 : i32
    %dma_start3A_1170 = tpu.memref_slice %arg22[%get3A_556, %dma_start3A_1169] : memref<10000x128xf32, #tpu.memory_space<any>> -> memref<1x128xf32, #tpu.memory_space<any>>
    %dma_start3A_1171 = arith.constant 116 : i32
    %dma_start3A_1172 = arith.constant 0 : i32
    %dma_start3A_1173 = tpu.memref_slice %arg23[%dma_start3A_1171, %dma_start3A_1172] : memref<128x128xf32, #tpu.memory_space<vmem>> -> memref<1x128xf32, #tpu.memory_space<vmem>>
    tpu.enqueue_dma source(%dma_start3A_1173 : memref<1x128xf32, #tpu.memory_space<vmem>>) target(%dma_start3A_1170 : memref<1x128xf32, #tpu.memory_space<any>>) target_semaphore(%arg24 : memref<!tpu.dma_semaphore, #tpu.memory_space<semaphore_mem>>)
    %dma_start3A_1174 = arith.constant 0 : i32
    %dma_start3A_1175 = tpu.memref_slice %arg22[%get3A_559, %dma_start3A_1174] : memref<10000x128xf32, #tpu.memory_space<any>> -> memref<1x128xf32, #tpu.memory_space<any>>
    %dma_start3A_1176 = arith.constant 117 : i32
    %dma_start3A_1177 = arith.constant 0 : i32
    %dma_start3A_1178 = tpu.memref_slice %arg23[%dma_start3A_1176, %dma_start3A_1177] : memref<128x128xf32, #tpu.memory_space<vmem>> -> memref<1x128xf32, #tpu.memory_space<vmem>>
    tpu.enqueue_dma source(%dma_start3A_1178 : memref<1x128xf32, #tpu.memory_space<vmem>>) target(%dma_start3A_1175 : memref<1x128xf32, #tpu.memory_space<any>>) target_semaphore(%arg24 : memref<!tpu.dma_semaphore, #tpu.memory_space<semaphore_mem>>)
    %dma_start3A_1179 = arith.constant 0 : i32
    %dma_start3A_1180 = tpu.memref_slice %arg22[%get3A_562, %dma_start3A_1179] : memref<10000x128xf32, #tpu.memory_space<any>> -> memref<1x128xf32, #tpu.memory_space<any>>
    %dma_start3A_1181 = arith.constant 118 : i32
    %dma_start3A_1182 = arith.constant 0 : i32
    %dma_start3A_1183 = tpu.memref_slice %arg23[%dma_start3A_1181, %dma_start3A_1182] : memref<128x128xf32, #tpu.memory_space<vmem>> -> memref<1x128xf32, #tpu.memory_space<vmem>>
    tpu.enqueue_dma source(%dma_start3A_1183 : memref<1x128xf32, #tpu.memory_space<vmem>>) target(%dma_start3A_1180 : memref<1x128xf32, #tpu.memory_space<any>>) target_semaphore(%arg24 : memref<!tpu.dma_semaphore, #tpu.memory_space<semaphore_mem>>)
    %dma_start3A_1184 = arith.constant 0 : i32
    %dma_start3A_1185 = tpu.memref_slice %arg22[%get3A_565, %dma_start3A_1184] : memref<10000x128xf32, #tpu.memory_space<any>> -> memref<1x128xf32, #tpu.memory_space<any>>
    %dma_start3A_1186 = arith.constant 119 : i32
    %dma_start3A_1187 = arith.constant 0 : i32
    %dma_start3A_1188 = tpu.memref_slice %arg23[%dma_start3A_1186, %dma_start3A_1187] : memref<128x128xf32, #tpu.memory_space<vmem>> -> memref<1x128xf32, #tpu.memory_space<vmem>>
    tpu.enqueue_dma source(%dma_start3A_1188 : memref<1x128xf32, #tpu.memory_space<vmem>>) target(%dma_start3A_1185 : memref<1x128xf32, #tpu.memory_space<any>>) target_semaphore(%arg24 : memref<!tpu.dma_semaphore, #tpu.memory_space<semaphore_mem>>)
    %dma_start3A_1189 = arith.constant 0 : i32
    %dma_start3A_1190 = tpu.memref_slice %arg22[%get3A_568, %dma_start3A_1189] : memref<10000x128xf32, #tpu.memory_space<any>> -> memref<1x128xf32, #tpu.memory_space<any>>
    %dma_start3A_1191 = arith.constant 120 : i32
    %dma_start3A_1192 = arith.constant 0 : i32
    %dma_start3A_1193 = tpu.memref_slice %arg23[%dma_start3A_1191, %dma_start3A_1192] : memref<128x128xf32, #tpu.memory_space<vmem>> -> memref<1x128xf32, #tpu.memory_space<vmem>>
    tpu.enqueue_dma source(%dma_start3A_1193 : memref<1x128xf32, #tpu.memory_space<vmem>>) target(%dma_start3A_1190 : memref<1x128xf32, #tpu.memory_space<any>>) target_semaphore(%arg24 : memref<!tpu.dma_semaphore, #tpu.memory_space<semaphore_mem>>)
    %dma_start3A_1194 = arith.constant 0 : i32
    %dma_start3A_1195 = tpu.memref_slice %arg22[%get3A_571, %dma_start3A_1194] : memref<10000x128xf32, #tpu.memory_space<any>> -> memref<1x128xf32, #tpu.memory_space<any>>
    %dma_start3A_1196 = arith.constant 121 : i32
    %dma_start3A_1197 = arith.constant 0 : i32
    %dma_start3A_1198 = tpu.memref_slice %arg23[%dma_start3A_1196, %dma_start3A_1197] : memref<128x128xf32, #tpu.memory_space<vmem>> -> memref<1x128xf32, #tpu.memory_space<vmem>>
    tpu.enqueue_dma source(%dma_start3A_1198 : memref<1x128xf32, #tpu.memory_space<vmem>>) target(%dma_start3A_1195 : memref<1x128xf32, #tpu.memory_space<any>>) target_semaphore(%arg24 : memref<!tpu.dma_semaphore, #tpu.memory_space<semaphore_mem>>)
    %dma_start3A_1199 = arith.constant 0 : i32
    %dma_start3A_1200 = tpu.memref_slice %arg22[%get3A_574, %dma_start3A_1199] : memref<10000x128xf32, #tpu.memory_space<any>> -> memref<1x128xf32, #tpu.memory_space<any>>
    %dma_start3A_1201 = arith.constant 122 : i32
    %dma_start3A_1202 = arith.constant 0 : i32
    %dma_start3A_1203 = tpu.memref_slice %arg23[%dma_start3A_1201, %dma_start3A_1202] : memref<128x128xf32, #tpu.memory_space<vmem>> -> memref<1x128xf32, #tpu.memory_space<vmem>>
    tpu.enqueue_dma source(%dma_start3A_1203 : memref<1x128xf32, #tpu.memory_space<vmem>>) target(%dma_start3A_1200 : memref<1x128xf32, #tpu.memory_space<any>>) target_semaphore(%arg24 : memref<!tpu.dma_semaphore, #tpu.memory_space<semaphore_mem>>)
    %dma_start3A_1204 = arith.constant 0 : i32
    %dma_start3A_1205 = tpu.memref_slice %arg22[%get3A_577, %dma_start3A_1204] : memref<10000x128xf32, #tpu.memory_space<any>> -> memref<1x128xf32, #tpu.memory_space<any>>
    %dma_start3A_1206 = arith.constant 123 : i32
    %dma_start3A_1207 = arith.constant 0 : i32
    %dma_start3A_1208 = tpu.memref_slice %arg23[%dma_start3A_1206, %dma_start3A_1207] : memref<128x128xf32, #tpu.memory_space<vmem>> -> memref<1x128xf32, #tpu.memory_space<vmem>>
    tpu.enqueue_dma source(%dma_start3A_1208 : memref<1x128xf32, #tpu.memory_space<vmem>>) target(%dma_start3A_1205 : memref<1x128xf32, #tpu.memory_space<any>>) target_semaphore(%arg24 : memref<!tpu.dma_semaphore, #tpu.memory_space<semaphore_mem>>)
    %dma_start3A_1209 = arith.constant 0 : i32
    %dma_start3A_1210 = tpu.memref_slice %arg22[%get3A_580, %dma_start3A_1209] : memref<10000x128xf32, #tpu.memory_space<any>> -> memref<1x128xf32, #tpu.memory_space<any>>
    %dma_start3A_1211 = arith.constant 124 : i32
    %dma_start3A_1212 = arith.constant 0 : i32
    %dma_start3A_1213 = tpu.memref_slice %arg23[%dma_start3A_1211, %dma_start3A_1212] : memref<128x128xf32, #tpu.memory_space<vmem>> -> memref<1x128xf32, #tpu.memory_space<vmem>>
    tpu.enqueue_dma source(%dma_start3A_1213 : memref<1x128xf32, #tpu.memory_space<vmem>>) target(%dma_start3A_1210 : memref<1x128xf32, #tpu.memory_space<any>>) target_semaphore(%arg24 : memref<!tpu.dma_semaphore, #tpu.memory_space<semaphore_mem>>)
    %dma_start3A_1214 = arith.constant 0 : i32
    %dma_start3A_1215 = tpu.memref_slice %arg22[%get3A_583, %dma_start3A_1214] : memref<10000x128xf32, #tpu.memory_space<any>> -> memref<1x128xf32, #tpu.memory_space<any>>
    %dma_start3A_1216 = arith.constant 125 : i32
    %dma_start3A_1217 = arith.constant 0 : i32
    %dma_start3A_1218 = tpu.memref_slice %arg23[%dma_start3A_1216, %dma_start3A_1217] : memref<128x128xf32, #tpu.memory_space<vmem>> -> memref<1x128xf32, #tpu.memory_space<vmem>>
    tpu.enqueue_dma source(%dma_start3A_1218 : memref<1x128xf32, #tpu.memory_space<vmem>>) target(%dma_start3A_1215 : memref<1x128xf32, #tpu.memory_space<any>>) target_semaphore(%arg24 : memref<!tpu.dma_semaphore, #tpu.memory_space<semaphore_mem>>)
    %dma_start3A_1219 = arith.constant 0 : i32
    %dma_start3A_1220 = tpu.memref_slice %arg22[%get3A_586, %dma_start3A_1219] : memref<10000x128xf32, #tpu.memory_space<any>> -> memref<1x128xf32, #tpu.memory_space<any>>
    %dma_start3A_1221 = arith.constant 126 : i32
    %dma_start3A_1222 = arith.constant 0 : i32
    %dma_start3A_1223 = tpu.memref_slice %arg23[%dma_start3A_1221, %dma_start3A_1222] : memref<128x128xf32, #tpu.memory_space<vmem>> -> memref<1x128xf32, #tpu.memory_space<vmem>>
    tpu.enqueue_dma source(%dma_start3A_1223 : memref<1x128xf32, #tpu.memory_space<vmem>>) target(%dma_start3A_1220 : memref<1x128xf32, #tpu.memory_space<any>>) target_semaphore(%arg24 : memref<!tpu.dma_semaphore, #tpu.memory_space<semaphore_mem>>)
    %dma_start3A_1224 = arith.constant 0 : i32
    %dma_start3A_1225 = tpu.memref_slice %arg22[%get3A_589, %dma_start3A_1224] : memref<10000x128xf32, #tpu.memory_space<any>> -> memref<1x128xf32, #tpu.memory_space<any>>
    %dma_start3A_1226 = arith.constant 127 : i32
    %dma_start3A_1227 = arith.constant 0 : i32
    %dma_start3A_1228 = tpu.memref_slice %arg23[%dma_start3A_1226, %dma_start3A_1227] : memref<128x128xf32, #tpu.memory_space<vmem>> -> memref<1x128xf32, #tpu.memory_space<vmem>>
    tpu.enqueue_dma source(%dma_start3A_1228 : memref<1x128xf32, #tpu.memory_space<vmem>>) target(%dma_start3A_1225 : memref<1x128xf32, #tpu.memory_space<any>>) target_semaphore(%arg24 : memref<!tpu.dma_semaphore, #tpu.memory_space<semaphore_mem>>)
    %dma_wait3A = arith.constant 0 : i32
    %dma_wait3A_1229 = tpu.memref_slice %arg22[%get3A_208, %dma_wait3A] : memref<10000x128xf32, #tpu.memory_space<any>> -> memref<1x128xf32, #tpu.memory_space<any>>
    %dma_wait3A_1230 = arith.constant 0 : i32
    %dma_wait3A_1231 = arith.constant 0 : i32
    %dma_wait3A_1232 = tpu.memref_slice %arg23[%dma_wait3A_1230, %dma_wait3A_1231] : memref<128x128xf32, #tpu.memory_space<vmem>> -> memref<1x128xf32, #tpu.memory_space<vmem>>
    tpu.wait_dma2 semaphore(%arg24 : memref<!tpu.dma_semaphore, #tpu.memory_space<semaphore_mem>>) src(%dma_wait3A_1232 : memref<1x128xf32, #tpu.memory_space<vmem>>) dst(%dma_wait3A_1229 : memref<1x128xf32, #tpu.memory_space<any>>)
    %dma_wait3A_1233 = arith.constant 0 : i32
    %dma_wait3A_1234 = tpu.memref_slice %arg22[%get3A_211, %dma_wait3A_1233] : memref<10000x128xf32, #tpu.memory_space<any>> -> memref<1x128xf32, #tpu.memory_space<any>>
    %dma_wait3A_1235 = arith.constant 1 : i32
    %dma_wait3A_1236 = arith.constant 0 : i32
    %dma_wait3A_1237 = tpu.memref_slice %arg23[%dma_wait3A_1235, %dma_wait3A_1236] : memref<128x128xf32, #tpu.memory_space<vmem>> -> memref<1x128xf32, #tpu.memory_space<vmem>>
    tpu.wait_dma2 semaphore(%arg24 : memref<!tpu.dma_semaphore, #tpu.memory_space<semaphore_mem>>) src(%dma_wait3A_1237 : memref<1x128xf32, #tpu.memory_space<vmem>>) dst(%dma_wait3A_1234 : memref<1x128xf32, #tpu.memory_space<any>>)
    %dma_wait3A_1238 = arith.constant 0 : i32
    %dma_wait3A_1239 = tpu.memref_slice %arg22[%get3A_214, %dma_wait3A_1238] : memref<10000x128xf32, #tpu.memory_space<any>> -> memref<1x128xf32, #tpu.memory_space<any>>
    %dma_wait3A_1240 = arith.constant 2 : i32
    %dma_wait3A_1241 = arith.constant 0 : i32
    %dma_wait3A_1242 = tpu.memref_slice %arg23[%dma_wait3A_1240, %dma_wait3A_1241] : memref<128x128xf32, #tpu.memory_space<vmem>> -> memref<1x128xf32, #tpu.memory_space<vmem>>
    tpu.wait_dma2 semaphore(%arg24 : memref<!tpu.dma_semaphore, #tpu.memory_space<semaphore_mem>>) src(%dma_wait3A_1242 : memref<1x128xf32, #tpu.memory_space<vmem>>) dst(%dma_wait3A_1239 : memref<1x128xf32, #tpu.memory_space<any>>)
    %dma_wait3A_1243 = arith.constant 0 : i32
    %dma_wait3A_1244 = tpu.memref_slice %arg22[%get3A_217, %dma_wait3A_1243] : memref<10000x128xf32, #tpu.memory_space<any>> -> memref<1x128xf32, #tpu.memory_space<any>>
    %dma_wait3A_1245 = arith.constant 3 : i32
    %dma_wait3A_1246 = arith.constant 0 : i32
    %dma_wait3A_1247 = tpu.memref_slice %arg23[%dma_wait3A_1245, %dma_wait3A_1246] : memref<128x128xf32, #tpu.memory_space<vmem>> -> memref<1x128xf32, #tpu.memory_space<vmem>>
    tpu.wait_dma2 semaphore(%arg24 : memref<!tpu.dma_semaphore, #tpu.memory_space<semaphore_mem>>) src(%dma_wait3A_1247 : memref<1x128xf32, #tpu.memory_space<vmem>>) dst(%dma_wait3A_1244 : memref<1x128xf32, #tpu.memory_space<any>>)
    %dma_wait3A_1248 = arith.constant 0 : i32
    %dma_wait3A_1249 = tpu.memref_slice %arg22[%get3A_220, %dma_wait3A_1248] : memref<10000x128xf32, #tpu.memory_space<any>> -> memref<1x128xf32, #tpu.memory_space<any>>
    %dma_wait3A_1250 = arith.constant 4 : i32
    %dma_wait3A_1251 = arith.constant 0 : i32
    %dma_wait3A_1252 = tpu.memref_slice %arg23[%dma_wait3A_1250, %dma_wait3A_1251] : memref<128x128xf32, #tpu.memory_space<vmem>> -> memref<1x128xf32, #tpu.memory_space<vmem>>
    tpu.wait_dma2 semaphore(%arg24 : memref<!tpu.dma_semaphore, #tpu.memory_space<semaphore_mem>>) src(%dma_wait3A_1252 : memref<1x128xf32, #tpu.memory_space<vmem>>) dst(%dma_wait3A_1249 : memref<1x128xf32, #tpu.memory_space<any>>)
    %dma_wait3A_1253 = arith.constant 0 : i32
    %dma_wait3A_1254 = tpu.memref_slice %arg22[%get3A_223, %dma_wait3A_1253] : memref<10000x128xf32, #tpu.memory_space<any>> -> memref<1x128xf32, #tpu.memory_space<any>>
    %dma_wait3A_1255 = arith.constant 5 : i32
    %dma_wait3A_1256 = arith.constant 0 : i32
    %dma_wait3A_1257 = tpu.memref_slice %arg23[%dma_wait3A_1255, %dma_wait3A_1256] : memref<128x128xf32, #tpu.memory_space<vmem>> -> memref<1x128xf32, #tpu.memory_space<vmem>>
    tpu.wait_dma2 semaphore(%arg24 : memref<!tpu.dma_semaphore, #tpu.memory_space<semaphore_mem>>) src(%dma_wait3A_1257 : memref<1x128xf32, #tpu.memory_space<vmem>>) dst(%dma_wait3A_1254 : memref<1x128xf32, #tpu.memory_space<any>>)
    %dma_wait3A_1258 = arith.constant 0 : i32
    %dma_wait3A_1259 = tpu.memref_slice %arg22[%get3A_226, %dma_wait3A_1258] : memref<10000x128xf32, #tpu.memory_space<any>> -> memref<1x128xf32, #tpu.memory_space<any>>
    %dma_wait3A_1260 = arith.constant 6 : i32
    %dma_wait3A_1261 = arith.constant 0 : i32
    %dma_wait3A_1262 = tpu.memref_slice %arg23[%dma_wait3A_1260, %dma_wait3A_1261] : memref<128x128xf32, #tpu.memory_space<vmem>> -> memref<1x128xf32, #tpu.memory_space<vmem>>
    tpu.wait_dma2 semaphore(%arg24 : memref<!tpu.dma_semaphore, #tpu.memory_space<semaphore_mem>>) src(%dma_wait3A_1262 : memref<1x128xf32, #tpu.memory_space<vmem>>) dst(%dma_wait3A_1259 : memref<1x128xf32, #tpu.memory_space<any>>)
    %dma_wait3A_1263 = arith.constant 0 : i32
    %dma_wait3A_1264 = tpu.memref_slice %arg22[%get3A_229, %dma_wait3A_1263] : memref<10000x128xf32, #tpu.memory_space<any>> -> memref<1x128xf32, #tpu.memory_space<any>>
    %dma_wait3A_1265 = arith.constant 7 : i32
    %dma_wait3A_1266 = arith.constant 0 : i32
    %dma_wait3A_1267 = tpu.memref_slice %arg23[%dma_wait3A_1265, %dma_wait3A_1266] : memref<128x128xf32, #tpu.memory_space<vmem>> -> memref<1x128xf32, #tpu.memory_space<vmem>>
    tpu.wait_dma2 semaphore(%arg24 : memref<!tpu.dma_semaphore, #tpu.memory_space<semaphore_mem>>) src(%dma_wait3A_1267 : memref<1x128xf32, #tpu.memory_space<vmem>>) dst(%dma_wait3A_1264 : memref<1x128xf32, #tpu.memory_space<any>>)
    %dma_wait3A_1268 = arith.constant 0 : i32
    %dma_wait3A_1269 = tpu.memref_slice %arg22[%get3A_232, %dma_wait3A_1268] : memref<10000x128xf32, #tpu.memory_space<any>> -> memref<1x128xf32, #tpu.memory_space<any>>
    %dma_wait3A_1270 = arith.constant 8 : i32
    %dma_wait3A_1271 = arith.constant 0 : i32
    %dma_wait3A_1272 = tpu.memref_slice %arg23[%dma_wait3A_1270, %dma_wait3A_1271] : memref<128x128xf32, #tpu.memory_space<vmem>> -> memref<1x128xf32, #tpu.memory_space<vmem>>
    tpu.wait_dma2 semaphore(%arg24 : memref<!tpu.dma_semaphore, #tpu.memory_space<semaphore_mem>>) src(%dma_wait3A_1272 : memref<1x128xf32, #tpu.memory_space<vmem>>) dst(%dma_wait3A_1269 : memref<1x128xf32, #tpu.memory_space<any>>)
    %dma_wait3A_1273 = arith.constant 0 : i32
    %dma_wait3A_1274 = tpu.memref_slice %arg22[%get3A_235, %dma_wait3A_1273] : memref<10000x128xf32, #tpu.memory_space<any>> -> memref<1x128xf32, #tpu.memory_space<any>>
    %dma_wait3A_1275 = arith.constant 9 : i32
    %dma_wait3A_1276 = arith.constant 0 : i32
    %dma_wait3A_1277 = tpu.memref_slice %arg23[%dma_wait3A_1275, %dma_wait3A_1276] : memref<128x128xf32, #tpu.memory_space<vmem>> -> memref<1x128xf32, #tpu.memory_space<vmem>>
    tpu.wait_dma2 semaphore(%arg24 : memref<!tpu.dma_semaphore, #tpu.memory_space<semaphore_mem>>) src(%dma_wait3A_1277 : memref<1x128xf32, #tpu.memory_space<vmem>>) dst(%dma_wait3A_1274 : memref<1x128xf32, #tpu.memory_space<any>>)
    %dma_wait3A_1278 = arith.constant 0 : i32
    %dma_wait3A_1279 = tpu.memref_slice %arg22[%get3A_238, %dma_wait3A_1278] : memref<10000x128xf32, #tpu.memory_space<any>> -> memref<1x128xf32, #tpu.memory_space<any>>
    %dma_wait3A_1280 = arith.constant 10 : i32
    %dma_wait3A_1281 = arith.constant 0 : i32
    %dma_wait3A_1282 = tpu.memref_slice %arg23[%dma_wait3A_1280, %dma_wait3A_1281] : memref<128x128xf32, #tpu.memory_space<vmem>> -> memref<1x128xf32, #tpu.memory_space<vmem>>
    tpu.wait_dma2 semaphore(%arg24 : memref<!tpu.dma_semaphore, #tpu.memory_space<semaphore_mem>>) src(%dma_wait3A_1282 : memref<1x128xf32, #tpu.memory_space<vmem>>) dst(%dma_wait3A_1279 : memref<1x128xf32, #tpu.memory_space<any>>)
    %dma_wait3A_1283 = arith.constant 0 : i32
    %dma_wait3A_1284 = tpu.memref_slice %arg22[%get3A_241, %dma_wait3A_1283] : memref<10000x128xf32, #tpu.memory_space<any>> -> memref<1x128xf32, #tpu.memory_space<any>>
    %dma_wait3A_1285 = arith.constant 11 : i32
    %dma_wait3A_1286 = arith.constant 0 : i32
    %dma_wait3A_1287 = tpu.memref_slice %arg23[%dma_wait3A_1285, %dma_wait3A_1286] : memref<128x128xf32, #tpu.memory_space<vmem>> -> memref<1x128xf32, #tpu.memory_space<vmem>>
    tpu.wait_dma2 semaphore(%arg24 : memref<!tpu.dma_semaphore, #tpu.memory_space<semaphore_mem>>) src(%dma_wait3A_1287 : memref<1x128xf32, #tpu.memory_space<vmem>>) dst(%dma_wait3A_1284 : memref<1x128xf32, #tpu.memory_space<any>>)
    %dma_wait3A_1288 = arith.constant 0 : i32
    %dma_wait3A_1289 = tpu.memref_slice %arg22[%get3A_244, %dma_wait3A_1288] : memref<10000x128xf32, #tpu.memory_space<any>> -> memref<1x128xf32, #tpu.memory_space<any>>
    %dma_wait3A_1290 = arith.constant 12 : i32
    %dma_wait3A_1291 = arith.constant 0 : i32
    %dma_wait3A_1292 = tpu.memref_slice %arg23[%dma_wait3A_1290, %dma_wait3A_1291] : memref<128x128xf32, #tpu.memory_space<vmem>> -> memref<1x128xf32, #tpu.memory_space<vmem>>
    tpu.wait_dma2 semaphore(%arg24 : memref<!tpu.dma_semaphore, #tpu.memory_space<semaphore_mem>>) src(%dma_wait3A_1292 : memref<1x128xf32, #tpu.memory_space<vmem>>) dst(%dma_wait3A_1289 : memref<1x128xf32, #tpu.memory_space<any>>)
    %dma_wait3A_1293 = arith.constant 0 : i32
    %dma_wait3A_1294 = tpu.memref_slice %arg22[%get3A_247, %dma_wait3A_1293] : memref<10000x128xf32, #tpu.memory_space<any>> -> memref<1x128xf32, #tpu.memory_space<any>>
    %dma_wait3A_1295 = arith.constant 13 : i32
    %dma_wait3A_1296 = arith.constant 0 : i32
    %dma_wait3A_1297 = tpu.memref_slice %arg23[%dma_wait3A_1295, %dma_wait3A_1296] : memref<128x128xf32, #tpu.memory_space<vmem>> -> memref<1x128xf32, #tpu.memory_space<vmem>>
    tpu.wait_dma2 semaphore(%arg24 : memref<!tpu.dma_semaphore, #tpu.memory_space<semaphore_mem>>) src(%dma_wait3A_1297 : memref<1x128xf32, #tpu.memory_space<vmem>>) dst(%dma_wait3A_1294 : memref<1x128xf32, #tpu.memory_space<any>>)
    %dma_wait3A_1298 = arith.constant 0 : i32
    %dma_wait3A_1299 = tpu.memref_slice %arg22[%get3A_250, %dma_wait3A_1298] : memref<10000x128xf32, #tpu.memory_space<any>> -> memref<1x128xf32, #tpu.memory_space<any>>
    %dma_wait3A_1300 = arith.constant 14 : i32
    %dma_wait3A_1301 = arith.constant 0 : i32
    %dma_wait3A_1302 = tpu.memref_slice %arg23[%dma_wait3A_1300, %dma_wait3A_1301] : memref<128x128xf32, #tpu.memory_space<vmem>> -> memref<1x128xf32, #tpu.memory_space<vmem>>
    tpu.wait_dma2 semaphore(%arg24 : memref<!tpu.dma_semaphore, #tpu.memory_space<semaphore_mem>>) src(%dma_wait3A_1302 : memref<1x128xf32, #tpu.memory_space<vmem>>) dst(%dma_wait3A_1299 : memref<1x128xf32, #tpu.memory_space<any>>)
    %dma_wait3A_1303 = arith.constant 0 : i32
    %dma_wait3A_1304 = tpu.memref_slice %arg22[%get3A_253, %dma_wait3A_1303] : memref<10000x128xf32, #tpu.memory_space<any>> -> memref<1x128xf32, #tpu.memory_space<any>>
    %dma_wait3A_1305 = arith.constant 15 : i32
    %dma_wait3A_1306 = arith.constant 0 : i32
    %dma_wait3A_1307 = tpu.memref_slice %arg23[%dma_wait3A_1305, %dma_wait3A_1306] : memref<128x128xf32, #tpu.memory_space<vmem>> -> memref<1x128xf32, #tpu.memory_space<vmem>>
    tpu.wait_dma2 semaphore(%arg24 : memref<!tpu.dma_semaphore, #tpu.memory_space<semaphore_mem>>) src(%dma_wait3A_1307 : memref<1x128xf32, #tpu.memory_space<vmem>>) dst(%dma_wait3A_1304 : memref<1x128xf32, #tpu.memory_space<any>>)
    %dma_wait3A_1308 = arith.constant 0 : i32
    %dma_wait3A_1309 = tpu.memref_slice %arg22[%get3A_256, %dma_wait3A_1308] : memref<10000x128xf32, #tpu.memory_space<any>> -> memref<1x128xf32, #tpu.memory_space<any>>
    %dma_wait3A_1310 = arith.constant 16 : i32
    %dma_wait3A_1311 = arith.constant 0 : i32
    %dma_wait3A_1312 = tpu.memref_slice %arg23[%dma_wait3A_1310, %dma_wait3A_1311] : memref<128x128xf32, #tpu.memory_space<vmem>> -> memref<1x128xf32, #tpu.memory_space<vmem>>
    tpu.wait_dma2 semaphore(%arg24 : memref<!tpu.dma_semaphore, #tpu.memory_space<semaphore_mem>>) src(%dma_wait3A_1312 : memref<1x128xf32, #tpu.memory_space<vmem>>) dst(%dma_wait3A_1309 : memref<1x128xf32, #tpu.memory_space<any>>)
    %dma_wait3A_1313 = arith.constant 0 : i32
    %dma_wait3A_1314 = tpu.memref_slice %arg22[%get3A_259, %dma_wait3A_1313] : memref<10000x128xf32, #tpu.memory_space<any>> -> memref<1x128xf32, #tpu.memory_space<any>>
    %dma_wait3A_1315 = arith.constant 17 : i32
    %dma_wait3A_1316 = arith.constant 0 : i32
    %dma_wait3A_1317 = tpu.memref_slice %arg23[%dma_wait3A_1315, %dma_wait3A_1316] : memref<128x128xf32, #tpu.memory_space<vmem>> -> memref<1x128xf32, #tpu.memory_space<vmem>>
    tpu.wait_dma2 semaphore(%arg24 : memref<!tpu.dma_semaphore, #tpu.memory_space<semaphore_mem>>) src(%dma_wait3A_1317 : memref<1x128xf32, #tpu.memory_space<vmem>>) dst(%dma_wait3A_1314 : memref<1x128xf32, #tpu.memory_space<any>>)
    %dma_wait3A_1318 = arith.constant 0 : i32
    %dma_wait3A_1319 = tpu.memref_slice %arg22[%get3A_262, %dma_wait3A_1318] : memref<10000x128xf32, #tpu.memory_space<any>> -> memref<1x128xf32, #tpu.memory_space<any>>
    %dma_wait3A_1320 = arith.constant 18 : i32
    %dma_wait3A_1321 = arith.constant 0 : i32
    %dma_wait3A_1322 = tpu.memref_slice %arg23[%dma_wait3A_1320, %dma_wait3A_1321] : memref<128x128xf32, #tpu.memory_space<vmem>> -> memref<1x128xf32, #tpu.memory_space<vmem>>
    tpu.wait_dma2 semaphore(%arg24 : memref<!tpu.dma_semaphore, #tpu.memory_space<semaphore_mem>>) src(%dma_wait3A_1322 : memref<1x128xf32, #tpu.memory_space<vmem>>) dst(%dma_wait3A_1319 : memref<1x128xf32, #tpu.memory_space<any>>)
    %dma_wait3A_1323 = arith.constant 0 : i32
    %dma_wait3A_1324 = tpu.memref_slice %arg22[%get3A_265, %dma_wait3A_1323] : memref<10000x128xf32, #tpu.memory_space<any>> -> memref<1x128xf32, #tpu.memory_space<any>>
    %dma_wait3A_1325 = arith.constant 19 : i32
    %dma_wait3A_1326 = arith.constant 0 : i32
    %dma_wait3A_1327 = tpu.memref_slice %arg23[%dma_wait3A_1325, %dma_wait3A_1326] : memref<128x128xf32, #tpu.memory_space<vmem>> -> memref<1x128xf32, #tpu.memory_space<vmem>>
    tpu.wait_dma2 semaphore(%arg24 : memref<!tpu.dma_semaphore, #tpu.memory_space<semaphore_mem>>) src(%dma_wait3A_1327 : memref<1x128xf32, #tpu.memory_space<vmem>>) dst(%dma_wait3A_1324 : memref<1x128xf32, #tpu.memory_space<any>>)
    %dma_wait3A_1328 = arith.constant 0 : i32
    %dma_wait3A_1329 = tpu.memref_slice %arg22[%get3A_268, %dma_wait3A_1328] : memref<10000x128xf32, #tpu.memory_space<any>> -> memref<1x128xf32, #tpu.memory_space<any>>
    %dma_wait3A_1330 = arith.constant 20 : i32
    %dma_wait3A_1331 = arith.constant 0 : i32
    %dma_wait3A_1332 = tpu.memref_slice %arg23[%dma_wait3A_1330, %dma_wait3A_1331] : memref<128x128xf32, #tpu.memory_space<vmem>> -> memref<1x128xf32, #tpu.memory_space<vmem>>
    tpu.wait_dma2 semaphore(%arg24 : memref<!tpu.dma_semaphore, #tpu.memory_space<semaphore_mem>>) src(%dma_wait3A_1332 : memref<1x128xf32, #tpu.memory_space<vmem>>) dst(%dma_wait3A_1329 : memref<1x128xf32, #tpu.memory_space<any>>)
    %dma_wait3A_1333 = arith.constant 0 : i32
    %dma_wait3A_1334 = tpu.memref_slice %arg22[%get3A_271, %dma_wait3A_1333] : memref<10000x128xf32, #tpu.memory_space<any>> -> memref<1x128xf32, #tpu.memory_space<any>>
    %dma_wait3A_1335 = arith.constant 21 : i32
    %dma_wait3A_1336 = arith.constant 0 : i32
    %dma_wait3A_1337 = tpu.memref_slice %arg23[%dma_wait3A_1335, %dma_wait3A_1336] : memref<128x128xf32, #tpu.memory_space<vmem>> -> memref<1x128xf32, #tpu.memory_space<vmem>>
    tpu.wait_dma2 semaphore(%arg24 : memref<!tpu.dma_semaphore, #tpu.memory_space<semaphore_mem>>) src(%dma_wait3A_1337 : memref<1x128xf32, #tpu.memory_space<vmem>>) dst(%dma_wait3A_1334 : memref<1x128xf32, #tpu.memory_space<any>>)
    %dma_wait3A_1338 = arith.constant 0 : i32
    %dma_wait3A_1339 = tpu.memref_slice %arg22[%get3A_274, %dma_wait3A_1338] : memref<10000x128xf32, #tpu.memory_space<any>> -> memref<1x128xf32, #tpu.memory_space<any>>
    %dma_wait3A_1340 = arith.constant 22 : i32
    %dma_wait3A_1341 = arith.constant 0 : i32
    %dma_wait3A_1342 = tpu.memref_slice %arg23[%dma_wait3A_1340, %dma_wait3A_1341] : memref<128x128xf32, #tpu.memory_space<vmem>> -> memref<1x128xf32, #tpu.memory_space<vmem>>
    tpu.wait_dma2 semaphore(%arg24 : memref<!tpu.dma_semaphore, #tpu.memory_space<semaphore_mem>>) src(%dma_wait3A_1342 : memref<1x128xf32, #tpu.memory_space<vmem>>) dst(%dma_wait3A_1339 : memref<1x128xf32, #tpu.memory_space<any>>)
    %dma_wait3A_1343 = arith.constant 0 : i32
    %dma_wait3A_1344 = tpu.memref_slice %arg22[%get3A_277, %dma_wait3A_1343] : memref<10000x128xf32, #tpu.memory_space<any>> -> memref<1x128xf32, #tpu.memory_space<any>>
    %dma_wait3A_1345 = arith.constant 23 : i32
    %dma_wait3A_1346 = arith.constant 0 : i32
    %dma_wait3A_1347 = tpu.memref_slice %arg23[%dma_wait3A_1345, %dma_wait3A_1346] : memref<128x128xf32, #tpu.memory_space<vmem>> -> memref<1x128xf32, #tpu.memory_space<vmem>>
    tpu.wait_dma2 semaphore(%arg24 : memref<!tpu.dma_semaphore, #tpu.memory_space<semaphore_mem>>) src(%dma_wait3A_1347 : memref<1x128xf32, #tpu.memory_space<vmem>>) dst(%dma_wait3A_1344 : memref<1x128xf32, #tpu.memory_space<any>>)
    %dma_wait3A_1348 = arith.constant 0 : i32
    %dma_wait3A_1349 = tpu.memref_slice %arg22[%get3A_280, %dma_wait3A_1348] : memref<10000x128xf32, #tpu.memory_space<any>> -> memref<1x128xf32, #tpu.memory_space<any>>
    %dma_wait3A_1350 = arith.constant 24 : i32
    %dma_wait3A_1351 = arith.constant 0 : i32
    %dma_wait3A_1352 = tpu.memref_slice %arg23[%dma_wait3A_1350, %dma_wait3A_1351] : memref<128x128xf32, #tpu.memory_space<vmem>> -> memref<1x128xf32, #tpu.memory_space<vmem>>
    tpu.wait_dma2 semaphore(%arg24 : memref<!tpu.dma_semaphore, #tpu.memory_space<semaphore_mem>>) src(%dma_wait3A_1352 : memref<1x128xf32, #tpu.memory_space<vmem>>) dst(%dma_wait3A_1349 : memref<1x128xf32, #tpu.memory_space<any>>)
    %dma_wait3A_1353 = arith.constant 0 : i32
    %dma_wait3A_1354 = tpu.memref_slice %arg22[%get3A_283, %dma_wait3A_1353] : memref<10000x128xf32, #tpu.memory_space<any>> -> memref<1x128xf32, #tpu.memory_space<any>>
    %dma_wait3A_1355 = arith.constant 25 : i32
    %dma_wait3A_1356 = arith.constant 0 : i32
    %dma_wait3A_1357 = tpu.memref_slice %arg23[%dma_wait3A_1355, %dma_wait3A_1356] : memref<128x128xf32, #tpu.memory_space<vmem>> -> memref<1x128xf32, #tpu.memory_space<vmem>>
    tpu.wait_dma2 semaphore(%arg24 : memref<!tpu.dma_semaphore, #tpu.memory_space<semaphore_mem>>) src(%dma_wait3A_1357 : memref<1x128xf32, #tpu.memory_space<vmem>>) dst(%dma_wait3A_1354 : memref<1x128xf32, #tpu.memory_space<any>>)
    %dma_wait3A_1358 = arith.constant 0 : i32
    %dma_wait3A_1359 = tpu.memref_slice %arg22[%get3A_286, %dma_wait3A_1358] : memref<10000x128xf32, #tpu.memory_space<any>> -> memref<1x128xf32, #tpu.memory_space<any>>
    %dma_wait3A_1360 = arith.constant 26 : i32
    %dma_wait3A_1361 = arith.constant 0 : i32
    %dma_wait3A_1362 = tpu.memref_slice %arg23[%dma_wait3A_1360, %dma_wait3A_1361] : memref<128x128xf32, #tpu.memory_space<vmem>> -> memref<1x128xf32, #tpu.memory_space<vmem>>
    tpu.wait_dma2 semaphore(%arg24 : memref<!tpu.dma_semaphore, #tpu.memory_space<semaphore_mem>>) src(%dma_wait3A_1362 : memref<1x128xf32, #tpu.memory_space<vmem>>) dst(%dma_wait3A_1359 : memref<1x128xf32, #tpu.memory_space<any>>)
    %dma_wait3A_1363 = arith.constant 0 : i32
    %dma_wait3A_1364 = tpu.memref_slice %arg22[%get3A_289, %dma_wait3A_1363] : memref<10000x128xf32, #tpu.memory_space<any>> -> memref<1x128xf32, #tpu.memory_space<any>>
    %dma_wait3A_1365 = arith.constant 27 : i32
    %dma_wait3A_1366 = arith.constant 0 : i32
    %dma_wait3A_1367 = tpu.memref_slice %arg23[%dma_wait3A_1365, %dma_wait3A_1366] : memref<128x128xf32, #tpu.memory_space<vmem>> -> memref<1x128xf32, #tpu.memory_space<vmem>>
    tpu.wait_dma2 semaphore(%arg24 : memref<!tpu.dma_semaphore, #tpu.memory_space<semaphore_mem>>) src(%dma_wait3A_1367 : memref<1x128xf32, #tpu.memory_space<vmem>>) dst(%dma_wait3A_1364 : memref<1x128xf32, #tpu.memory_space<any>>)
    %dma_wait3A_1368 = arith.constant 0 : i32
    %dma_wait3A_1369 = tpu.memref_slice %arg22[%get3A_292, %dma_wait3A_1368] : memref<10000x128xf32, #tpu.memory_space<any>> -> memref<1x128xf32, #tpu.memory_space<any>>
    %dma_wait3A_1370 = arith.constant 28 : i32
    %dma_wait3A_1371 = arith.constant 0 : i32
    %dma_wait3A_1372 = tpu.memref_slice %arg23[%dma_wait3A_1370, %dma_wait3A_1371] : memref<128x128xf32, #tpu.memory_space<vmem>> -> memref<1x128xf32, #tpu.memory_space<vmem>>
    tpu.wait_dma2 semaphore(%arg24 : memref<!tpu.dma_semaphore, #tpu.memory_space<semaphore_mem>>) src(%dma_wait3A_1372 : memref<1x128xf32, #tpu.memory_space<vmem>>) dst(%dma_wait3A_1369 : memref<1x128xf32, #tpu.memory_space<any>>)
    %dma_wait3A_1373 = arith.constant 0 : i32
    %dma_wait3A_1374 = tpu.memref_slice %arg22[%get3A_295, %dma_wait3A_1373] : memref<10000x128xf32, #tpu.memory_space<any>> -> memref<1x128xf32, #tpu.memory_space<any>>
    %dma_wait3A_1375 = arith.constant 29 : i32
    %dma_wait3A_1376 = arith.constant 0 : i32
    %dma_wait3A_1377 = tpu.memref_slice %arg23[%dma_wait3A_1375, %dma_wait3A_1376] : memref<128x128xf32, #tpu.memory_space<vmem>> -> memref<1x128xf32, #tpu.memory_space<vmem>>
    tpu.wait_dma2 semaphore(%arg24 : memref<!tpu.dma_semaphore, #tpu.memory_space<semaphore_mem>>) src(%dma_wait3A_1377 : memref<1x128xf32, #tpu.memory_space<vmem>>) dst(%dma_wait3A_1374 : memref<1x128xf32, #tpu.memory_space<any>>)
    %dma_wait3A_1378 = arith.constant 0 : i32
    %dma_wait3A_1379 = tpu.memref_slice %arg22[%get3A_298, %dma_wait3A_1378] : memref<10000x128xf32, #tpu.memory_space<any>> -> memref<1x128xf32, #tpu.memory_space<any>>
    %dma_wait3A_1380 = arith.constant 30 : i32
    %dma_wait3A_1381 = arith.constant 0 : i32
    %dma_wait3A_1382 = tpu.memref_slice %arg23[%dma_wait3A_1380, %dma_wait3A_1381] : memref<128x128xf32, #tpu.memory_space<vmem>> -> memref<1x128xf32, #tpu.memory_space<vmem>>
    tpu.wait_dma2 semaphore(%arg24 : memref<!tpu.dma_semaphore, #tpu.memory_space<semaphore_mem>>) src(%dma_wait3A_1382 : memref<1x128xf32, #tpu.memory_space<vmem>>) dst(%dma_wait3A_1379 : memref<1x128xf32, #tpu.memory_space<any>>)
    %dma_wait3A_1383 = arith.constant 0 : i32
    %dma_wait3A_1384 = tpu.memref_slice %arg22[%get3A_301, %dma_wait3A_1383] : memref<10000x128xf32, #tpu.memory_space<any>> -> memref<1x128xf32, #tpu.memory_space<any>>
    %dma_wait3A_1385 = arith.constant 31 : i32
    %dma_wait3A_1386 = arith.constant 0 : i32
    %dma_wait3A_1387 = tpu.memref_slice %arg23[%dma_wait3A_1385, %dma_wait3A_1386] : memref<128x128xf32, #tpu.memory_space<vmem>> -> memref<1x128xf32, #tpu.memory_space<vmem>>
    tpu.wait_dma2 semaphore(%arg24 : memref<!tpu.dma_semaphore, #tpu.memory_space<semaphore_mem>>) src(%dma_wait3A_1387 : memref<1x128xf32, #tpu.memory_space<vmem>>) dst(%dma_wait3A_1384 : memref<1x128xf32, #tpu.memory_space<any>>)
    %dma_wait3A_1388 = arith.constant 0 : i32
    %dma_wait3A_1389 = tpu.memref_slice %arg22[%get3A_304, %dma_wait3A_1388] : memref<10000x128xf32, #tpu.memory_space<any>> -> memref<1x128xf32, #tpu.memory_space<any>>
    %dma_wait3A_1390 = arith.constant 32 : i32
    %dma_wait3A_1391 = arith.constant 0 : i32
    %dma_wait3A_1392 = tpu.memref_slice %arg23[%dma_wait3A_1390, %dma_wait3A_1391] : memref<128x128xf32, #tpu.memory_space<vmem>> -> memref<1x128xf32, #tpu.memory_space<vmem>>
    tpu.wait_dma2 semaphore(%arg24 : memref<!tpu.dma_semaphore, #tpu.memory_space<semaphore_mem>>) src(%dma_wait3A_1392 : memref<1x128xf32, #tpu.memory_space<vmem>>) dst(%dma_wait3A_1389 : memref<1x128xf32, #tpu.memory_space<any>>)
    %dma_wait3A_1393 = arith.constant 0 : i32
    %dma_wait3A_1394 = tpu.memref_slice %arg22[%get3A_307, %dma_wait3A_1393] : memref<10000x128xf32, #tpu.memory_space<any>> -> memref<1x128xf32, #tpu.memory_space<any>>
    %dma_wait3A_1395 = arith.constant 33 : i32
    %dma_wait3A_1396 = arith.constant 0 : i32
    %dma_wait3A_1397 = tpu.memref_slice %arg23[%dma_wait3A_1395, %dma_wait3A_1396] : memref<128x128xf32, #tpu.memory_space<vmem>> -> memref<1x128xf32, #tpu.memory_space<vmem>>
    tpu.wait_dma2 semaphore(%arg24 : memref<!tpu.dma_semaphore, #tpu.memory_space<semaphore_mem>>) src(%dma_wait3A_1397 : memref<1x128xf32, #tpu.memory_space<vmem>>) dst(%dma_wait3A_1394 : memref<1x128xf32, #tpu.memory_space<any>>)
    %dma_wait3A_1398 = arith.constant 0 : i32
    %dma_wait3A_1399 = tpu.memref_slice %arg22[%get3A_310, %dma_wait3A_1398] : memref<10000x128xf32, #tpu.memory_space<any>> -> memref<1x128xf32, #tpu.memory_space<any>>
    %dma_wait3A_1400 = arith.constant 34 : i32
    %dma_wait3A_1401 = arith.constant 0 : i32
    %dma_wait3A_1402 = tpu.memref_slice %arg23[%dma_wait3A_1400, %dma_wait3A_1401] : memref<128x128xf32, #tpu.memory_space<vmem>> -> memref<1x128xf32, #tpu.memory_space<vmem>>
    tpu.wait_dma2 semaphore(%arg24 : memref<!tpu.dma_semaphore, #tpu.memory_space<semaphore_mem>>) src(%dma_wait3A_1402 : memref<1x128xf32, #tpu.memory_space<vmem>>) dst(%dma_wait3A_1399 : memref<1x128xf32, #tpu.memory_space<any>>)
    %dma_wait3A_1403 = arith.constant 0 : i32
    %dma_wait3A_1404 = tpu.memref_slice %arg22[%get3A_313, %dma_wait3A_1403] : memref<10000x128xf32, #tpu.memory_space<any>> -> memref<1x128xf32, #tpu.memory_space<any>>
    %dma_wait3A_1405 = arith.constant 35 : i32
    %dma_wait3A_1406 = arith.constant 0 : i32
    %dma_wait3A_1407 = tpu.memref_slice %arg23[%dma_wait3A_1405, %dma_wait3A_1406] : memref<128x128xf32, #tpu.memory_space<vmem>> -> memref<1x128xf32, #tpu.memory_space<vmem>>
    tpu.wait_dma2 semaphore(%arg24 : memref<!tpu.dma_semaphore, #tpu.memory_space<semaphore_mem>>) src(%dma_wait3A_1407 : memref<1x128xf32, #tpu.memory_space<vmem>>) dst(%dma_wait3A_1404 : memref<1x128xf32, #tpu.memory_space<any>>)
    %dma_wait3A_1408 = arith.constant 0 : i32
    %dma_wait3A_1409 = tpu.memref_slice %arg22[%get3A_316, %dma_wait3A_1408] : memref<10000x128xf32, #tpu.memory_space<any>> -> memref<1x128xf32, #tpu.memory_space<any>>
    %dma_wait3A_1410 = arith.constant 36 : i32
    %dma_wait3A_1411 = arith.constant 0 : i32
    %dma_wait3A_1412 = tpu.memref_slice %arg23[%dma_wait3A_1410, %dma_wait3A_1411] : memref<128x128xf32, #tpu.memory_space<vmem>> -> memref<1x128xf32, #tpu.memory_space<vmem>>
    tpu.wait_dma2 semaphore(%arg24 : memref<!tpu.dma_semaphore, #tpu.memory_space<semaphore_mem>>) src(%dma_wait3A_1412 : memref<1x128xf32, #tpu.memory_space<vmem>>) dst(%dma_wait3A_1409 : memref<1x128xf32, #tpu.memory_space<any>>)
    %dma_wait3A_1413 = arith.constant 0 : i32
    %dma_wait3A_1414 = tpu.memref_slice %arg22[%get3A_319, %dma_wait3A_1413] : memref<10000x128xf32, #tpu.memory_space<any>> -> memref<1x128xf32, #tpu.memory_space<any>>
    %dma_wait3A_1415 = arith.constant 37 : i32
    %dma_wait3A_1416 = arith.constant 0 : i32
    %dma_wait3A_1417 = tpu.memref_slice %arg23[%dma_wait3A_1415, %dma_wait3A_1416] : memref<128x128xf32, #tpu.memory_space<vmem>> -> memref<1x128xf32, #tpu.memory_space<vmem>>
    tpu.wait_dma2 semaphore(%arg24 : memref<!tpu.dma_semaphore, #tpu.memory_space<semaphore_mem>>) src(%dma_wait3A_1417 : memref<1x128xf32, #tpu.memory_space<vmem>>) dst(%dma_wait3A_1414 : memref<1x128xf32, #tpu.memory_space<any>>)
    %dma_wait3A_1418 = arith.constant 0 : i32
    %dma_wait3A_1419 = tpu.memref_slice %arg22[%get3A_322, %dma_wait3A_1418] : memref<10000x128xf32, #tpu.memory_space<any>> -> memref<1x128xf32, #tpu.memory_space<any>>
    %dma_wait3A_1420 = arith.constant 38 : i32
    %dma_wait3A_1421 = arith.constant 0 : i32
    %dma_wait3A_1422 = tpu.memref_slice %arg23[%dma_wait3A_1420, %dma_wait3A_1421] : memref<128x128xf32, #tpu.memory_space<vmem>> -> memref<1x128xf32, #tpu.memory_space<vmem>>
    tpu.wait_dma2 semaphore(%arg24 : memref<!tpu.dma_semaphore, #tpu.memory_space<semaphore_mem>>) src(%dma_wait3A_1422 : memref<1x128xf32, #tpu.memory_space<vmem>>) dst(%dma_wait3A_1419 : memref<1x128xf32, #tpu.memory_space<any>>)
    %dma_wait3A_1423 = arith.constant 0 : i32
    %dma_wait3A_1424 = tpu.memref_slice %arg22[%get3A_325, %dma_wait3A_1423] : memref<10000x128xf32, #tpu.memory_space<any>> -> memref<1x128xf32, #tpu.memory_space<any>>
    %dma_wait3A_1425 = arith.constant 39 : i32
    %dma_wait3A_1426 = arith.constant 0 : i32
    %dma_wait3A_1427 = tpu.memref_slice %arg23[%dma_wait3A_1425, %dma_wait3A_1426] : memref<128x128xf32, #tpu.memory_space<vmem>> -> memref<1x128xf32, #tpu.memory_space<vmem>>
    tpu.wait_dma2 semaphore(%arg24 : memref<!tpu.dma_semaphore, #tpu.memory_space<semaphore_mem>>) src(%dma_wait3A_1427 : memref<1x128xf32, #tpu.memory_space<vmem>>) dst(%dma_wait3A_1424 : memref<1x128xf32, #tpu.memory_space<any>>)
    %dma_wait3A_1428 = arith.constant 0 : i32
    %dma_wait3A_1429 = tpu.memref_slice %arg22[%get3A_328, %dma_wait3A_1428] : memref<10000x128xf32, #tpu.memory_space<any>> -> memref<1x128xf32, #tpu.memory_space<any>>
    %dma_wait3A_1430 = arith.constant 40 : i32
    %dma_wait3A_1431 = arith.constant 0 : i32
    %dma_wait3A_1432 = tpu.memref_slice %arg23[%dma_wait3A_1430, %dma_wait3A_1431] : memref<128x128xf32, #tpu.memory_space<vmem>> -> memref<1x128xf32, #tpu.memory_space<vmem>>
    tpu.wait_dma2 semaphore(%arg24 : memref<!tpu.dma_semaphore, #tpu.memory_space<semaphore_mem>>) src(%dma_wait3A_1432 : memref<1x128xf32, #tpu.memory_space<vmem>>) dst(%dma_wait3A_1429 : memref<1x128xf32, #tpu.memory_space<any>>)
    %dma_wait3A_1433 = arith.constant 0 : i32
    %dma_wait3A_1434 = tpu.memref_slice %arg22[%get3A_331, %dma_wait3A_1433] : memref<10000x128xf32, #tpu.memory_space<any>> -> memref<1x128xf32, #tpu.memory_space<any>>
    %dma_wait3A_1435 = arith.constant 41 : i32
    %dma_wait3A_1436 = arith.constant 0 : i32
    %dma_wait3A_1437 = tpu.memref_slice %arg23[%dma_wait3A_1435, %dma_wait3A_1436] : memref<128x128xf32, #tpu.memory_space<vmem>> -> memref<1x128xf32, #tpu.memory_space<vmem>>
    tpu.wait_dma2 semaphore(%arg24 : memref<!tpu.dma_semaphore, #tpu.memory_space<semaphore_mem>>) src(%dma_wait3A_1437 : memref<1x128xf32, #tpu.memory_space<vmem>>) dst(%dma_wait3A_1434 : memref<1x128xf32, #tpu.memory_space<any>>)
    %dma_wait3A_1438 = arith.constant 0 : i32
    %dma_wait3A_1439 = tpu.memref_slice %arg22[%get3A_334, %dma_wait3A_1438] : memref<10000x128xf32, #tpu.memory_space<any>> -> memref<1x128xf32, #tpu.memory_space<any>>
    %dma_wait3A_1440 = arith.constant 42 : i32
    %dma_wait3A_1441 = arith.constant 0 : i32
    %dma_wait3A_1442 = tpu.memref_slice %arg23[%dma_wait3A_1440, %dma_wait3A_1441] : memref<128x128xf32, #tpu.memory_space<vmem>> -> memref<1x128xf32, #tpu.memory_space<vmem>>
    tpu.wait_dma2 semaphore(%arg24 : memref<!tpu.dma_semaphore, #tpu.memory_space<semaphore_mem>>) src(%dma_wait3A_1442 : memref<1x128xf32, #tpu.memory_space<vmem>>) dst(%dma_wait3A_1439 : memref<1x128xf32, #tpu.memory_space<any>>)
    %dma_wait3A_1443 = arith.constant 0 : i32
    %dma_wait3A_1444 = tpu.memref_slice %arg22[%get3A_337, %dma_wait3A_1443] : memref<10000x128xf32, #tpu.memory_space<any>> -> memref<1x128xf32, #tpu.memory_space<any>>
    %dma_wait3A_1445 = arith.constant 43 : i32
    %dma_wait3A_1446 = arith.constant 0 : i32
    %dma_wait3A_1447 = tpu.memref_slice %arg23[%dma_wait3A_1445, %dma_wait3A_1446] : memref<128x128xf32, #tpu.memory_space<vmem>> -> memref<1x128xf32, #tpu.memory_space<vmem>>
    tpu.wait_dma2 semaphore(%arg24 : memref<!tpu.dma_semaphore, #tpu.memory_space<semaphore_mem>>) src(%dma_wait3A_1447 : memref<1x128xf32, #tpu.memory_space<vmem>>) dst(%dma_wait3A_1444 : memref<1x128xf32, #tpu.memory_space<any>>)
    %dma_wait3A_1448 = arith.constant 0 : i32
    %dma_wait3A_1449 = tpu.memref_slice %arg22[%get3A_340, %dma_wait3A_1448] : memref<10000x128xf32, #tpu.memory_space<any>> -> memref<1x128xf32, #tpu.memory_space<any>>
    %dma_wait3A_1450 = arith.constant 44 : i32
    %dma_wait3A_1451 = arith.constant 0 : i32
    %dma_wait3A_1452 = tpu.memref_slice %arg23[%dma_wait3A_1450, %dma_wait3A_1451] : memref<128x128xf32, #tpu.memory_space<vmem>> -> memref<1x128xf32, #tpu.memory_space<vmem>>
    tpu.wait_dma2 semaphore(%arg24 : memref<!tpu.dma_semaphore, #tpu.memory_space<semaphore_mem>>) src(%dma_wait3A_1452 : memref<1x128xf32, #tpu.memory_space<vmem>>) dst(%dma_wait3A_1449 : memref<1x128xf32, #tpu.memory_space<any>>)
    %dma_wait3A_1453 = arith.constant 0 : i32
    %dma_wait3A_1454 = tpu.memref_slice %arg22[%get3A_343, %dma_wait3A_1453] : memref<10000x128xf32, #tpu.memory_space<any>> -> memref<1x128xf32, #tpu.memory_space<any>>
    %dma_wait3A_1455 = arith.constant 45 : i32
    %dma_wait3A_1456 = arith.constant 0 : i32
    %dma_wait3A_1457 = tpu.memref_slice %arg23[%dma_wait3A_1455, %dma_wait3A_1456] : memref<128x128xf32, #tpu.memory_space<vmem>> -> memref<1x128xf32, #tpu.memory_space<vmem>>
    tpu.wait_dma2 semaphore(%arg24 : memref<!tpu.dma_semaphore, #tpu.memory_space<semaphore_mem>>) src(%dma_wait3A_1457 : memref<1x128xf32, #tpu.memory_space<vmem>>) dst(%dma_wait3A_1454 : memref<1x128xf32, #tpu.memory_space<any>>)
    %dma_wait3A_1458 = arith.constant 0 : i32
    %dma_wait3A_1459 = tpu.memref_slice %arg22[%get3A_346, %dma_wait3A_1458] : memref<10000x128xf32, #tpu.memory_space<any>> -> memref<1x128xf32, #tpu.memory_space<any>>
    %dma_wait3A_1460 = arith.constant 46 : i32
    %dma_wait3A_1461 = arith.constant 0 : i32
    %dma_wait3A_1462 = tpu.memref_slice %arg23[%dma_wait3A_1460, %dma_wait3A_1461] : memref<128x128xf32, #tpu.memory_space<vmem>> -> memref<1x128xf32, #tpu.memory_space<vmem>>
    tpu.wait_dma2 semaphore(%arg24 : memref<!tpu.dma_semaphore, #tpu.memory_space<semaphore_mem>>) src(%dma_wait3A_1462 : memref<1x128xf32, #tpu.memory_space<vmem>>) dst(%dma_wait3A_1459 : memref<1x128xf32, #tpu.memory_space<any>>)
    %dma_wait3A_1463 = arith.constant 0 : i32
    %dma_wait3A_1464 = tpu.memref_slice %arg22[%get3A_349, %dma_wait3A_1463] : memref<10000x128xf32, #tpu.memory_space<any>> -> memref<1x128xf32, #tpu.memory_space<any>>
    %dma_wait3A_1465 = arith.constant 47 : i32
    %dma_wait3A_1466 = arith.constant 0 : i32
    %dma_wait3A_1467 = tpu.memref_slice %arg23[%dma_wait3A_1465, %dma_wait3A_1466] : memref<128x128xf32, #tpu.memory_space<vmem>> -> memref<1x128xf32, #tpu.memory_space<vmem>>
    tpu.wait_dma2 semaphore(%arg24 : memref<!tpu.dma_semaphore, #tpu.memory_space<semaphore_mem>>) src(%dma_wait3A_1467 : memref<1x128xf32, #tpu.memory_space<vmem>>) dst(%dma_wait3A_1464 : memref<1x128xf32, #tpu.memory_space<any>>)
    %dma_wait3A_1468 = arith.constant 0 : i32
    %dma_wait3A_1469 = tpu.memref_slice %arg22[%get3A_352, %dma_wait3A_1468] : memref<10000x128xf32, #tpu.memory_space<any>> -> memref<1x128xf32, #tpu.memory_space<any>>
    %dma_wait3A_1470 = arith.constant 48 : i32
    %dma_wait3A_1471 = arith.constant 0 : i32
    %dma_wait3A_1472 = tpu.memref_slice %arg23[%dma_wait3A_1470, %dma_wait3A_1471] : memref<128x128xf32, #tpu.memory_space<vmem>> -> memref<1x128xf32, #tpu.memory_space<vmem>>
    tpu.wait_dma2 semaphore(%arg24 : memref<!tpu.dma_semaphore, #tpu.memory_space<semaphore_mem>>) src(%dma_wait3A_1472 : memref<1x128xf32, #tpu.memory_space<vmem>>) dst(%dma_wait3A_1469 : memref<1x128xf32, #tpu.memory_space<any>>)
    %dma_wait3A_1473 = arith.constant 0 : i32
    %dma_wait3A_1474 = tpu.memref_slice %arg22[%get3A_355, %dma_wait3A_1473] : memref<10000x128xf32, #tpu.memory_space<any>> -> memref<1x128xf32, #tpu.memory_space<any>>
    %dma_wait3A_1475 = arith.constant 49 : i32
    %dma_wait3A_1476 = arith.constant 0 : i32
    %dma_wait3A_1477 = tpu.memref_slice %arg23[%dma_wait3A_1475, %dma_wait3A_1476] : memref<128x128xf32, #tpu.memory_space<vmem>> -> memref<1x128xf32, #tpu.memory_space<vmem>>
    tpu.wait_dma2 semaphore(%arg24 : memref<!tpu.dma_semaphore, #tpu.memory_space<semaphore_mem>>) src(%dma_wait3A_1477 : memref<1x128xf32, #tpu.memory_space<vmem>>) dst(%dma_wait3A_1474 : memref<1x128xf32, #tpu.memory_space<any>>)
    %dma_wait3A_1478 = arith.constant 0 : i32
    %dma_wait3A_1479 = tpu.memref_slice %arg22[%get3A_358, %dma_wait3A_1478] : memref<10000x128xf32, #tpu.memory_space<any>> -> memref<1x128xf32, #tpu.memory_space<any>>
    %dma_wait3A_1480 = arith.constant 50 : i32
    %dma_wait3A_1481 = arith.constant 0 : i32
    %dma_wait3A_1482 = tpu.memref_slice %arg23[%dma_wait3A_1480, %dma_wait3A_1481] : memref<128x128xf32, #tpu.memory_space<vmem>> -> memref<1x128xf32, #tpu.memory_space<vmem>>
    tpu.wait_dma2 semaphore(%arg24 : memref<!tpu.dma_semaphore, #tpu.memory_space<semaphore_mem>>) src(%dma_wait3A_1482 : memref<1x128xf32, #tpu.memory_space<vmem>>) dst(%dma_wait3A_1479 : memref<1x128xf32, #tpu.memory_space<any>>)
    %dma_wait3A_1483 = arith.constant 0 : i32
    %dma_wait3A_1484 = tpu.memref_slice %arg22[%get3A_361, %dma_wait3A_1483] : memref<10000x128xf32, #tpu.memory_space<any>> -> memref<1x128xf32, #tpu.memory_space<any>>
    %dma_wait3A_1485 = arith.constant 51 : i32
    %dma_wait3A_1486 = arith.constant 0 : i32
    %dma_wait3A_1487 = tpu.memref_slice %arg23[%dma_wait3A_1485, %dma_wait3A_1486] : memref<128x128xf32, #tpu.memory_space<vmem>> -> memref<1x128xf32, #tpu.memory_space<vmem>>
    tpu.wait_dma2 semaphore(%arg24 : memref<!tpu.dma_semaphore, #tpu.memory_space<semaphore_mem>>) src(%dma_wait3A_1487 : memref<1x128xf32, #tpu.memory_space<vmem>>) dst(%dma_wait3A_1484 : memref<1x128xf32, #tpu.memory_space<any>>)
    %dma_wait3A_1488 = arith.constant 0 : i32
    %dma_wait3A_1489 = tpu.memref_slice %arg22[%get3A_364, %dma_wait3A_1488] : memref<10000x128xf32, #tpu.memory_space<any>> -> memref<1x128xf32, #tpu.memory_space<any>>
    %dma_wait3A_1490 = arith.constant 52 : i32
    %dma_wait3A_1491 = arith.constant 0 : i32
    %dma_wait3A_1492 = tpu.memref_slice %arg23[%dma_wait3A_1490, %dma_wait3A_1491] : memref<128x128xf32, #tpu.memory_space<vmem>> -> memref<1x128xf32, #tpu.memory_space<vmem>>
    tpu.wait_dma2 semaphore(%arg24 : memref<!tpu.dma_semaphore, #tpu.memory_space<semaphore_mem>>) src(%dma_wait3A_1492 : memref<1x128xf32, #tpu.memory_space<vmem>>) dst(%dma_wait3A_1489 : memref<1x128xf32, #tpu.memory_space<any>>)
    %dma_wait3A_1493 = arith.constant 0 : i32
    %dma_wait3A_1494 = tpu.memref_slice %arg22[%get3A_367, %dma_wait3A_1493] : memref<10000x128xf32, #tpu.memory_space<any>> -> memref<1x128xf32, #tpu.memory_space<any>>
    %dma_wait3A_1495 = arith.constant 53 : i32
    %dma_wait3A_1496 = arith.constant 0 : i32
    %dma_wait3A_1497 = tpu.memref_slice %arg23[%dma_wait3A_1495, %dma_wait3A_1496] : memref<128x128xf32, #tpu.memory_space<vmem>> -> memref<1x128xf32, #tpu.memory_space<vmem>>
    tpu.wait_dma2 semaphore(%arg24 : memref<!tpu.dma_semaphore, #tpu.memory_space<semaphore_mem>>) src(%dma_wait3A_1497 : memref<1x128xf32, #tpu.memory_space<vmem>>) dst(%dma_wait3A_1494 : memref<1x128xf32, #tpu.memory_space<any>>)
    %dma_wait3A_1498 = arith.constant 0 : i32
    %dma_wait3A_1499 = tpu.memref_slice %arg22[%get3A_370, %dma_wait3A_1498] : memref<10000x128xf32, #tpu.memory_space<any>> -> memref<1x128xf32, #tpu.memory_space<any>>
    %dma_wait3A_1500 = arith.constant 54 : i32
    %dma_wait3A_1501 = arith.constant 0 : i32
    %dma_wait3A_1502 = tpu.memref_slice %arg23[%dma_wait3A_1500, %dma_wait3A_1501] : memref<128x128xf32, #tpu.memory_space<vmem>> -> memref<1x128xf32, #tpu.memory_space<vmem>>
    tpu.wait_dma2 semaphore(%arg24 : memref<!tpu.dma_semaphore, #tpu.memory_space<semaphore_mem>>) src(%dma_wait3A_1502 : memref<1x128xf32, #tpu.memory_space<vmem>>) dst(%dma_wait3A_1499 : memref<1x128xf32, #tpu.memory_space<any>>)
    %dma_wait3A_1503 = arith.constant 0 : i32
    %dma_wait3A_1504 = tpu.memref_slice %arg22[%get3A_373, %dma_wait3A_1503] : memref<10000x128xf32, #tpu.memory_space<any>> -> memref<1x128xf32, #tpu.memory_space<any>>
    %dma_wait3A_1505 = arith.constant 55 : i32
    %dma_wait3A_1506 = arith.constant 0 : i32
    %dma_wait3A_1507 = tpu.memref_slice %arg23[%dma_wait3A_1505, %dma_wait3A_1506] : memref<128x128xf32, #tpu.memory_space<vmem>> -> memref<1x128xf32, #tpu.memory_space<vmem>>
    tpu.wait_dma2 semaphore(%arg24 : memref<!tpu.dma_semaphore, #tpu.memory_space<semaphore_mem>>) src(%dma_wait3A_1507 : memref<1x128xf32, #tpu.memory_space<vmem>>) dst(%dma_wait3A_1504 : memref<1x128xf32, #tpu.memory_space<any>>)
    %dma_wait3A_1508 = arith.constant 0 : i32
    %dma_wait3A_1509 = tpu.memref_slice %arg22[%get3A_376, %dma_wait3A_1508] : memref<10000x128xf32, #tpu.memory_space<any>> -> memref<1x128xf32, #tpu.memory_space<any>>
    %dma_wait3A_1510 = arith.constant 56 : i32
    %dma_wait3A_1511 = arith.constant 0 : i32
    %dma_wait3A_1512 = tpu.memref_slice %arg23[%dma_wait3A_1510, %dma_wait3A_1511] : memref<128x128xf32, #tpu.memory_space<vmem>> -> memref<1x128xf32, #tpu.memory_space<vmem>>
    tpu.wait_dma2 semaphore(%arg24 : memref<!tpu.dma_semaphore, #tpu.memory_space<semaphore_mem>>) src(%dma_wait3A_1512 : memref<1x128xf32, #tpu.memory_space<vmem>>) dst(%dma_wait3A_1509 : memref<1x128xf32, #tpu.memory_space<any>>)
    %dma_wait3A_1513 = arith.constant 0 : i32
    %dma_wait3A_1514 = tpu.memref_slice %arg22[%get3A_379, %dma_wait3A_1513] : memref<10000x128xf32, #tpu.memory_space<any>> -> memref<1x128xf32, #tpu.memory_space<any>>
    %dma_wait3A_1515 = arith.constant 57 : i32
    %dma_wait3A_1516 = arith.constant 0 : i32
    %dma_wait3A_1517 = tpu.memref_slice %arg23[%dma_wait3A_1515, %dma_wait3A_1516] : memref<128x128xf32, #tpu.memory_space<vmem>> -> memref<1x128xf32, #tpu.memory_space<vmem>>
    tpu.wait_dma2 semaphore(%arg24 : memref<!tpu.dma_semaphore, #tpu.memory_space<semaphore_mem>>) src(%dma_wait3A_1517 : memref<1x128xf32, #tpu.memory_space<vmem>>) dst(%dma_wait3A_1514 : memref<1x128xf32, #tpu.memory_space<any>>)
    %dma_wait3A_1518 = arith.constant 0 : i32
    %dma_wait3A_1519 = tpu.memref_slice %arg22[%get3A_382, %dma_wait3A_1518] : memref<10000x128xf32, #tpu.memory_space<any>> -> memref<1x128xf32, #tpu.memory_space<any>>
    %dma_wait3A_1520 = arith.constant 58 : i32
    %dma_wait3A_1521 = arith.constant 0 : i32
    %dma_wait3A_1522 = tpu.memref_slice %arg23[%dma_wait3A_1520, %dma_wait3A_1521] : memref<128x128xf32, #tpu.memory_space<vmem>> -> memref<1x128xf32, #tpu.memory_space<vmem>>
    tpu.wait_dma2 semaphore(%arg24 : memref<!tpu.dma_semaphore, #tpu.memory_space<semaphore_mem>>) src(%dma_wait3A_1522 : memref<1x128xf32, #tpu.memory_space<vmem>>) dst(%dma_wait3A_1519 : memref<1x128xf32, #tpu.memory_space<any>>)
    %dma_wait3A_1523 = arith.constant 0 : i32
    %dma_wait3A_1524 = tpu.memref_slice %arg22[%get3A_385, %dma_wait3A_1523] : memref<10000x128xf32, #tpu.memory_space<any>> -> memref<1x128xf32, #tpu.memory_space<any>>
    %dma_wait3A_1525 = arith.constant 59 : i32
    %dma_wait3A_1526 = arith.constant 0 : i32
    %dma_wait3A_1527 = tpu.memref_slice %arg23[%dma_wait3A_1525, %dma_wait3A_1526] : memref<128x128xf32, #tpu.memory_space<vmem>> -> memref<1x128xf32, #tpu.memory_space<vmem>>
    tpu.wait_dma2 semaphore(%arg24 : memref<!tpu.dma_semaphore, #tpu.memory_space<semaphore_mem>>) src(%dma_wait3A_1527 : memref<1x128xf32, #tpu.memory_space<vmem>>) dst(%dma_wait3A_1524 : memref<1x128xf32, #tpu.memory_space<any>>)
    %dma_wait3A_1528 = arith.constant 0 : i32
    %dma_wait3A_1529 = tpu.memref_slice %arg22[%get3A_388, %dma_wait3A_1528] : memref<10000x128xf32, #tpu.memory_space<any>> -> memref<1x128xf32, #tpu.memory_space<any>>
    %dma_wait3A_1530 = arith.constant 60 : i32
    %dma_wait3A_1531 = arith.constant 0 : i32
    %dma_wait3A_1532 = tpu.memref_slice %arg23[%dma_wait3A_1530, %dma_wait3A_1531] : memref<128x128xf32, #tpu.memory_space<vmem>> -> memref<1x128xf32, #tpu.memory_space<vmem>>
    tpu.wait_dma2 semaphore(%arg24 : memref<!tpu.dma_semaphore, #tpu.memory_space<semaphore_mem>>) src(%dma_wait3A_1532 : memref<1x128xf32, #tpu.memory_space<vmem>>) dst(%dma_wait3A_1529 : memref<1x128xf32, #tpu.memory_space<any>>)
    %dma_wait3A_1533 = arith.constant 0 : i32
    %dma_wait3A_1534 = tpu.memref_slice %arg22[%get3A_391, %dma_wait3A_1533] : memref<10000x128xf32, #tpu.memory_space<any>> -> memref<1x128xf32, #tpu.memory_space<any>>
    %dma_wait3A_1535 = arith.constant 61 : i32
    %dma_wait3A_1536 = arith.constant 0 : i32
    %dma_wait3A_1537 = tpu.memref_slice %arg23[%dma_wait3A_1535, %dma_wait3A_1536] : memref<128x128xf32, #tpu.memory_space<vmem>> -> memref<1x128xf32, #tpu.memory_space<vmem>>
    tpu.wait_dma2 semaphore(%arg24 : memref<!tpu.dma_semaphore, #tpu.memory_space<semaphore_mem>>) src(%dma_wait3A_1537 : memref<1x128xf32, #tpu.memory_space<vmem>>) dst(%dma_wait3A_1534 : memref<1x128xf32, #tpu.memory_space<any>>)
    %dma_wait3A_1538 = arith.constant 0 : i32
    %dma_wait3A_1539 = tpu.memref_slice %arg22[%get3A_394, %dma_wait3A_1538] : memref<10000x128xf32, #tpu.memory_space<any>> -> memref<1x128xf32, #tpu.memory_space<any>>
    %dma_wait3A_1540 = arith.constant 62 : i32
    %dma_wait3A_1541 = arith.constant 0 : i32
    %dma_wait3A_1542 = tpu.memref_slice %arg23[%dma_wait3A_1540, %dma_wait3A_1541] : memref<128x128xf32, #tpu.memory_space<vmem>> -> memref<1x128xf32, #tpu.memory_space<vmem>>
    tpu.wait_dma2 semaphore(%arg24 : memref<!tpu.dma_semaphore, #tpu.memory_space<semaphore_mem>>) src(%dma_wait3A_1542 : memref<1x128xf32, #tpu.memory_space<vmem>>) dst(%dma_wait3A_1539 : memref<1x128xf32, #tpu.memory_space<any>>)
    %dma_wait3A_1543 = arith.constant 0 : i32
    %dma_wait3A_1544 = tpu.memref_slice %arg22[%get3A_397, %dma_wait3A_1543] : memref<10000x128xf32, #tpu.memory_space<any>> -> memref<1x128xf32, #tpu.memory_space<any>>
    %dma_wait3A_1545 = arith.constant 63 : i32
    %dma_wait3A_1546 = arith.constant 0 : i32
    %dma_wait3A_1547 = tpu.memref_slice %arg23[%dma_wait3A_1545, %dma_wait3A_1546] : memref<128x128xf32, #tpu.memory_space<vmem>> -> memref<1x128xf32, #tpu.memory_space<vmem>>
    tpu.wait_dma2 semaphore(%arg24 : memref<!tpu.dma_semaphore, #tpu.memory_space<semaphore_mem>>) src(%dma_wait3A_1547 : memref<1x128xf32, #tpu.memory_space<vmem>>) dst(%dma_wait3A_1544 : memref<1x128xf32, #tpu.memory_space<any>>)
    %dma_wait3A_1548 = arith.constant 0 : i32
    %dma_wait3A_1549 = tpu.memref_slice %arg22[%get3A_400, %dma_wait3A_1548] : memref<10000x128xf32, #tpu.memory_space<any>> -> memref<1x128xf32, #tpu.memory_space<any>>
    %dma_wait3A_1550 = arith.constant 64 : i32
    %dma_wait3A_1551 = arith.constant 0 : i32
    %dma_wait3A_1552 = tpu.memref_slice %arg23[%dma_wait3A_1550, %dma_wait3A_1551] : memref<128x128xf32, #tpu.memory_space<vmem>> -> memref<1x128xf32, #tpu.memory_space<vmem>>
    tpu.wait_dma2 semaphore(%arg24 : memref<!tpu.dma_semaphore, #tpu.memory_space<semaphore_mem>>) src(%dma_wait3A_1552 : memref<1x128xf32, #tpu.memory_space<vmem>>) dst(%dma_wait3A_1549 : memref<1x128xf32, #tpu.memory_space<any>>)
    %dma_wait3A_1553 = arith.constant 0 : i32
    %dma_wait3A_1554 = tpu.memref_slice %arg22[%get3A_403, %dma_wait3A_1553] : memref<10000x128xf32, #tpu.memory_space<any>> -> memref<1x128xf32, #tpu.memory_space<any>>
    %dma_wait3A_1555 = arith.constant 65 : i32
    %dma_wait3A_1556 = arith.constant 0 : i32
    %dma_wait3A_1557 = tpu.memref_slice %arg23[%dma_wait3A_1555, %dma_wait3A_1556] : memref<128x128xf32, #tpu.memory_space<vmem>> -> memref<1x128xf32, #tpu.memory_space<vmem>>
    tpu.wait_dma2 semaphore(%arg24 : memref<!tpu.dma_semaphore, #tpu.memory_space<semaphore_mem>>) src(%dma_wait3A_1557 : memref<1x128xf32, #tpu.memory_space<vmem>>) dst(%dma_wait3A_1554 : memref<1x128xf32, #tpu.memory_space<any>>)
    %dma_wait3A_1558 = arith.constant 0 : i32
    %dma_wait3A_1559 = tpu.memref_slice %arg22[%get3A_406, %dma_wait3A_1558] : memref<10000x128xf32, #tpu.memory_space<any>> -> memref<1x128xf32, #tpu.memory_space<any>>
    %dma_wait3A_1560 = arith.constant 66 : i32
    %dma_wait3A_1561 = arith.constant 0 : i32
    %dma_wait3A_1562 = tpu.memref_slice %arg23[%dma_wait3A_1560, %dma_wait3A_1561] : memref<128x128xf32, #tpu.memory_space<vmem>> -> memref<1x128xf32, #tpu.memory_space<vmem>>
    tpu.wait_dma2 semaphore(%arg24 : memref<!tpu.dma_semaphore, #tpu.memory_space<semaphore_mem>>) src(%dma_wait3A_1562 : memref<1x128xf32, #tpu.memory_space<vmem>>) dst(%dma_wait3A_1559 : memref<1x128xf32, #tpu.memory_space<any>>)
    %dma_wait3A_1563 = arith.constant 0 : i32
    %dma_wait3A_1564 = tpu.memref_slice %arg22[%get3A_409, %dma_wait3A_1563] : memref<10000x128xf32, #tpu.memory_space<any>> -> memref<1x128xf32, #tpu.memory_space<any>>
    %dma_wait3A_1565 = arith.constant 67 : i32
    %dma_wait3A_1566 = arith.constant 0 : i32
    %dma_wait3A_1567 = tpu.memref_slice %arg23[%dma_wait3A_1565, %dma_wait3A_1566] : memref<128x128xf32, #tpu.memory_space<vmem>> -> memref<1x128xf32, #tpu.memory_space<vmem>>
    tpu.wait_dma2 semaphore(%arg24 : memref<!tpu.dma_semaphore, #tpu.memory_space<semaphore_mem>>) src(%dma_wait3A_1567 : memref<1x128xf32, #tpu.memory_space<vmem>>) dst(%dma_wait3A_1564 : memref<1x128xf32, #tpu.memory_space<any>>)
    %dma_wait3A_1568 = arith.constant 0 : i32
    %dma_wait3A_1569 = tpu.memref_slice %arg22[%get3A_412, %dma_wait3A_1568] : memref<10000x128xf32, #tpu.memory_space<any>> -> memref<1x128xf32, #tpu.memory_space<any>>
    %dma_wait3A_1570 = arith.constant 68 : i32
    %dma_wait3A_1571 = arith.constant 0 : i32
    %dma_wait3A_1572 = tpu.memref_slice %arg23[%dma_wait3A_1570, %dma_wait3A_1571] : memref<128x128xf32, #tpu.memory_space<vmem>> -> memref<1x128xf32, #tpu.memory_space<vmem>>
    tpu.wait_dma2 semaphore(%arg24 : memref<!tpu.dma_semaphore, #tpu.memory_space<semaphore_mem>>) src(%dma_wait3A_1572 : memref<1x128xf32, #tpu.memory_space<vmem>>) dst(%dma_wait3A_1569 : memref<1x128xf32, #tpu.memory_space<any>>)
    %dma_wait3A_1573 = arith.constant 0 : i32
    %dma_wait3A_1574 = tpu.memref_slice %arg22[%get3A_415, %dma_wait3A_1573] : memref<10000x128xf32, #tpu.memory_space<any>> -> memref<1x128xf32, #tpu.memory_space<any>>
    %dma_wait3A_1575 = arith.constant 69 : i32
    %dma_wait3A_1576 = arith.constant 0 : i32
    %dma_wait3A_1577 = tpu.memref_slice %arg23[%dma_wait3A_1575, %dma_wait3A_1576] : memref<128x128xf32, #tpu.memory_space<vmem>> -> memref<1x128xf32, #tpu.memory_space<vmem>>
    tpu.wait_dma2 semaphore(%arg24 : memref<!tpu.dma_semaphore, #tpu.memory_space<semaphore_mem>>) src(%dma_wait3A_1577 : memref<1x128xf32, #tpu.memory_space<vmem>>) dst(%dma_wait3A_1574 : memref<1x128xf32, #tpu.memory_space<any>>)
    %dma_wait3A_1578 = arith.constant 0 : i32
    %dma_wait3A_1579 = tpu.memref_slice %arg22[%get3A_418, %dma_wait3A_1578] : memref<10000x128xf32, #tpu.memory_space<any>> -> memref<1x128xf32, #tpu.memory_space<any>>
    %dma_wait3A_1580 = arith.constant 70 : i32
    %dma_wait3A_1581 = arith.constant 0 : i32
    %dma_wait3A_1582 = tpu.memref_slice %arg23[%dma_wait3A_1580, %dma_wait3A_1581] : memref<128x128xf32, #tpu.memory_space<vmem>> -> memref<1x128xf32, #tpu.memory_space<vmem>>
    tpu.wait_dma2 semaphore(%arg24 : memref<!tpu.dma_semaphore, #tpu.memory_space<semaphore_mem>>) src(%dma_wait3A_1582 : memref<1x128xf32, #tpu.memory_space<vmem>>) dst(%dma_wait3A_1579 : memref<1x128xf32, #tpu.memory_space<any>>)
    %dma_wait3A_1583 = arith.constant 0 : i32
    %dma_wait3A_1584 = tpu.memref_slice %arg22[%get3A_421, %dma_wait3A_1583] : memref<10000x128xf32, #tpu.memory_space<any>> -> memref<1x128xf32, #tpu.memory_space<any>>
    %dma_wait3A_1585 = arith.constant 71 : i32
    %dma_wait3A_1586 = arith.constant 0 : i32
    %dma_wait3A_1587 = tpu.memref_slice %arg23[%dma_wait3A_1585, %dma_wait3A_1586] : memref<128x128xf32, #tpu.memory_space<vmem>> -> memref<1x128xf32, #tpu.memory_space<vmem>>
    tpu.wait_dma2 semaphore(%arg24 : memref<!tpu.dma_semaphore, #tpu.memory_space<semaphore_mem>>) src(%dma_wait3A_1587 : memref<1x128xf32, #tpu.memory_space<vmem>>) dst(%dma_wait3A_1584 : memref<1x128xf32, #tpu.memory_space<any>>)
    %dma_wait3A_1588 = arith.constant 0 : i32
    %dma_wait3A_1589 = tpu.memref_slice %arg22[%get3A_424, %dma_wait3A_1588] : memref<10000x128xf32, #tpu.memory_space<any>> -> memref<1x128xf32, #tpu.memory_space<any>>
    %dma_wait3A_1590 = arith.constant 72 : i32
    %dma_wait3A_1591 = arith.constant 0 : i32
    %dma_wait3A_1592 = tpu.memref_slice %arg23[%dma_wait3A_1590, %dma_wait3A_1591] : memref<128x128xf32, #tpu.memory_space<vmem>> -> memref<1x128xf32, #tpu.memory_space<vmem>>
    tpu.wait_dma2 semaphore(%arg24 : memref<!tpu.dma_semaphore, #tpu.memory_space<semaphore_mem>>) src(%dma_wait3A_1592 : memref<1x128xf32, #tpu.memory_space<vmem>>) dst(%dma_wait3A_1589 : memref<1x128xf32, #tpu.memory_space<any>>)
    %dma_wait3A_1593 = arith.constant 0 : i32
    %dma_wait3A_1594 = tpu.memref_slice %arg22[%get3A_427, %dma_wait3A_1593] : memref<10000x128xf32, #tpu.memory_space<any>> -> memref<1x128xf32, #tpu.memory_space<any>>
    %dma_wait3A_1595 = arith.constant 73 : i32
    %dma_wait3A_1596 = arith.constant 0 : i32
    %dma_wait3A_1597 = tpu.memref_slice %arg23[%dma_wait3A_1595, %dma_wait3A_1596] : memref<128x128xf32, #tpu.memory_space<vmem>> -> memref<1x128xf32, #tpu.memory_space<vmem>>
    tpu.wait_dma2 semaphore(%arg24 : memref<!tpu.dma_semaphore, #tpu.memory_space<semaphore_mem>>) src(%dma_wait3A_1597 : memref<1x128xf32, #tpu.memory_space<vmem>>) dst(%dma_wait3A_1594 : memref<1x128xf32, #tpu.memory_space<any>>)
    %dma_wait3A_1598 = arith.constant 0 : i32
    %dma_wait3A_1599 = tpu.memref_slice %arg22[%get3A_430, %dma_wait3A_1598] : memref<10000x128xf32, #tpu.memory_space<any>> -> memref<1x128xf32, #tpu.memory_space<any>>
    %dma_wait3A_1600 = arith.constant 74 : i32
    %dma_wait3A_1601 = arith.constant 0 : i32
    %dma_wait3A_1602 = tpu.memref_slice %arg23[%dma_wait3A_1600, %dma_wait3A_1601] : memref<128x128xf32, #tpu.memory_space<vmem>> -> memref<1x128xf32, #tpu.memory_space<vmem>>
    tpu.wait_dma2 semaphore(%arg24 : memref<!tpu.dma_semaphore, #tpu.memory_space<semaphore_mem>>) src(%dma_wait3A_1602 : memref<1x128xf32, #tpu.memory_space<vmem>>) dst(%dma_wait3A_1599 : memref<1x128xf32, #tpu.memory_space<any>>)
    %dma_wait3A_1603 = arith.constant 0 : i32
    %dma_wait3A_1604 = tpu.memref_slice %arg22[%get3A_433, %dma_wait3A_1603] : memref<10000x128xf32, #tpu.memory_space<any>> -> memref<1x128xf32, #tpu.memory_space<any>>
    %dma_wait3A_1605 = arith.constant 75 : i32
    %dma_wait3A_1606 = arith.constant 0 : i32
    %dma_wait3A_1607 = tpu.memref_slice %arg23[%dma_wait3A_1605, %dma_wait3A_1606] : memref<128x128xf32, #tpu.memory_space<vmem>> -> memref<1x128xf32, #tpu.memory_space<vmem>>
    tpu.wait_dma2 semaphore(%arg24 : memref<!tpu.dma_semaphore, #tpu.memory_space<semaphore_mem>>) src(%dma_wait3A_1607 : memref<1x128xf32, #tpu.memory_space<vmem>>) dst(%dma_wait3A_1604 : memref<1x128xf32, #tpu.memory_space<any>>)
    %dma_wait3A_1608 = arith.constant 0 : i32
    %dma_wait3A_1609 = tpu.memref_slice %arg22[%get3A_436, %dma_wait3A_1608] : memref<10000x128xf32, #tpu.memory_space<any>> -> memref<1x128xf32, #tpu.memory_space<any>>
    %dma_wait3A_1610 = arith.constant 76 : i32
    %dma_wait3A_1611 = arith.constant 0 : i32
    %dma_wait3A_1612 = tpu.memref_slice %arg23[%dma_wait3A_1610, %dma_wait3A_1611] : memref<128x128xf32, #tpu.memory_space<vmem>> -> memref<1x128xf32, #tpu.memory_space<vmem>>
    tpu.wait_dma2 semaphore(%arg24 : memref<!tpu.dma_semaphore, #tpu.memory_space<semaphore_mem>>) src(%dma_wait3A_1612 : memref<1x128xf32, #tpu.memory_space<vmem>>) dst(%dma_wait3A_1609 : memref<1x128xf32, #tpu.memory_space<any>>)
    %dma_wait3A_1613 = arith.constant 0 : i32
    %dma_wait3A_1614 = tpu.memref_slice %arg22[%get3A_439, %dma_wait3A_1613] : memref<10000x128xf32, #tpu.memory_space<any>> -> memref<1x128xf32, #tpu.memory_space<any>>
    %dma_wait3A_1615 = arith.constant 77 : i32
    %dma_wait3A_1616 = arith.constant 0 : i32
    %dma_wait3A_1617 = tpu.memref_slice %arg23[%dma_wait3A_1615, %dma_wait3A_1616] : memref<128x128xf32, #tpu.memory_space<vmem>> -> memref<1x128xf32, #tpu.memory_space<vmem>>
    tpu.wait_dma2 semaphore(%arg24 : memref<!tpu.dma_semaphore, #tpu.memory_space<semaphore_mem>>) src(%dma_wait3A_1617 : memref<1x128xf32, #tpu.memory_space<vmem>>) dst(%dma_wait3A_1614 : memref<1x128xf32, #tpu.memory_space<any>>)
    %dma_wait3A_1618 = arith.constant 0 : i32
    %dma_wait3A_1619 = tpu.memref_slice %arg22[%get3A_442, %dma_wait3A_1618] : memref<10000x128xf32, #tpu.memory_space<any>> -> memref<1x128xf32, #tpu.memory_space<any>>
    %dma_wait3A_1620 = arith.constant 78 : i32
    %dma_wait3A_1621 = arith.constant 0 : i32
    %dma_wait3A_1622 = tpu.memref_slice %arg23[%dma_wait3A_1620, %dma_wait3A_1621] : memref<128x128xf32, #tpu.memory_space<vmem>> -> memref<1x128xf32, #tpu.memory_space<vmem>>
    tpu.wait_dma2 semaphore(%arg24 : memref<!tpu.dma_semaphore, #tpu.memory_space<semaphore_mem>>) src(%dma_wait3A_1622 : memref<1x128xf32, #tpu.memory_space<vmem>>) dst(%dma_wait3A_1619 : memref<1x128xf32, #tpu.memory_space<any>>)
    %dma_wait3A_1623 = arith.constant 0 : i32
    %dma_wait3A_1624 = tpu.memref_slice %arg22[%get3A_445, %dma_wait3A_1623] : memref<10000x128xf32, #tpu.memory_space<any>> -> memref<1x128xf32, #tpu.memory_space<any>>
    %dma_wait3A_1625 = arith.constant 79 : i32
    %dma_wait3A_1626 = arith.constant 0 : i32
    %dma_wait3A_1627 = tpu.memref_slice %arg23[%dma_wait3A_1625, %dma_wait3A_1626] : memref<128x128xf32, #tpu.memory_space<vmem>> -> memref<1x128xf32, #tpu.memory_space<vmem>>
    tpu.wait_dma2 semaphore(%arg24 : memref<!tpu.dma_semaphore, #tpu.memory_space<semaphore_mem>>) src(%dma_wait3A_1627 : memref<1x128xf32, #tpu.memory_space<vmem>>) dst(%dma_wait3A_1624 : memref<1x128xf32, #tpu.memory_space<any>>)
    %dma_wait3A_1628 = arith.constant 0 : i32
    %dma_wait3A_1629 = tpu.memref_slice %arg22[%get3A_448, %dma_wait3A_1628] : memref<10000x128xf32, #tpu.memory_space<any>> -> memref<1x128xf32, #tpu.memory_space<any>>
    %dma_wait3A_1630 = arith.constant 80 : i32
    %dma_wait3A_1631 = arith.constant 0 : i32
    %dma_wait3A_1632 = tpu.memref_slice %arg23[%dma_wait3A_1630, %dma_wait3A_1631] : memref<128x128xf32, #tpu.memory_space<vmem>> -> memref<1x128xf32, #tpu.memory_space<vmem>>
    tpu.wait_dma2 semaphore(%arg24 : memref<!tpu.dma_semaphore, #tpu.memory_space<semaphore_mem>>) src(%dma_wait3A_1632 : memref<1x128xf32, #tpu.memory_space<vmem>>) dst(%dma_wait3A_1629 : memref<1x128xf32, #tpu.memory_space<any>>)
    %dma_wait3A_1633 = arith.constant 0 : i32
    %dma_wait3A_1634 = tpu.memref_slice %arg22[%get3A_451, %dma_wait3A_1633] : memref<10000x128xf32, #tpu.memory_space<any>> -> memref<1x128xf32, #tpu.memory_space<any>>
    %dma_wait3A_1635 = arith.constant 81 : i32
    %dma_wait3A_1636 = arith.constant 0 : i32
    %dma_wait3A_1637 = tpu.memref_slice %arg23[%dma_wait3A_1635, %dma_wait3A_1636] : memref<128x128xf32, #tpu.memory_space<vmem>> -> memref<1x128xf32, #tpu.memory_space<vmem>>
    tpu.wait_dma2 semaphore(%arg24 : memref<!tpu.dma_semaphore, #tpu.memory_space<semaphore_mem>>) src(%dma_wait3A_1637 : memref<1x128xf32, #tpu.memory_space<vmem>>) dst(%dma_wait3A_1634 : memref<1x128xf32, #tpu.memory_space<any>>)
    %dma_wait3A_1638 = arith.constant 0 : i32
    %dma_wait3A_1639 = tpu.memref_slice %arg22[%get3A_454, %dma_wait3A_1638] : memref<10000x128xf32, #tpu.memory_space<any>> -> memref<1x128xf32, #tpu.memory_space<any>>
    %dma_wait3A_1640 = arith.constant 82 : i32
    %dma_wait3A_1641 = arith.constant 0 : i32
    %dma_wait3A_1642 = tpu.memref_slice %arg23[%dma_wait3A_1640, %dma_wait3A_1641] : memref<128x128xf32, #tpu.memory_space<vmem>> -> memref<1x128xf32, #tpu.memory_space<vmem>>
    tpu.wait_dma2 semaphore(%arg24 : memref<!tpu.dma_semaphore, #tpu.memory_space<semaphore_mem>>) src(%dma_wait3A_1642 : memref<1x128xf32, #tpu.memory_space<vmem>>) dst(%dma_wait3A_1639 : memref<1x128xf32, #tpu.memory_space<any>>)
    %dma_wait3A_1643 = arith.constant 0 : i32
    %dma_wait3A_1644 = tpu.memref_slice %arg22[%get3A_457, %dma_wait3A_1643] : memref<10000x128xf32, #tpu.memory_space<any>> -> memref<1x128xf32, #tpu.memory_space<any>>
    %dma_wait3A_1645 = arith.constant 83 : i32
    %dma_wait3A_1646 = arith.constant 0 : i32
    %dma_wait3A_1647 = tpu.memref_slice %arg23[%dma_wait3A_1645, %dma_wait3A_1646] : memref<128x128xf32, #tpu.memory_space<vmem>> -> memref<1x128xf32, #tpu.memory_space<vmem>>
    tpu.wait_dma2 semaphore(%arg24 : memref<!tpu.dma_semaphore, #tpu.memory_space<semaphore_mem>>) src(%dma_wait3A_1647 : memref<1x128xf32, #tpu.memory_space<vmem>>) dst(%dma_wait3A_1644 : memref<1x128xf32, #tpu.memory_space<any>>)
    %dma_wait3A_1648 = arith.constant 0 : i32
    %dma_wait3A_1649 = tpu.memref_slice %arg22[%get3A_460, %dma_wait3A_1648] : memref<10000x128xf32, #tpu.memory_space<any>> -> memref<1x128xf32, #tpu.memory_space<any>>
    %dma_wait3A_1650 = arith.constant 84 : i32
    %dma_wait3A_1651 = arith.constant 0 : i32
    %dma_wait3A_1652 = tpu.memref_slice %arg23[%dma_wait3A_1650, %dma_wait3A_1651] : memref<128x128xf32, #tpu.memory_space<vmem>> -> memref<1x128xf32, #tpu.memory_space<vmem>>
    tpu.wait_dma2 semaphore(%arg24 : memref<!tpu.dma_semaphore, #tpu.memory_space<semaphore_mem>>) src(%dma_wait3A_1652 : memref<1x128xf32, #tpu.memory_space<vmem>>) dst(%dma_wait3A_1649 : memref<1x128xf32, #tpu.memory_space<any>>)
    %dma_wait3A_1653 = arith.constant 0 : i32
    %dma_wait3A_1654 = tpu.memref_slice %arg22[%get3A_463, %dma_wait3A_1653] : memref<10000x128xf32, #tpu.memory_space<any>> -> memref<1x128xf32, #tpu.memory_space<any>>
    %dma_wait3A_1655 = arith.constant 85 : i32
    %dma_wait3A_1656 = arith.constant 0 : i32
    %dma_wait3A_1657 = tpu.memref_slice %arg23[%dma_wait3A_1655, %dma_wait3A_1656] : memref<128x128xf32, #tpu.memory_space<vmem>> -> memref<1x128xf32, #tpu.memory_space<vmem>>
    tpu.wait_dma2 semaphore(%arg24 : memref<!tpu.dma_semaphore, #tpu.memory_space<semaphore_mem>>) src(%dma_wait3A_1657 : memref<1x128xf32, #tpu.memory_space<vmem>>) dst(%dma_wait3A_1654 : memref<1x128xf32, #tpu.memory_space<any>>)
    %dma_wait3A_1658 = arith.constant 0 : i32
    %dma_wait3A_1659 = tpu.memref_slice %arg22[%get3A_466, %dma_wait3A_1658] : memref<10000x128xf32, #tpu.memory_space<any>> -> memref<1x128xf32, #tpu.memory_space<any>>
    %dma_wait3A_1660 = arith.constant 86 : i32
    %dma_wait3A_1661 = arith.constant 0 : i32
    %dma_wait3A_1662 = tpu.memref_slice %arg23[%dma_wait3A_1660, %dma_wait3A_1661] : memref<128x128xf32, #tpu.memory_space<vmem>> -> memref<1x128xf32, #tpu.memory_space<vmem>>
    tpu.wait_dma2 semaphore(%arg24 : memref<!tpu.dma_semaphore, #tpu.memory_space<semaphore_mem>>) src(%dma_wait3A_1662 : memref<1x128xf32, #tpu.memory_space<vmem>>) dst(%dma_wait3A_1659 : memref<1x128xf32, #tpu.memory_space<any>>)
    %dma_wait3A_1663 = arith.constant 0 : i32
    %dma_wait3A_1664 = tpu.memref_slice %arg22[%get3A_469, %dma_wait3A_1663] : memref<10000x128xf32, #tpu.memory_space<any>> -> memref<1x128xf32, #tpu.memory_space<any>>
    %dma_wait3A_1665 = arith.constant 87 : i32
    %dma_wait3A_1666 = arith.constant 0 : i32
    %dma_wait3A_1667 = tpu.memref_slice %arg23[%dma_wait3A_1665, %dma_wait3A_1666] : memref<128x128xf32, #tpu.memory_space<vmem>> -> memref<1x128xf32, #tpu.memory_space<vmem>>
    tpu.wait_dma2 semaphore(%arg24 : memref<!tpu.dma_semaphore, #tpu.memory_space<semaphore_mem>>) src(%dma_wait3A_1667 : memref<1x128xf32, #tpu.memory_space<vmem>>) dst(%dma_wait3A_1664 : memref<1x128xf32, #tpu.memory_space<any>>)
    %dma_wait3A_1668 = arith.constant 0 : i32
    %dma_wait3A_1669 = tpu.memref_slice %arg22[%get3A_472, %dma_wait3A_1668] : memref<10000x128xf32, #tpu.memory_space<any>> -> memref<1x128xf32, #tpu.memory_space<any>>
    %dma_wait3A_1670 = arith.constant 88 : i32
    %dma_wait3A_1671 = arith.constant 0 : i32
    %dma_wait3A_1672 = tpu.memref_slice %arg23[%dma_wait3A_1670, %dma_wait3A_1671] : memref<128x128xf32, #tpu.memory_space<vmem>> -> memref<1x128xf32, #tpu.memory_space<vmem>>
    tpu.wait_dma2 semaphore(%arg24 : memref<!tpu.dma_semaphore, #tpu.memory_space<semaphore_mem>>) src(%dma_wait3A_1672 : memref<1x128xf32, #tpu.memory_space<vmem>>) dst(%dma_wait3A_1669 : memref<1x128xf32, #tpu.memory_space<any>>)
    %dma_wait3A_1673 = arith.constant 0 : i32
    %dma_wait3A_1674 = tpu.memref_slice %arg22[%get3A_475, %dma_wait3A_1673] : memref<10000x128xf32, #tpu.memory_space<any>> -> memref<1x128xf32, #tpu.memory_space<any>>
    %dma_wait3A_1675 = arith.constant 89 : i32
    %dma_wait3A_1676 = arith.constant 0 : i32
    %dma_wait3A_1677 = tpu.memref_slice %arg23[%dma_wait3A_1675, %dma_wait3A_1676] : memref<128x128xf32, #tpu.memory_space<vmem>> -> memref<1x128xf32, #tpu.memory_space<vmem>>
    tpu.wait_dma2 semaphore(%arg24 : memref<!tpu.dma_semaphore, #tpu.memory_space<semaphore_mem>>) src(%dma_wait3A_1677 : memref<1x128xf32, #tpu.memory_space<vmem>>) dst(%dma_wait3A_1674 : memref<1x128xf32, #tpu.memory_space<any>>)
    %dma_wait3A_1678 = arith.constant 0 : i32
    %dma_wait3A_1679 = tpu.memref_slice %arg22[%get3A_478, %dma_wait3A_1678] : memref<10000x128xf32, #tpu.memory_space<any>> -> memref<1x128xf32, #tpu.memory_space<any>>
    %dma_wait3A_1680 = arith.constant 90 : i32
    %dma_wait3A_1681 = arith.constant 0 : i32
    %dma_wait3A_1682 = tpu.memref_slice %arg23[%dma_wait3A_1680, %dma_wait3A_1681] : memref<128x128xf32, #tpu.memory_space<vmem>> -> memref<1x128xf32, #tpu.memory_space<vmem>>
    tpu.wait_dma2 semaphore(%arg24 : memref<!tpu.dma_semaphore, #tpu.memory_space<semaphore_mem>>) src(%dma_wait3A_1682 : memref<1x128xf32, #tpu.memory_space<vmem>>) dst(%dma_wait3A_1679 : memref<1x128xf32, #tpu.memory_space<any>>)
    %dma_wait3A_1683 = arith.constant 0 : i32
    %dma_wait3A_1684 = tpu.memref_slice %arg22[%get3A_481, %dma_wait3A_1683] : memref<10000x128xf32, #tpu.memory_space<any>> -> memref<1x128xf32, #tpu.memory_space<any>>
    %dma_wait3A_1685 = arith.constant 91 : i32
    %dma_wait3A_1686 = arith.constant 0 : i32
    %dma_wait3A_1687 = tpu.memref_slice %arg23[%dma_wait3A_1685, %dma_wait3A_1686] : memref<128x128xf32, #tpu.memory_space<vmem>> -> memref<1x128xf32, #tpu.memory_space<vmem>>
    tpu.wait_dma2 semaphore(%arg24 : memref<!tpu.dma_semaphore, #tpu.memory_space<semaphore_mem>>) src(%dma_wait3A_1687 : memref<1x128xf32, #tpu.memory_space<vmem>>) dst(%dma_wait3A_1684 : memref<1x128xf32, #tpu.memory_space<any>>)
    %dma_wait3A_1688 = arith.constant 0 : i32
    %dma_wait3A_1689 = tpu.memref_slice %arg22[%get3A_484, %dma_wait3A_1688] : memref<10000x128xf32, #tpu.memory_space<any>> -> memref<1x128xf32, #tpu.memory_space<any>>
    %dma_wait3A_1690 = arith.constant 92 : i32
    %dma_wait3A_1691 = arith.constant 0 : i32
    %dma_wait3A_1692 = tpu.memref_slice %arg23[%dma_wait3A_1690, %dma_wait3A_1691] : memref<128x128xf32, #tpu.memory_space<vmem>> -> memref<1x128xf32, #tpu.memory_space<vmem>>
    tpu.wait_dma2 semaphore(%arg24 : memref<!tpu.dma_semaphore, #tpu.memory_space<semaphore_mem>>) src(%dma_wait3A_1692 : memref<1x128xf32, #tpu.memory_space<vmem>>) dst(%dma_wait3A_1689 : memref<1x128xf32, #tpu.memory_space<any>>)
    %dma_wait3A_1693 = arith.constant 0 : i32
    %dma_wait3A_1694 = tpu.memref_slice %arg22[%get3A_487, %dma_wait3A_1693] : memref<10000x128xf32, #tpu.memory_space<any>> -> memref<1x128xf32, #tpu.memory_space<any>>
    %dma_wait3A_1695 = arith.constant 93 : i32
    %dma_wait3A_1696 = arith.constant 0 : i32
    %dma_wait3A_1697 = tpu.memref_slice %arg23[%dma_wait3A_1695, %dma_wait3A_1696] : memref<128x128xf32, #tpu.memory_space<vmem>> -> memref<1x128xf32, #tpu.memory_space<vmem>>
    tpu.wait_dma2 semaphore(%arg24 : memref<!tpu.dma_semaphore, #tpu.memory_space<semaphore_mem>>) src(%dma_wait3A_1697 : memref<1x128xf32, #tpu.memory_space<vmem>>) dst(%dma_wait3A_1694 : memref<1x128xf32, #tpu.memory_space<any>>)
    %dma_wait3A_1698 = arith.constant 0 : i32
    %dma_wait3A_1699 = tpu.memref_slice %arg22[%get3A_490, %dma_wait3A_1698] : memref<10000x128xf32, #tpu.memory_space<any>> -> memref<1x128xf32, #tpu.memory_space<any>>
    %dma_wait3A_1700 = arith.constant 94 : i32
    %dma_wait3A_1701 = arith.constant 0 : i32
    %dma_wait3A_1702 = tpu.memref_slice %arg23[%dma_wait3A_1700, %dma_wait3A_1701] : memref<128x128xf32, #tpu.memory_space<vmem>> -> memref<1x128xf32, #tpu.memory_space<vmem>>
    tpu.wait_dma2 semaphore(%arg24 : memref<!tpu.dma_semaphore, #tpu.memory_space<semaphore_mem>>) src(%dma_wait3A_1702 : memref<1x128xf32, #tpu.memory_space<vmem>>) dst(%dma_wait3A_1699 : memref<1x128xf32, #tpu.memory_space<any>>)
    %dma_wait3A_1703 = arith.constant 0 : i32
    %dma_wait3A_1704 = tpu.memref_slice %arg22[%get3A_493, %dma_wait3A_1703] : memref<10000x128xf32, #tpu.memory_space<any>> -> memref<1x128xf32, #tpu.memory_space<any>>
    %dma_wait3A_1705 = arith.constant 95 : i32
    %dma_wait3A_1706 = arith.constant 0 : i32
    %dma_wait3A_1707 = tpu.memref_slice %arg23[%dma_wait3A_1705, %dma_wait3A_1706] : memref<128x128xf32, #tpu.memory_space<vmem>> -> memref<1x128xf32, #tpu.memory_space<vmem>>
    tpu.wait_dma2 semaphore(%arg24 : memref<!tpu.dma_semaphore, #tpu.memory_space<semaphore_mem>>) src(%dma_wait3A_1707 : memref<1x128xf32, #tpu.memory_space<vmem>>) dst(%dma_wait3A_1704 : memref<1x128xf32, #tpu.memory_space<any>>)
    %dma_wait3A_1708 = arith.constant 0 : i32
    %dma_wait3A_1709 = tpu.memref_slice %arg22[%get3A_496, %dma_wait3A_1708] : memref<10000x128xf32, #tpu.memory_space<any>> -> memref<1x128xf32, #tpu.memory_space<any>>
    %dma_wait3A_1710 = arith.constant 96 : i32
    %dma_wait3A_1711 = arith.constant 0 : i32
    %dma_wait3A_1712 = tpu.memref_slice %arg23[%dma_wait3A_1710, %dma_wait3A_1711] : memref<128x128xf32, #tpu.memory_space<vmem>> -> memref<1x128xf32, #tpu.memory_space<vmem>>
    tpu.wait_dma2 semaphore(%arg24 : memref<!tpu.dma_semaphore, #tpu.memory_space<semaphore_mem>>) src(%dma_wait3A_1712 : memref<1x128xf32, #tpu.memory_space<vmem>>) dst(%dma_wait3A_1709 : memref<1x128xf32, #tpu.memory_space<any>>)
    %dma_wait3A_1713 = arith.constant 0 : i32
    %dma_wait3A_1714 = tpu.memref_slice %arg22[%get3A_499, %dma_wait3A_1713] : memref<10000x128xf32, #tpu.memory_space<any>> -> memref<1x128xf32, #tpu.memory_space<any>>
    %dma_wait3A_1715 = arith.constant 97 : i32
    %dma_wait3A_1716 = arith.constant 0 : i32
    %dma_wait3A_1717 = tpu.memref_slice %arg23[%dma_wait3A_1715, %dma_wait3A_1716] : memref<128x128xf32, #tpu.memory_space<vmem>> -> memref<1x128xf32, #tpu.memory_space<vmem>>
    tpu.wait_dma2 semaphore(%arg24 : memref<!tpu.dma_semaphore, #tpu.memory_space<semaphore_mem>>) src(%dma_wait3A_1717 : memref<1x128xf32, #tpu.memory_space<vmem>>) dst(%dma_wait3A_1714 : memref<1x128xf32, #tpu.memory_space<any>>)
    %dma_wait3A_1718 = arith.constant 0 : i32
    %dma_wait3A_1719 = tpu.memref_slice %arg22[%get3A_502, %dma_wait3A_1718] : memref<10000x128xf32, #tpu.memory_space<any>> -> memref<1x128xf32, #tpu.memory_space<any>>
    %dma_wait3A_1720 = arith.constant 98 : i32
    %dma_wait3A_1721 = arith.constant 0 : i32
    %dma_wait3A_1722 = tpu.memref_slice %arg23[%dma_wait3A_1720, %dma_wait3A_1721] : memref<128x128xf32, #tpu.memory_space<vmem>> -> memref<1x128xf32, #tpu.memory_space<vmem>>
    tpu.wait_dma2 semaphore(%arg24 : memref<!tpu.dma_semaphore, #tpu.memory_space<semaphore_mem>>) src(%dma_wait3A_1722 : memref<1x128xf32, #tpu.memory_space<vmem>>) dst(%dma_wait3A_1719 : memref<1x128xf32, #tpu.memory_space<any>>)
    %dma_wait3A_1723 = arith.constant 0 : i32
    %dma_wait3A_1724 = tpu.memref_slice %arg22[%get3A_505, %dma_wait3A_1723] : memref<10000x128xf32, #tpu.memory_space<any>> -> memref<1x128xf32, #tpu.memory_space<any>>
    %dma_wait3A_1725 = arith.constant 99 : i32
    %dma_wait3A_1726 = arith.constant 0 : i32
    %dma_wait3A_1727 = tpu.memref_slice %arg23[%dma_wait3A_1725, %dma_wait3A_1726] : memref<128x128xf32, #tpu.memory_space<vmem>> -> memref<1x128xf32, #tpu.memory_space<vmem>>
    tpu.wait_dma2 semaphore(%arg24 : memref<!tpu.dma_semaphore, #tpu.memory_space<semaphore_mem>>) src(%dma_wait3A_1727 : memref<1x128xf32, #tpu.memory_space<vmem>>) dst(%dma_wait3A_1724 : memref<1x128xf32, #tpu.memory_space<any>>)
    %dma_wait3A_1728 = arith.constant 0 : i32
    %dma_wait3A_1729 = tpu.memref_slice %arg22[%get3A_508, %dma_wait3A_1728] : memref<10000x128xf32, #tpu.memory_space<any>> -> memref<1x128xf32, #tpu.memory_space<any>>
    %dma_wait3A_1730 = arith.constant 100 : i32
    %dma_wait3A_1731 = arith.constant 0 : i32
    %dma_wait3A_1732 = tpu.memref_slice %arg23[%dma_wait3A_1730, %dma_wait3A_1731] : memref<128x128xf32, #tpu.memory_space<vmem>> -> memref<1x128xf32, #tpu.memory_space<vmem>>
    tpu.wait_dma2 semaphore(%arg24 : memref<!tpu.dma_semaphore, #tpu.memory_space<semaphore_mem>>) src(%dma_wait3A_1732 : memref<1x128xf32, #tpu.memory_space<vmem>>) dst(%dma_wait3A_1729 : memref<1x128xf32, #tpu.memory_space<any>>)
    %dma_wait3A_1733 = arith.constant 0 : i32
    %dma_wait3A_1734 = tpu.memref_slice %arg22[%get3A_511, %dma_wait3A_1733] : memref<10000x128xf32, #tpu.memory_space<any>> -> memref<1x128xf32, #tpu.memory_space<any>>
    %dma_wait3A_1735 = arith.constant 101 : i32
    %dma_wait3A_1736 = arith.constant 0 : i32
    %dma_wait3A_1737 = tpu.memref_slice %arg23[%dma_wait3A_1735, %dma_wait3A_1736] : memref<128x128xf32, #tpu.memory_space<vmem>> -> memref<1x128xf32, #tpu.memory_space<vmem>>
    tpu.wait_dma2 semaphore(%arg24 : memref<!tpu.dma_semaphore, #tpu.memory_space<semaphore_mem>>) src(%dma_wait3A_1737 : memref<1x128xf32, #tpu.memory_space<vmem>>) dst(%dma_wait3A_1734 : memref<1x128xf32, #tpu.memory_space<any>>)
    %dma_wait3A_1738 = arith.constant 0 : i32
    %dma_wait3A_1739 = tpu.memref_slice %arg22[%get3A_514, %dma_wait3A_1738] : memref<10000x128xf32, #tpu.memory_space<any>> -> memref<1x128xf32, #tpu.memory_space<any>>
    %dma_wait3A_1740 = arith.constant 102 : i32
    %dma_wait3A_1741 = arith.constant 0 : i32
    %dma_wait3A_1742 = tpu.memref_slice %arg23[%dma_wait3A_1740, %dma_wait3A_1741] : memref<128x128xf32, #tpu.memory_space<vmem>> -> memref<1x128xf32, #tpu.memory_space<vmem>>
    tpu.wait_dma2 semaphore(%arg24 : memref<!tpu.dma_semaphore, #tpu.memory_space<semaphore_mem>>) src(%dma_wait3A_1742 : memref<1x128xf32, #tpu.memory_space<vmem>>) dst(%dma_wait3A_1739 : memref<1x128xf32, #tpu.memory_space<any>>)
    %dma_wait3A_1743 = arith.constant 0 : i32
    %dma_wait3A_1744 = tpu.memref_slice %arg22[%get3A_517, %dma_wait3A_1743] : memref<10000x128xf32, #tpu.memory_space<any>> -> memref<1x128xf32, #tpu.memory_space<any>>
    %dma_wait3A_1745 = arith.constant 103 : i32
    %dma_wait3A_1746 = arith.constant 0 : i32
    %dma_wait3A_1747 = tpu.memref_slice %arg23[%dma_wait3A_1745, %dma_wait3A_1746] : memref<128x128xf32, #tpu.memory_space<vmem>> -> memref<1x128xf32, #tpu.memory_space<vmem>>
    tpu.wait_dma2 semaphore(%arg24 : memref<!tpu.dma_semaphore, #tpu.memory_space<semaphore_mem>>) src(%dma_wait3A_1747 : memref<1x128xf32, #tpu.memory_space<vmem>>) dst(%dma_wait3A_1744 : memref<1x128xf32, #tpu.memory_space<any>>)
    %dma_wait3A_1748 = arith.constant 0 : i32
    %dma_wait3A_1749 = tpu.memref_slice %arg22[%get3A_520, %dma_wait3A_1748] : memref<10000x128xf32, #tpu.memory_space<any>> -> memref<1x128xf32, #tpu.memory_space<any>>
    %dma_wait3A_1750 = arith.constant 104 : i32
    %dma_wait3A_1751 = arith.constant 0 : i32
    %dma_wait3A_1752 = tpu.memref_slice %arg23[%dma_wait3A_1750, %dma_wait3A_1751] : memref<128x128xf32, #tpu.memory_space<vmem>> -> memref<1x128xf32, #tpu.memory_space<vmem>>
    tpu.wait_dma2 semaphore(%arg24 : memref<!tpu.dma_semaphore, #tpu.memory_space<semaphore_mem>>) src(%dma_wait3A_1752 : memref<1x128xf32, #tpu.memory_space<vmem>>) dst(%dma_wait3A_1749 : memref<1x128xf32, #tpu.memory_space<any>>)
    %dma_wait3A_1753 = arith.constant 0 : i32
    %dma_wait3A_1754 = tpu.memref_slice %arg22[%get3A_523, %dma_wait3A_1753] : memref<10000x128xf32, #tpu.memory_space<any>> -> memref<1x128xf32, #tpu.memory_space<any>>
    %dma_wait3A_1755 = arith.constant 105 : i32
    %dma_wait3A_1756 = arith.constant 0 : i32
    %dma_wait3A_1757 = tpu.memref_slice %arg23[%dma_wait3A_1755, %dma_wait3A_1756] : memref<128x128xf32, #tpu.memory_space<vmem>> -> memref<1x128xf32, #tpu.memory_space<vmem>>
    tpu.wait_dma2 semaphore(%arg24 : memref<!tpu.dma_semaphore, #tpu.memory_space<semaphore_mem>>) src(%dma_wait3A_1757 : memref<1x128xf32, #tpu.memory_space<vmem>>) dst(%dma_wait3A_1754 : memref<1x128xf32, #tpu.memory_space<any>>)
    %dma_wait3A_1758 = arith.constant 0 : i32
    %dma_wait3A_1759 = tpu.memref_slice %arg22[%get3A_526, %dma_wait3A_1758] : memref<10000x128xf32, #tpu.memory_space<any>> -> memref<1x128xf32, #tpu.memory_space<any>>
    %dma_wait3A_1760 = arith.constant 106 : i32
    %dma_wait3A_1761 = arith.constant 0 : i32
    %dma_wait3A_1762 = tpu.memref_slice %arg23[%dma_wait3A_1760, %dma_wait3A_1761] : memref<128x128xf32, #tpu.memory_space<vmem>> -> memref<1x128xf32, #tpu.memory_space<vmem>>
    tpu.wait_dma2 semaphore(%arg24 : memref<!tpu.dma_semaphore, #tpu.memory_space<semaphore_mem>>) src(%dma_wait3A_1762 : memref<1x128xf32, #tpu.memory_space<vmem>>) dst(%dma_wait3A_1759 : memref<1x128xf32, #tpu.memory_space<any>>)
    %dma_wait3A_1763 = arith.constant 0 : i32
    %dma_wait3A_1764 = tpu.memref_slice %arg22[%get3A_529, %dma_wait3A_1763] : memref<10000x128xf32, #tpu.memory_space<any>> -> memref<1x128xf32, #tpu.memory_space<any>>
    %dma_wait3A_1765 = arith.constant 107 : i32
    %dma_wait3A_1766 = arith.constant 0 : i32
    %dma_wait3A_1767 = tpu.memref_slice %arg23[%dma_wait3A_1765, %dma_wait3A_1766] : memref<128x128xf32, #tpu.memory_space<vmem>> -> memref<1x128xf32, #tpu.memory_space<vmem>>
    tpu.wait_dma2 semaphore(%arg24 : memref<!tpu.dma_semaphore, #tpu.memory_space<semaphore_mem>>) src(%dma_wait3A_1767 : memref<1x128xf32, #tpu.memory_space<vmem>>) dst(%dma_wait3A_1764 : memref<1x128xf32, #tpu.memory_space<any>>)
    %dma_wait3A_1768 = arith.constant 0 : i32
    %dma_wait3A_1769 = tpu.memref_slice %arg22[%get3A_532, %dma_wait3A_1768] : memref<10000x128xf32, #tpu.memory_space<any>> -> memref<1x128xf32, #tpu.memory_space<any>>
    %dma_wait3A_1770 = arith.constant 108 : i32
    %dma_wait3A_1771 = arith.constant 0 : i32
    %dma_wait3A_1772 = tpu.memref_slice %arg23[%dma_wait3A_1770, %dma_wait3A_1771] : memref<128x128xf32, #tpu.memory_space<vmem>> -> memref<1x128xf32, #tpu.memory_space<vmem>>
    tpu.wait_dma2 semaphore(%arg24 : memref<!tpu.dma_semaphore, #tpu.memory_space<semaphore_mem>>) src(%dma_wait3A_1772 : memref<1x128xf32, #tpu.memory_space<vmem>>) dst(%dma_wait3A_1769 : memref<1x128xf32, #tpu.memory_space<any>>)
    %dma_wait3A_1773 = arith.constant 0 : i32
    %dma_wait3A_1774 = tpu.memref_slice %arg22[%get3A_535, %dma_wait3A_1773] : memref<10000x128xf32, #tpu.memory_space<any>> -> memref<1x128xf32, #tpu.memory_space<any>>
    %dma_wait3A_1775 = arith.constant 109 : i32
    %dma_wait3A_1776 = arith.constant 0 : i32
    %dma_wait3A_1777 = tpu.memref_slice %arg23[%dma_wait3A_1775, %dma_wait3A_1776] : memref<128x128xf32, #tpu.memory_space<vmem>> -> memref<1x128xf32, #tpu.memory_space<vmem>>
    tpu.wait_dma2 semaphore(%arg24 : memref<!tpu.dma_semaphore, #tpu.memory_space<semaphore_mem>>) src(%dma_wait3A_1777 : memref<1x128xf32, #tpu.memory_space<vmem>>) dst(%dma_wait3A_1774 : memref<1x128xf32, #tpu.memory_space<any>>)
    %dma_wait3A_1778 = arith.constant 0 : i32
    %dma_wait3A_1779 = tpu.memref_slice %arg22[%get3A_538, %dma_wait3A_1778] : memref<10000x128xf32, #tpu.memory_space<any>> -> memref<1x128xf32, #tpu.memory_space<any>>
    %dma_wait3A_1780 = arith.constant 110 : i32
    %dma_wait3A_1781 = arith.constant 0 : i32
    %dma_wait3A_1782 = tpu.memref_slice %arg23[%dma_wait3A_1780, %dma_wait3A_1781] : memref<128x128xf32, #tpu.memory_space<vmem>> -> memref<1x128xf32, #tpu.memory_space<vmem>>
    tpu.wait_dma2 semaphore(%arg24 : memref<!tpu.dma_semaphore, #tpu.memory_space<semaphore_mem>>) src(%dma_wait3A_1782 : memref<1x128xf32, #tpu.memory_space<vmem>>) dst(%dma_wait3A_1779 : memref<1x128xf32, #tpu.memory_space<any>>)
    %dma_wait3A_1783 = arith.constant 0 : i32
    %dma_wait3A_1784 = tpu.memref_slice %arg22[%get3A_541, %dma_wait3A_1783] : memref<10000x128xf32, #tpu.memory_space<any>> -> memref<1x128xf32, #tpu.memory_space<any>>
    %dma_wait3A_1785 = arith.constant 111 : i32
    %dma_wait3A_1786 = arith.constant 0 : i32
    %dma_wait3A_1787 = tpu.memref_slice %arg23[%dma_wait3A_1785, %dma_wait3A_1786] : memref<128x128xf32, #tpu.memory_space<vmem>> -> memref<1x128xf32, #tpu.memory_space<vmem>>
    tpu.wait_dma2 semaphore(%arg24 : memref<!tpu.dma_semaphore, #tpu.memory_space<semaphore_mem>>) src(%dma_wait3A_1787 : memref<1x128xf32, #tpu.memory_space<vmem>>) dst(%dma_wait3A_1784 : memref<1x128xf32, #tpu.memory_space<any>>)
    %dma_wait3A_1788 = arith.constant 0 : i32
    %dma_wait3A_1789 = tpu.memref_slice %arg22[%get3A_544, %dma_wait3A_1788] : memref<10000x128xf32, #tpu.memory_space<any>> -> memref<1x128xf32, #tpu.memory_space<any>>
    %dma_wait3A_1790 = arith.constant 112 : i32
    %dma_wait3A_1791 = arith.constant 0 : i32
    %dma_wait3A_1792 = tpu.memref_slice %arg23[%dma_wait3A_1790, %dma_wait3A_1791] : memref<128x128xf32, #tpu.memory_space<vmem>> -> memref<1x128xf32, #tpu.memory_space<vmem>>
    tpu.wait_dma2 semaphore(%arg24 : memref<!tpu.dma_semaphore, #tpu.memory_space<semaphore_mem>>) src(%dma_wait3A_1792 : memref<1x128xf32, #tpu.memory_space<vmem>>) dst(%dma_wait3A_1789 : memref<1x128xf32, #tpu.memory_space<any>>)
    %dma_wait3A_1793 = arith.constant 0 : i32
    %dma_wait3A_1794 = tpu.memref_slice %arg22[%get3A_547, %dma_wait3A_1793] : memref<10000x128xf32, #tpu.memory_space<any>> -> memref<1x128xf32, #tpu.memory_space<any>>
    %dma_wait3A_1795 = arith.constant 113 : i32
    %dma_wait3A_1796 = arith.constant 0 : i32
    %dma_wait3A_1797 = tpu.memref_slice %arg23[%dma_wait3A_1795, %dma_wait3A_1796] : memref<128x128xf32, #tpu.memory_space<vmem>> -> memref<1x128xf32, #tpu.memory_space<vmem>>
    tpu.wait_dma2 semaphore(%arg24 : memref<!tpu.dma_semaphore, #tpu.memory_space<semaphore_mem>>) src(%dma_wait3A_1797 : memref<1x128xf32, #tpu.memory_space<vmem>>) dst(%dma_wait3A_1794 : memref<1x128xf32, #tpu.memory_space<any>>)
    %dma_wait3A_1798 = arith.constant 0 : i32
    %dma_wait3A_1799 = tpu.memref_slice %arg22[%get3A_550, %dma_wait3A_1798] : memref<10000x128xf32, #tpu.memory_space<any>> -> memref<1x128xf32, #tpu.memory_space<any>>
    %dma_wait3A_1800 = arith.constant 114 : i32
    %dma_wait3A_1801 = arith.constant 0 : i32
    %dma_wait3A_1802 = tpu.memref_slice %arg23[%dma_wait3A_1800, %dma_wait3A_1801] : memref<128x128xf32, #tpu.memory_space<vmem>> -> memref<1x128xf32, #tpu.memory_space<vmem>>
    tpu.wait_dma2 semaphore(%arg24 : memref<!tpu.dma_semaphore, #tpu.memory_space<semaphore_mem>>) src(%dma_wait3A_1802 : memref<1x128xf32, #tpu.memory_space<vmem>>) dst(%dma_wait3A_1799 : memref<1x128xf32, #tpu.memory_space<any>>)
    %dma_wait3A_1803 = arith.constant 0 : i32
    %dma_wait3A_1804 = tpu.memref_slice %arg22[%get3A_553, %dma_wait3A_1803] : memref<10000x128xf32, #tpu.memory_space<any>> -> memref<1x128xf32, #tpu.memory_space<any>>
    %dma_wait3A_1805 = arith.constant 115 : i32
    %dma_wait3A_1806 = arith.constant 0 : i32
    %dma_wait3A_1807 = tpu.memref_slice %arg23[%dma_wait3A_1805, %dma_wait3A_1806] : memref<128x128xf32, #tpu.memory_space<vmem>> -> memref<1x128xf32, #tpu.memory_space<vmem>>
    tpu.wait_dma2 semaphore(%arg24 : memref<!tpu.dma_semaphore, #tpu.memory_space<semaphore_mem>>) src(%dma_wait3A_1807 : memref<1x128xf32, #tpu.memory_space<vmem>>) dst(%dma_wait3A_1804 : memref<1x128xf32, #tpu.memory_space<any>>)
    %dma_wait3A_1808 = arith.constant 0 : i32
    %dma_wait3A_1809 = tpu.memref_slice %arg22[%get3A_556, %dma_wait3A_1808] : memref<10000x128xf32, #tpu.memory_space<any>> -> memref<1x128xf32, #tpu.memory_space<any>>
    %dma_wait3A_1810 = arith.constant 116 : i32
    %dma_wait3A_1811 = arith.constant 0 : i32
    %dma_wait3A_1812 = tpu.memref_slice %arg23[%dma_wait3A_1810, %dma_wait3A_1811] : memref<128x128xf32, #tpu.memory_space<vmem>> -> memref<1x128xf32, #tpu.memory_space<vmem>>
    tpu.wait_dma2 semaphore(%arg24 : memref<!tpu.dma_semaphore, #tpu.memory_space<semaphore_mem>>) src(%dma_wait3A_1812 : memref<1x128xf32, #tpu.memory_space<vmem>>) dst(%dma_wait3A_1809 : memref<1x128xf32, #tpu.memory_space<any>>)
    %dma_wait3A_1813 = arith.constant 0 : i32
    %dma_wait3A_1814 = tpu.memref_slice %arg22[%get3A_559, %dma_wait3A_1813] : memref<10000x128xf32, #tpu.memory_space<any>> -> memref<1x128xf32, #tpu.memory_space<any>>
    %dma_wait3A_1815 = arith.constant 117 : i32
    %dma_wait3A_1816 = arith.constant 0 : i32
    %dma_wait3A_1817 = tpu.memref_slice %arg23[%dma_wait3A_1815, %dma_wait3A_1816] : memref<128x128xf32, #tpu.memory_space<vmem>> -> memref<1x128xf32, #tpu.memory_space<vmem>>
    tpu.wait_dma2 semaphore(%arg24 : memref<!tpu.dma_semaphore, #tpu.memory_space<semaphore_mem>>) src(%dma_wait3A_1817 : memref<1x128xf32, #tpu.memory_space<vmem>>) dst(%dma_wait3A_1814 : memref<1x128xf32, #tpu.memory_space<any>>)
    %dma_wait3A_1818 = arith.constant 0 : i32
    %dma_wait3A_1819 = tpu.memref_slice %arg22[%get3A_562, %dma_wait3A_1818] : memref<10000x128xf32, #tpu.memory_space<any>> -> memref<1x128xf32, #tpu.memory_space<any>>
    %dma_wait3A_1820 = arith.constant 118 : i32
    %dma_wait3A_1821 = arith.constant 0 : i32
    %dma_wait3A_1822 = tpu.memref_slice %arg23[%dma_wait3A_1820, %dma_wait3A_1821] : memref<128x128xf32, #tpu.memory_space<vmem>> -> memref<1x128xf32, #tpu.memory_space<vmem>>
    tpu.wait_dma2 semaphore(%arg24 : memref<!tpu.dma_semaphore, #tpu.memory_space<semaphore_mem>>) src(%dma_wait3A_1822 : memref<1x128xf32, #tpu.memory_space<vmem>>) dst(%dma_wait3A_1819 : memref<1x128xf32, #tpu.memory_space<any>>)
    %dma_wait3A_1823 = arith.constant 0 : i32
    %dma_wait3A_1824 = tpu.memref_slice %arg22[%get3A_565, %dma_wait3A_1823] : memref<10000x128xf32, #tpu.memory_space<any>> -> memref<1x128xf32, #tpu.memory_space<any>>
    %dma_wait3A_1825 = arith.constant 119 : i32
    %dma_wait3A_1826 = arith.constant 0 : i32
    %dma_wait3A_1827 = tpu.memref_slice %arg23[%dma_wait3A_1825, %dma_wait3A_1826] : memref<128x128xf32, #tpu.memory_space<vmem>> -> memref<1x128xf32, #tpu.memory_space<vmem>>
    tpu.wait_dma2 semaphore(%arg24 : memref<!tpu.dma_semaphore, #tpu.memory_space<semaphore_mem>>) src(%dma_wait3A_1827 : memref<1x128xf32, #tpu.memory_space<vmem>>) dst(%dma_wait3A_1824 : memref<1x128xf32, #tpu.memory_space<any>>)
    %dma_wait3A_1828 = arith.constant 0 : i32
    %dma_wait3A_1829 = tpu.memref_slice %arg22[%get3A_568, %dma_wait3A_1828] : memref<10000x128xf32, #tpu.memory_space<any>> -> memref<1x128xf32, #tpu.memory_space<any>>
    %dma_wait3A_1830 = arith.constant 120 : i32
    %dma_wait3A_1831 = arith.constant 0 : i32
    %dma_wait3A_1832 = tpu.memref_slice %arg23[%dma_wait3A_1830, %dma_wait3A_1831] : memref<128x128xf32, #tpu.memory_space<vmem>> -> memref<1x128xf32, #tpu.memory_space<vmem>>
    tpu.wait_dma2 semaphore(%arg24 : memref<!tpu.dma_semaphore, #tpu.memory_space<semaphore_mem>>) src(%dma_wait3A_1832 : memref<1x128xf32, #tpu.memory_space<vmem>>) dst(%dma_wait3A_1829 : memref<1x128xf32, #tpu.memory_space<any>>)
    %dma_wait3A_1833 = arith.constant 0 : i32
    %dma_wait3A_1834 = tpu.memref_slice %arg22[%get3A_571, %dma_wait3A_1833] : memref<10000x128xf32, #tpu.memory_space<any>> -> memref<1x128xf32, #tpu.memory_space<any>>
    %dma_wait3A_1835 = arith.constant 121 : i32
    %dma_wait3A_1836 = arith.constant 0 : i32
    %dma_wait3A_1837 = tpu.memref_slice %arg23[%dma_wait3A_1835, %dma_wait3A_1836] : memref<128x128xf32, #tpu.memory_space<vmem>> -> memref<1x128xf32, #tpu.memory_space<vmem>>
    tpu.wait_dma2 semaphore(%arg24 : memref<!tpu.dma_semaphore, #tpu.memory_space<semaphore_mem>>) src(%dma_wait3A_1837 : memref<1x128xf32, #tpu.memory_space<vmem>>) dst(%dma_wait3A_1834 : memref<1x128xf32, #tpu.memory_space<any>>)
    %dma_wait3A_1838 = arith.constant 0 : i32
    %dma_wait3A_1839 = tpu.memref_slice %arg22[%get3A_574, %dma_wait3A_1838] : memref<10000x128xf32, #tpu.memory_space<any>> -> memref<1x128xf32, #tpu.memory_space<any>>
    %dma_wait3A_1840 = arith.constant 122 : i32
    %dma_wait3A_1841 = arith.constant 0 : i32
    %dma_wait3A_1842 = tpu.memref_slice %arg23[%dma_wait3A_1840, %dma_wait3A_1841] : memref<128x128xf32, #tpu.memory_space<vmem>> -> memref<1x128xf32, #tpu.memory_space<vmem>>
    tpu.wait_dma2 semaphore(%arg24 : memref<!tpu.dma_semaphore, #tpu.memory_space<semaphore_mem>>) src(%dma_wait3A_1842 : memref<1x128xf32, #tpu.memory_space<vmem>>) dst(%dma_wait3A_1839 : memref<1x128xf32, #tpu.memory_space<any>>)
    %dma_wait3A_1843 = arith.constant 0 : i32
    %dma_wait3A_1844 = tpu.memref_slice %arg22[%get3A_577, %dma_wait3A_1843] : memref<10000x128xf32, #tpu.memory_space<any>> -> memref<1x128xf32, #tpu.memory_space<any>>
    %dma_wait3A_1845 = arith.constant 123 : i32
    %dma_wait3A_1846 = arith.constant 0 : i32
    %dma_wait3A_1847 = tpu.memref_slice %arg23[%dma_wait3A_1845, %dma_wait3A_1846] : memref<128x128xf32, #tpu.memory_space<vmem>> -> memref<1x128xf32, #tpu.memory_space<vmem>>
    tpu.wait_dma2 semaphore(%arg24 : memref<!tpu.dma_semaphore, #tpu.memory_space<semaphore_mem>>) src(%dma_wait3A_1847 : memref<1x128xf32, #tpu.memory_space<vmem>>) dst(%dma_wait3A_1844 : memref<1x128xf32, #tpu.memory_space<any>>)
    %dma_wait3A_1848 = arith.constant 0 : i32
    %dma_wait3A_1849 = tpu.memref_slice %arg22[%get3A_580, %dma_wait3A_1848] : memref<10000x128xf32, #tpu.memory_space<any>> -> memref<1x128xf32, #tpu.memory_space<any>>
    %dma_wait3A_1850 = arith.constant 124 : i32
    %dma_wait3A_1851 = arith.constant 0 : i32
    %dma_wait3A_1852 = tpu.memref_slice %arg23[%dma_wait3A_1850, %dma_wait3A_1851] : memref<128x128xf32, #tpu.memory_space<vmem>> -> memref<1x128xf32, #tpu.memory_space<vmem>>
    tpu.wait_dma2 semaphore(%arg24 : memref<!tpu.dma_semaphore, #tpu.memory_space<semaphore_mem>>) src(%dma_wait3A_1852 : memref<1x128xf32, #tpu.memory_space<vmem>>) dst(%dma_wait3A_1849 : memref<1x128xf32, #tpu.memory_space<any>>)
    %dma_wait3A_1853 = arith.constant 0 : i32
    %dma_wait3A_1854 = tpu.memref_slice %arg22[%get3A_583, %dma_wait3A_1853] : memref<10000x128xf32, #tpu.memory_space<any>> -> memref<1x128xf32, #tpu.memory_space<any>>
    %dma_wait3A_1855 = arith.constant 125 : i32
    %dma_wait3A_1856 = arith.constant 0 : i32
    %dma_wait3A_1857 = tpu.memref_slice %arg23[%dma_wait3A_1855, %dma_wait3A_1856] : memref<128x128xf32, #tpu.memory_space<vmem>> -> memref<1x128xf32, #tpu.memory_space<vmem>>
    tpu.wait_dma2 semaphore(%arg24 : memref<!tpu.dma_semaphore, #tpu.memory_space<semaphore_mem>>) src(%dma_wait3A_1857 : memref<1x128xf32, #tpu.memory_space<vmem>>) dst(%dma_wait3A_1854 : memref<1x128xf32, #tpu.memory_space<any>>)
    %dma_wait3A_1858 = arith.constant 0 : i32
    %dma_wait3A_1859 = tpu.memref_slice %arg22[%get3A_586, %dma_wait3A_1858] : memref<10000x128xf32, #tpu.memory_space<any>> -> memref<1x128xf32, #tpu.memory_space<any>>
    %dma_wait3A_1860 = arith.constant 126 : i32
    %dma_wait3A_1861 = arith.constant 0 : i32
    %dma_wait3A_1862 = tpu.memref_slice %arg23[%dma_wait3A_1860, %dma_wait3A_1861] : memref<128x128xf32, #tpu.memory_space<vmem>> -> memref<1x128xf32, #tpu.memory_space<vmem>>
    tpu.wait_dma2 semaphore(%arg24 : memref<!tpu.dma_semaphore, #tpu.memory_space<semaphore_mem>>) src(%dma_wait3A_1862 : memref<1x128xf32, #tpu.memory_space<vmem>>) dst(%dma_wait3A_1859 : memref<1x128xf32, #tpu.memory_space<any>>)
    %dma_wait3A_1863 = arith.constant 0 : i32
    %dma_wait3A_1864 = tpu.memref_slice %arg22[%get3A_589, %dma_wait3A_1863] : memref<10000x128xf32, #tpu.memory_space<any>> -> memref<1x128xf32, #tpu.memory_space<any>>
    %dma_wait3A_1865 = arith.constant 127 : i32
    %dma_wait3A_1866 = arith.constant 0 : i32
    %dma_wait3A_1867 = tpu.memref_slice %arg23[%dma_wait3A_1865, %dma_wait3A_1866] : memref<128x128xf32, #tpu.memory_space<vmem>> -> memref<1x128xf32, #tpu.memory_space<vmem>>
    tpu.wait_dma2 semaphore(%arg24 : memref<!tpu.dma_semaphore, #tpu.memory_space<semaphore_mem>>) src(%dma_wait3A_1867 : memref<1x128xf32, #tpu.memory_space<vmem>>) dst(%dma_wait3A_1864 : memref<1x128xf32, #tpu.memory_space<any>>)
    return
  }
}

</mosaic_0001>

<sc_bundles>
// kernel: kernel.4.cloned.1.call-start
scs
__scs_entry_jumppad:
0x0: {  	(pc) =	sbr.rel $0x88, $3  }
0x1: {  	(tag) =	ssettag $0x0;
	lr =	simm.s32 $0x1  }
0x2: {  	[smem:$0x3F90] =	sst lr;
	_ =	strace $0xD0000000  }
0x3: {  	_ = 	snop  }
0x4: {  	_ = 	snop  }
0x5: {  	_ = 	snop  }
0x6: {  	_ = 	snop  }
0x7: {  	_ = 	snop  }
__scs_overlays_trampoline_lowered:
0x8: {  	[smem:$0x3F9F] =	sst s0  }
0x9: {  	[smem:$0x3FA0] =	sst s1  }
0xa: {  	[smem:$0x3FA1] =	sst s2  }
0xb: {  	[smem:$0x3FA2] =	sst s3  }
0xc: {  	[smem:$0x3FA3] =	sst s4  }
0xd: {  	[smem:$0x3FA4] =	sst s5  }
0xe: {  	[smem:$0x3FA5] =	sst s6  }
0xf: {  	[smem:$0x3FA6] =	sst s7  }
0x10: {  	[smem:$0x3FA7] =	sst s8  }
0x11: {  	[smem:$0x3FA8] =	sst s9;
	s0 =	simm.s32 @!p0 $0x0  }
0x12: {  	s1 =	sld [smem:$0x3F8E];
	s0 =	simm.s32 @p0 $0x1  }
0x13: {  	[smem:$0x3FA9] =	sst s0;
	s0 =	simm.s32 @!p1 $0x0  }
0x14: {  	s2 =	sld [smem:$0x3F8D];
	s0 =	simm.s32 @p1 $0x1  }
0x15: {  	[smem:$0x3FAA] =	sst s0;
	s0 =	simm.s32 @!p2 $0x0  }
0x16: {  	s3 =	sld [smem:$0x3FDB];
	s0 =	simm.s32 @p2 $0x1  }
0x17: {  	s4 =	simm.s32 $0x1BF5;
	[smem:$0x3FAC] =	sst s0  }
0x18: {  	s0 =	sld [smem:$0x3F8F];
	_ =	swait.ge [sflag:s4], $0x0  }
0x19: {  	s7 =	sld [smem:$0x3F90]  }
0x1a: {  	s8 =	sadd.s32 $0xFFFFE003, lr  }
0x1b: {  	s9 =	sadd.s32 $0xFFFFFEF7, lr;
	s5 =	simm.s32 $0xFFFFFFFF;
	p2 =	slt.u32 s8, $0xFFFFF086  }
0x1c: {  	p1 =	slt.u32 s9, $0xF7A;
	s5 =	simm.s32 @!p2 $0x0  }
0x1d: {  	s5 =	simm.s32 @p1 $0x1;
	p0 =	seq.s32 s7, s2  }
0x1e: {  	s7 =	smul.u32 @!p0 $0xF7A, s2;
	p2 =	seq.s32 @!p0 s5, $0x0  }
0x1f: {  	s9 =	smul.u32 $0xF7A, s1;
	s8 =	simm.s32 @!p0 $0x1BF5;
	p2 =	por !p2, p0  }
0x20: {  	[sflag:s8] =	ssyncset.s32 @!p0 $0xFFFFF086;
	s6 =	sadd.s32 @!p0 s3, s7;
	s7 =	simm.s32 @!p0 $0x108  }
0x21: {  	s3 =	sadd.s32 s3, s9;
	s6 =	sadd.s32 @!p0 $0x88, s6;
	s7 =	simm.s32 @p2 $0x1082  }
0x22: {  	[simem:s7], [sflag:s8] =	dma.local @!p0 [hbm:s6], $0xF7A  }
0x23: {  	s9 =	sor.u32 $0xD0000000, s2;
	s6 =	simm.s32 $0x108;
	_ =	swait.ge @!p0 [sflag:s8], $0x0  }
0x24: {  	s3 =	sadd.s32 $0x88, s3;
	s6 =	simm.s32 @!p1 $0x1082;
	[sflag:s4] =	ssyncset.s32 $0xFFFFF086  }
0x25: {  	[simem:s6], [sflag:s4] =	dma.local [hbm:s3], $0xF7A  }
0x26: {  	[smem:$0x3F90] =	sst s1;
	(tag) =	ssettag s2;
	_ =	strace s9  }
0x27: {  	s1 =	sld [smem:$0x3FA0]  }
0x28: {  	s2 =	sld [smem:$0x3FA1]  }
0x29: {  	s4 =	sld [smem:$0x3FA3]  }
0x2a: {  	p0 =	seq.s32 s5, $0x0;
	s5 =	sld [smem:$0x3FA4]  }
0x2b: {  	s6 =	sld [smem:$0x3FA5]  }
0x2c: {  	s7 =	sld [smem:$0x3FA6]  }
0x2d: {  	s3 =	simm.s32 $0x108;
	s8 =	sld [smem:$0x3FA7]  }
0x2e: {  	s3 =	simm.s32 @!p0 $0x1082;
	s9 =	sld [smem:$0x3FA8]  }
0x2f: {  	lr =	sadd.s32 s0, s3;
	s0 =	sld [smem:$0x3F9F]  }
0x30: {  	s3 =	sld [smem:$0x3FA2]  }
0x31: {  	[smem:$0x3FAB] =	sst s10  }
0x32: {  	s10 =	sld [smem:$0x3FA9];
	_ =	sdelay $0x3  }
0x33: {  	p0 =	seq.s32 s10, $0x1;
	s10 =	sld [smem:$0x3FAB];
	_ =	sdelay $0x3  }
0x34: {  	[smem:$0x3FAB] =	sst s10  }
0x35: {  	s10 =	sld [smem:$0x3FAA];
	_ =	sdelay $0x3  }
0x36: {  	p1 =	seq.s32 s10, $0x1;
	s10 =	sld [smem:$0x3FAB];
	_ =	sdelay $0x3  }
0x37: {  	[smem:$0x3FAB] =	sst s10  }
0x38: {  	s10 =	sld [smem:$0x3FAC]  }
0x39: {  	_ = 	snop;
	(pc) =	sbr.ind lr, $3  }
0x3a: {  	_ = 	snop  }
0x3b: {  	_ = 	snop  }
0x3c: {  	p2 =	seq.s32 s10, $0x1;
	s10 =	sld [smem:$0x3FAB]  }
0x3d: {  	_ =	shalt  }
0x3e: {  	_ =	shalt  }
0x3f: {  	_ =	shalt  }
0x40: {  	_ =	shalt  }
0x41: {  	_ =	shalt  }
0x42: {  	_ =	shalt  }
0x43: {  	_ =	shalt  }
0x44: {  	_ =	shalt  }
0x45: {  	_ =	shalt  }
0x46: {  	_ =	shalt  }
0x47: {  	_ =	shalt  }
0x48: {  	_ =	shalt  }
0x49: {  	_ =	shalt  }
0x4a: {  	_ =	shalt  }
0x4b: {  	_ =	shalt  }
0x4c: {  	_ =	shalt  }
0x4d: {  	_ =	shalt  }
0x4e: {  	_ =	shalt  }
0x4f: {  	_ =	shalt  }
0x50: {  	_ =	shalt  }
0x51: {  	_ =	shalt  }
0x52: {  	_ =	shalt  }
0x53: {  	_ =	shalt  }
0x54: {  	_ =	shalt  }
0x55: {  	_ =	shalt  }
0x56: {  	_ =	shalt  }
0x57: {  	_ =	shalt  }
0x58: {  	_ =	shalt  }
0x59: {  	_ =	shalt  }
0x5a: {  	_ =	shalt  }
0x5b: {  	_ =	shalt  }
0x5c: {  	_ =	shalt  }
0x5d: {  	_ =	shalt  }
0x5e: {  	_ =	shalt  }
0x5f: {  	_ =	shalt  }
0x60: {  	_ =	shalt  }
0x61: {  	_ =	shalt  }
0x62: {  	_ =	shalt  }
0x63: {  	_ =	shalt  }
0x64: {  	_ =	shalt  }
0x65: {  	_ =	shalt  }
0x66: {  	_ =	shalt  }
0x67: {  	_ =	shalt  }
0x68: {  	_ =	shalt  }
0x69: {  	_ =	shalt  }
0x6a: {  	_ =	shalt  }
0x6b: {  	_ =	shalt  }
0x6c: {  	_ =	shalt  }
0x6d: {  	_ =	shalt  }
0x6e: {  	_ =	shalt  }
0x6f: {  	_ =	shalt  }
0x70: {  	_ =	shalt  }
0x71: {  	_ =	shalt  }
0x72: {  	_ =	shalt  }
0x73: {  	_ =	shalt  }
0x74: {  	_ =	shalt  }
0x75: {  	_ =	shalt  }
0x76: {  	_ =	shalt  }
0x77: {  	_ =	shalt  }
0x78: {  	_ =	shalt  }
0x79: {  	_ =	shalt  }
0x7a: {  	_ =	shalt  }
0x7b: {  	_ =	shalt  }
0x7c: {  	_ =	shalt  }
0x7d: {  	_ =	shalt  }
0x7e: {  	_ =	shalt  }
0x7f: {  	_ =	shalt  }
0x80: {  	_ =	shalt  }
0x81: {  	_ =	shalt  }
0x82: {  	_ =	shalt  }
0x83: {  	_ =	shalt  }
0x84: {  	_ =	shalt  }
0x85: {  	_ =	shalt  }
0x86: {  	_ =	shalt  }
0x87: {  	_ =	shalt  }
.Lfunc_end0:
.L_simem_size_0:
called_computation_lowered:
.L_overlay_start_0:
0x88: {  	s2 =	sld [smem:$0x3FD9]  }
0x89: {  	s3 =	sld [smem:$0x3FFE];
	_ =	sdelay $0x1  }
0x8a: {  	s1 =	srdreg.scid  }
0x8b: {  	s0 =	sand.u32 $0x1, s1  }
0x8c: {  	s17 =	sshll.u32 s0, $0xA;
	s2 =	sadd.s32 s3, s2  }
0x8d: {  	s2 =	sadd.s32 s2, s17  }
0x8e: {  	[smem:$0x3FB7] =	sst s2  }
0x8f: {  	_ = 	snop  }
0x90: {  	s2 =	sld [smem:$0x3FC7]  }
0x91: {  	s18 =	sld [smem:$0x3FC6]  }
0x92: {  	s4 =	sld [smem:$0x3FC5]  }
0x93: {  	s5 =	sld [smem:$0x3FD0];
	(tm) =	ssettm $0x1  }
0x94: {  	s6 =	sld [smem:$0x3FFB];
	_ =	sdelay $0x3  }
0x95: {  	_ =	strace s6  }
0x96: {  	s6 =	sld [smem:$0x3FFC];
	_ =	sdelay $0x3  }
0x97: {  	_ =	strace s6  }
0x98: {  	s6 =	sld [smem:$0x3FFD];
	_ =	sdelay $0x3  }
0x99: {  	_ =	strace s6  }
0x9a: {  	_ =	strace $0x8FFFFFFF  }
0x9b: {  	s19 =	sld [smem:$0x3FDB];
	_ =	sdelay $0x1  }
0x9c: {  	s7 =	simm.s32 $_scs_section_size  }
0x9d: {  	s8 =	simm.s32 $_size__tile_overlayer_lowered;
	s9 =	simm.s32 $_tile_overlayer_lowered  }
0x9e: {  	s22 =	simm.s32 $0x1BFF;
	s21 =	sshll.u32 s9, $0x1;
	s6 =	sadd.s32 s7, s19  }
0x9f: {  	s10 =	simm.s32 $0x0;
	s20 =	sshll.u32 s8, $0x1;
	s8 =	sadd.s32 s21, s6  }
0xa0: {  	[timem:s10], [sflag:s22] =	dma.local [hbm:s8], s20  }
0xa1: {  	_ =	swait.ge [sflag:s22], s20  }
0xa2: {  	s7 =	ssub.s32 $0x0, s20;
	[sflag:s22] =	ssyncset.done $0x0  }
0xa3: {  	[sflag:s22] =	ssyncadd.s32 s7;
	_ =	sdelay $0x1  }
0xa4: {  	s23 =	simm.s32 $0x1B8B  }
0xa5: {  	_ =	swait.ge [sflag:s23], $0x1  }
0xa6: {  	[sflag:s23] =	ssyncset.done $0x0  }
0xa7: {  	s25 =	simm.s32 $0x1B8E;
	s24 =	sld [smem:$0x3FFE];
	[sflag:s23] =	ssyncadd.s32 $0xFFFFFFFF  }
0xa8: {  	s26 =	simm.s32 $execute0_lowered;
	[smem:$0x3FD2] =	sst s25  }
0xa9: {  	s8 =	sshll.u32 s26, $0x1;
	_ =	strace $0x80000046;
	[dreg:$0x1] =	wrdreg $0xFFFFFFFF  }
0xaa: {  	s28 =	simm.s32 $_size_execute0_lowered;
	s6 =	sadd.s32 s6, s8;
	[dreg:$0x0] =	wrdreg $0x0  }
0xab: {  	s8 =	sshll.u32 s28, $0x1;
	[dreg:$0x2] =	wrdreg s6  }
0xac: {  	[dreg:$0x3] =	wrdreg s8  }
0xad: {  	[dreg:$0x4] =	wrdreg $0xC0  }
0xae: {  	_ =	task [dreg:s10], $0x5FFFF  }
0xaf: {  	[dreg:$0x1] =	wrdreg $0xFFFFFFFF  }
0xb0: {  	[dreg:$0x0] =	wrdreg $0x60  }
0xb1: {  	[dreg:$0x2] =	wrdreg s2  }
0xb2: {  	[dreg:$0x3] =	wrdreg s18  }
0xb3: {  	[dreg:$0x4] =	wrdreg s5  }
0xb4: {  	[dreg:$0x5] =	wrdreg s4  }
0xb5: {  	[dreg:$0x6] =	wrdreg s24  }
0xb6: {  	[dreg:$0x7] =	wrdreg $0x9  }
0xb7: {  	_ =	task.clear_ibuf [dreg:s10], $0x8FFFF;
	_ =	strace $0x90000046  }
0xb8: {  	s29 =	simm.s32 $0x9;
	_ =	strace $0x80000048  }
0xb9: {  	_ =	swait.ge [sflag:s29], $0x1  }
0xba: {  	[sflag:s29] =	ssyncadd.s32 $0xFFFFFFFF  }
0xbb: {  	_ =	strace $0x90000048  }
0xbc: {  	_ =	sfence  }
0xbd: {  	s30 =	sld [smem:$0x0];
	_ =	sdelay $0x2  }
0xbe: {  	s31 =	sshll.u32 s1, $0xD;
	s1 =	sshrl.u32 s1, $0x2  }
0xbf: {  	s3 =	sand.u32 $0x4000, s31;
	s1 =	sadd.s32 s1, s30  }
0xc0: {  	s0 =	sor.u32 s3, s0;
	s1 =	sshll.u32 s1, $0x11  }
0xc1: {  	s0 =	sor.u32 s1, s0  }
0xc2: {  	s0 =	sadd.s32 $0x8F2B, s0  }
0xc3: {  	[sflag:s0] =	ssyncadd.remote.s32 $0x1  }
0xc4: {  	_ =	sfence.sel $0xFFFF  }
0xc5: {  	[dreg:$0x0] =	wrdreg $0xFFFFFFFF;
	(pc) =	sbr.abs _section_cstart, $3  }
0xc6: {  	[dreg:$0x1] =	wrdreg $0xFFFFFFFF  }
0xc7: {  	_ =	task.clear_ibuf [dreg:s10], $0x2FFFF;
	_ =	strace $0x9FFFFFFF  }
0xc8: {  	(tm) =	ssettm $0x7FFFFFFF  }
0xc9: {  	_ =	shalt  }
tec
execute0_lowered:
.L_overlay_start_1:
0x0: {  	(tag) =	ssettag $0x1  }
0x1: {  	s12 =	rddreg [dreg:$0x0]  }
0x2: {  	s10 =	rddreg [dreg:$0x1]  }
0x3: {  	s1 =	rddreg [dreg:$0x2]  }
0x4: {  	s2 =	rddreg [dreg:$0x3]  }
0x5: {  	s8 =	rddreg [dreg:$0x4]  }
0x6: {  	s0 =	rddreg [dreg:$0x5];
	s3 =	simm.s32 $0x0;
	s4 =	srdreg.scid  }
0x7: {  	s15 =	simm.s32 $0x1;
	s17 =	simm.s32 $0x80;
	[smem:$0x7FF] =	sst s3  }
0x8: {  	s5 =	sadd.s32 $0x2E00, s8;
	s6 =	sadd.s32 $0x3200, s8;
	s9 =	sand.u32 $0x1, s4  }
0x9: {  	s7 =	sadd.s32 $0x3600, s8;
	s4 =	stileid.u32;
	s8 =	sadd.s32 $0x3A00, s8  }
0xa: {  	_ =	strace $0x80000047;
	s11 =	sshll.u32 s9, $0x4;
	s9 =	ssub.s32 $0x2, s9  }
0xb: {  	s13 =	sand.u32 $0x3, s4;
	s11 =	sor.u32 s4, s11;
	s14 =	sshrl.u32 s9, $0x1  }
0xc: {  	p1 =	sne.s32 s13, $0x0;
	s31 =	sshll.u32 s13, $0x4;
	p0 =	seq.s32 s11, $0x0  }
0xd: {  	s16 =	sshll.u32 s13, $0x1;
	s14 =	ssub.s32 s9, s14;
	p0 =	por !p1, !p0  }
0xe: {  	s11 =	sshrl.u32 s11, $0x2;
	v0 =	vmov s31;
	s9 =	simm.s32 $0x1;
	p0 =	por !p0, !p0  }
.Ltmp0:
0xf: {  	s10 =	sadd.s32 s10, s16;
	v0 =	vmul.u32 $0x2710, v0;
	s15 =	simm.s32 @!p0 $0x0;
	(pc) =	sbr.rel .LBB2_1-.Ltmp0, $4  }
0x10: {  	v1 =	vlaneseq.u32;
	s12 =	sadd.s32 s12, s16;
	s16 =	simm.s32 $0x100;
	s18 =	ssub.s32 s11, s15  }
0x11: {  	v1 =	vmul.u32 $0x2710, v1;
	v0 =	vbroadcast v0, $0x0;
	s11 =	sshll.u32 s13, $0x8;
	s13 =	smax.u32 s14, $0x1;
	s14 =	simm.s32 $0x2  }
0x12: {  	s15 =	simm.s32 $0x10;
	p0 =	sgt.s32 s18, $0x1;
	p1 =	seq.s32 s18, $0x0  }
0x13: {  	p2 =	seq.s32 s18, $0x1;
	v0 =	vadd.s32 v1, v0;
	p3 =	seq.s32 s18, $0x2;
	p4 =	seq.s32 s18, $0x3  }
.LBB2_9:
0x14: {  	[tilespmem:s3], [sflag:$0x2] =	stream.linear.gather [hbm4b:s12+s3], $0x10, $0x38;
	[tilespmem:$0x900] =	vst v63  }
0x15: {  	_ =	swait.ge [sflag:s14], $0x10  }
0x16: {  	[sflag:s14] =	ssyncset.done $0x0  }
0x17: {  	[sflag:s14] =	ssyncadd.s32 $0xFFFFFFF0  }
0x18: {  	v1 =	vld [tilespmem:$0x0];
	_ =	sdelay $0x4  }
0x19: {  	v1 =	vadd.s32 v1, v0  }
0x1a: {  	s18 =	smov.u32 s7;
	[tilespmem:$0x80] =	vst v1  }
0x1b: {  	[tilespmem:s16], [sflag:$0x1] =	stream.indirect.gather [hbm4b:s2+s15], $0x80, s17, s15, $0xb8;
	[tilespmem:$0x900] =	vst v63  }
.LBB2_10:
0x1c: {  	_ =	swait.ge [sflag:s9], $0x800  }
0x1d: {  	[sflag:s9] =	ssyncset.done $0x0  }
0x1e: {  	s18 =	sadd.s32 s18, s11;
	[sflag:s9] =	ssyncadd.s32 $0xFFFFF800  }
0x1f: {  	[hbm4b:s18+s3] =	stream.linear.scatter [tilespmem:s16], [sflag:$0x2], $0x800, $0x38;
	[tilespmem:$0x900] =	vst v63  }
0x20: {  	_ =	swait.ge [sflag:s14], $0x800  }
0x21: {  	[sflag:s14] =	ssyncset.done $0x0  }
0x22: {  	[sflag:s14] =	ssyncadd.s32 $0xFFFFF800  }
.LBB2_11:
0x23: {  	s13 =	sadd.s32 $0xFFFFFFFF, s13  }
0x24: {  	p5 =	sne.s32 s13, $0x0  }
.Ltmp1:
0x25: {  	_ = 	snop;
	(pc) =	sbr.rel @!p5 .LBB2_12-.Ltmp1, $1  }
0x26: {  	_ =	sdelay $0x3  }
.LBB2_1:
.Ltmp2:
0x27: {  	(pc) =	sbr.rel @p0 .LBB2_5-.Ltmp2, $1  }
0x28: {  	_ =	sdelay $0x3  }
.Ltmp3:
0x29: {  	(pc) =	sbr.rel @p1 .LBB2_8-.Ltmp3, $1  }
0x2a: {  	_ =	sdelay $0x3  }
.Ltmp4:
0x2b: {  	(pc) =	sbr.rel @!p2 .LBB2_11-.Ltmp4, $1  }
0x2c: {  	_ =	sdelay $0x3  }
0x2d: {  	[tilespmem:s3], [sflag:$0x2] =	stream.linear.gather [hbm4b:s10+s3], $0x10, $0x38;
	[tilespmem:$0x900] =	vst v63  }
.Ltmp5:
0x2e: {  	_ = 	snop;
	(pc) =	sbr.rel .LBB2_10-.Ltmp5, $4  }
0x2f: {  	_ =	swait.ge [sflag:s14], $0x10  }
0x30: {  	[sflag:s14] =	ssyncset.done $0x0  }
0x31: {  	s18 =	smov.u32 s6;
	[sflag:s14] =	ssyncadd.s32 $0xFFFFFFF0  }
0x32: {  	[tilespmem:s16], [sflag:$0x1] =	stream.indirect.gather [hbm4b:s1+s15], $0x80, s3, s15, $0xb8;
	[tilespmem:$0x900] =	vst v63  }
.LBB2_5:
.Ltmp6:
0x33: {  	(pc) =	sbr.rel @p3 .LBB2_9-.Ltmp6, $1  }
0x34: {  	_ =	sdelay $0x3  }
.Ltmp7:
0x35: {  	(pc) =	sbr.rel @!p4 .LBB2_11-.Ltmp7, $1  }
0x36: {  	_ =	sdelay $0x3  }
0x37: {  	[tilespmem:s3], [sflag:$0x2] =	stream.linear.gather [hbm4b:s10+s3], $0x10, $0x38;
	[tilespmem:$0x900] =	vst v63  }
0x38: {  	_ =	swait.ge [sflag:s14], $0x10  }
0x39: {  	[sflag:s14] =	ssyncset.done $0x0  }
0x3a: {  	[sflag:s14] =	ssyncadd.s32 $0xFFFFFFF0  }
0x3b: {  	v1 =	vld [tilespmem:$0x0];
	_ =	sdelay $0x2  }
.Ltmp8:
0x3c: {  	_ = 	snop;
	(pc) =	sbr.rel .LBB2_10-.Ltmp8, $4  }
0x3d: {  	_ = 	snop  }
0x3e: {  	v1 =	vadd.s32 v1, v0  }
0x3f: {  	s18 =	smov.u32 s8;
	[tilespmem:$0x80] =	vst v1  }
0x40: {  	[tilespmem:s16], [sflag:$0x1] =	stream.indirect.gather [hbm4b:s2+s15], $0x80, s17, s15, $0xb8;
	[tilespmem:$0x900] =	vst v63  }
.LBB2_8:
0x41: {  	[tilespmem:s3], [sflag:$0x2] =	stream.linear.gather [hbm4b:s12+s3], $0x10, $0x38;
	[tilespmem:$0x900] =	vst v63  }
.Ltmp9:
0x42: {  	_ = 	snop;
	(pc) =	sbr.rel .LBB2_10-.Ltmp9, $4  }
0x43: {  	_ =	swait.ge [sflag:s14], $0x10  }
0x44: {  	[sflag:s14] =	ssyncset.done $0x0  }
0x45: {  	s18 =	smov.u32 s5;
	[sflag:s14] =	ssyncadd.s32 $0xFFFFFFF0  }
0x46: {  	[tilespmem:s16], [sflag:$0x1] =	stream.indirect.gather [hbm4b:s1+s15], $0x80, s3, s15, $0xb8;
	[tilespmem:$0x900] =	vst v63  }
.LBB2_12:
0x47: {  	_ =	sfence.sel $0x180000  }
0x48: {  	[bflag:$0x0] =	sbarrier.arrive $0xFFFF  }
0x49: {  	p0 =	sne.s32 s4, $0x0;
	_ =	strace $0x90000047  }
0x4a: {  	s0 =	sadd.s32 @!p0 $0x100000, s0;
	[bflag:$0x2] =	sbarrier.arrive $0xFFFF  }
0x4b: {  	[sflag:s0] =	ssyncadd.tile.s32 @!p0 $0x1;
	_ =	shalt  }
.Lfunc_end2:
_tile_overlayer_lowered:
.L_overlay_start_2:
0x4c: {  	(tag) =	ssettag $0x2  }
0x4d: {  	s0 =	rddreg [dreg:$0x0];
	s2 =	stileid.u32  }
0x4e: {  	s1 =	rddreg [dreg:$0x1];
	p0 =	sne.s32 s2, $0x0  }
0x4f: {  	s3 =	rddreg [dreg:$0x2];
	[bflag:$0x3] =	sbarrier.arrive $0xFFFF;
	s2 =	simm.s32 @!p0 $0x1C02  }
0x50: {  	[timem:s3], [sflag:s2] =	dma.local @!p0 [hbm:s0], s1  }
0x51: {  	s0 =	simm.s32 @!p0 $0x2  }
0x52: {  	_ =	swait.ge @!p0 [sflag:s0], s1  }
0x53: {  	s1 =	ssub.s32 @!p0 $0x0, s1;
	[sflag:s0] =	ssyncset.done @!p0 $0x0  }
0x54: {  	[sflag:s0] =	ssyncadd.s32 @!p0 s1  }
0x55: {  	[bflag:$0x3] =	sbarrier.arrive $0xFFFF  }
0x56: {  	_ =	shalt  }

</sc_bundles>
